<compile_context>
chip_gen: v7x
topology: tpu7x:2x2x1
jax: 0.10.2.dev20260603
libtpu: 0.0.44.dev20260713+nightly
codegen_flags: <defaults>
</compile_context>

<pallas_src>
import functools

import jax
import jax.numpy as jnp
from jax import lax
from jax.experimental import pallas as pl
from jax.experimental.pallas import tpu as pltpu
from jax.experimental.pallas import tpu_sc as plsc

N_NODES = 10000
D_FEAT = 128
N_EDGES = 320000

CHUNK = 128
N_CHUNKS = N_EDGES // CHUNK
NW = 32
CHUNKS_FLOOR = N_CHUNKS // NW
CHUNKS_REM = N_CHUNKS % NW
MAXC = CHUNKS_FLOOR + 1
FLOOR_E = CHUNKS_FLOOR * CHUNK
MAXE = MAXC * CHUNK


NBUF = 4
ROWS_PER_TILE = N_NODES // 16
PACK_CHUNK = 125
NWORD = D_FEAT // 2


def _gae_body(z_hbm, ei_hbm, out_hbm, packed_hbm,
              sidx_v, didx_v,
              srows0, srows1, srows2, srows3,
              drows0, drows1, drows2, drows3, out_v,
              zrow_v, pk_v,
              sem_s0, sem_s1, sem_s2, sem_s3,
              sem_d0, sem_d1, sem_d2, sem_d3, sem_i0, sem_i1):
    cid = lax.axis_index("c")
    sid = lax.axis_index("s")
    wid = sid * 2 + cid
    extra = (wid < CHUNKS_REM).astype(jnp.int32)
    n = CHUNKS_FLOOR + extra
    base_e = (wid * CHUNKS_FLOOR + jnp.minimum(wid, CHUNKS_REM)) * CHUNK

    srows = (srows0, srows1, srows2, srows3)
    drows = (drows0, drows1, drows2, drows3)
    sems = ((sem_s0, sem_d0), (sem_s1, sem_d1),
            (sem_s2, sem_d2), (sem_s3, sem_d3))

    sidx_hbm = ei_hbm.at[0]
    didx_hbm = ei_hbm.at[1]
    cp_i0 = pltpu.async_copy(sidx_hbm.at[pl.ds(base_e, FLOOR_E)],
                             sidx_v.at[pl.ds(0, FLOOR_E)], sem_i0)
    cp_i1 = pltpu.async_copy(didx_hbm.at[pl.ds(base_e, FLOOR_E)],
                             didx_v.at[pl.ds(0, FLOOR_E)], sem_i1)

    tile_row0 = sid * ROWS_PER_TILE

    def pack_chunk(k, _):
        r0 = tile_row0 + k * PACK_CHUNK
        pltpu.sync_copy(z_hbm.at[pl.ds(r0, PACK_CHUNK)], zrow_v)

        @plsc.parallel_loop(0, PACK_CHUNK, unroll=4)
        def pack_row(r):
            for w in range(D_FEAT // 32):
                a = zrow_v[r, pl.ds(w * 32, 16)]
                b = zrow_v[r, pl.ds(w * 32 + 16, 16)]
                pk = plsc.pack(a, b, format=plsc.PackFormat.INTERLEAVED)
                pk_v[r, pl.ds(w * 16, 16)] = plsc.bitcast(pk, jnp.int32)

        pltpu.sync_copy(pk_v, packed_hbm.at[cid].at[pl.ds(r0, PACK_CHUNK)])
        return 0

    lax.fori_loop(0, ROWS_PER_TILE // PACK_CHUNK, pack_chunk, 0)
    plsc.subcore_barrier()

    cp_i0.wait()
    cp_i1.wait()

    @pl.when(extra == 1)
    def _():
        pltpu.sync_copy(sidx_hbm.at[pl.ds(base_e + FLOOR_E, CHUNK)],
                        sidx_v.at[pl.ds(FLOOR_E, CHUNK)])
        pltpu.sync_copy(didx_hbm.at[pl.ds(base_e + FLOOR_E, CHUNK)],
                        didx_v.at[pl.ds(FLOOR_E, CHUNK)])

    zp = packed_hbm.at[cid]

    def issue(i, b):
        pltpu.async_copy(zp.at[sidx_v.at[pl.ds(i * CHUNK, CHUNK)]],
                         srows[b], sems[b][0])
        pltpu.async_copy(zp.at[didx_v.at[pl.ds(i * CHUNK, CHUNK)]],
                         drows[b], sems[b][1])

    def wait(b):
        pltpu.make_async_copy(zp.at[sidx_v.at[pl.ds(0, CHUNK)]],
                              srows[b], sems[b][0]).wait()
        pltpu.make_async_copy(zp.at[didx_v.at[pl.ds(0, CHUNK)]],
                              drows[b], sems[b][1]).wait()

    lane = lax.iota(jnp.int32, 16)

    def compute(i, b):
        sr, dr = srows[b], drows[b]

        @plsc.parallel_loop(0, CHUNK, unroll=8)
        def edge_body(e):
            acc = None
            for c in range(D_FEAT // 32):
                sv = plsc.bitcast(sr[e, pl.ds(c * 16, 16)], jnp.bfloat16)
                dv = plsc.bitcast(dr[e, pl.ds(c * 16, 16)], jnp.bfloat16)
                p0, p1 = plsc.unpack(sv * dv,
                                     format=plsc.PackFormat.INTERLEAVED)
                p = p0 + p1
                acc = p if acc is None else acc + p
            tot = plsc.cumsum(acc)
            plsc.store_compressed(out_v.at[pl.ds(i * CHUNK + e, 16)], tot,
                                  mask=lane == 15)

    for p in range(NBUF - 1):
        @pl.when(p < n)
        def _():
            issue(p, p)

    n_outer = (n + NBUF - 1) // NBUF

    def outer(oi, _):
        for b in range(NBUF):
            i = oi * NBUF + b

            @pl.when(i + NBUF - 1 < n)
            def _():
                issue(i + NBUF - 1, (b + NBUF - 1) % NBUF)

            @pl.when(i < n)
            def _():
                wait(b)
                compute(i, b)
        return 0

    lax.fori_loop(0, n_outer, outer, 0)

    @plsc.parallel_loop(0, FLOOR_E // 16, unroll=8)
    def sig_body(g):
        v = out_v[pl.ds(g * 16, 16)]
        out_v[pl.ds(g * 16, 16)] = 1.0 / (1.0 + jnp.exp(-v))

    @pl.when(extra == 1)
    def _():
        @plsc.parallel_loop(FLOOR_E // 16, MAXE // 16, unroll=8)
        def sig_tail(g):
            v = out_v[pl.ds(g * 16, 16)]
            out_v[pl.ds(g * 16, 16)] = 1.0 / (1.0 + jnp.exp(-v))

    pltpu.sync_copy(out_v.at[pl.ds(0, FLOOR_E)],
                    out_hbm.at[pl.ds(base_e, FLOOR_E)])

    @pl.when(extra == 1)
    def _():
        pltpu.sync_copy(out_v.at[pl.ds(FLOOR_E, CHUNK)],
                        out_hbm.at[pl.ds(base_e + FLOOR_E, CHUNK)])


@jax.jit
def _gae_sc(z, edge_index):
    mesh = plsc.VectorSubcoreMesh(core_axis_name="c", subcore_axis_name="s")
    kfn = functools.partial(
        pl.kernel,
        mesh=mesh,
        out_type=(jax.ShapeDtypeStruct((N_EDGES,), jnp.float32),
                  jax.ShapeDtypeStruct((2, N_NODES, NWORD), jnp.int32)),
        compiler_params=pltpu.CompilerParams(needs_layout_passes=False,
                                             use_tc_tiling_on_sc=False),
        scratch_types=[
            pltpu.VMEM((MAXE,), jnp.int32),
            pltpu.VMEM((MAXE,), jnp.int32),
        ] + [pltpu.VMEM((CHUNK, NWORD), jnp.int32)] * (2 * NBUF)
          + [pltpu.VMEM((MAXE + 16,), jnp.float32)]
          + [pltpu.VMEM((PACK_CHUNK, D_FEAT), jnp.float32),
             pltpu.VMEM((PACK_CHUNK, NWORD), jnp.int32)]
          + [pltpu.SemaphoreType.DMA] * (2 * NBUF + 2),
    )(_gae_body)
    return kfn(z, edge_index)[0]


def kernel(z, edge_index):
    return _gae_sc(z, edge_index.astype(jnp.int32))

# --- scband reference (transcript-rebuilt; emitter-appended) ---
"""Pipeline reference for scband-gae-7361573945540 (READ-ONLY COPY).

The authoritative reference and input builder live on the scoring server;
editing this copy changes nothing except your own understanding.
"""

import jax, jax.numpy as jnp
import numpy as np

N_NODES = 10000
D_FEAT = 128
N_EDGES = 320000

def setup_inputs(seed: int = 0) -> dict:
    key = jax.random.key(seed)
    k_z, k_e = jax.random.split(key, 2)
    z = jax.random.normal(k_z, (N_NODES, D_FEAT), dtype=jnp.float32)
    edge_index = jax.random.randint(k_e, (2, N_EDGES), 0, N_NODES, dtype=jnp.int64)
    return {"z": z, "edge_index": edge_index}

def reference(z, edge_index):
    # GAE with default InnerProductDecoder: decode(z, edge_index, sigmoid=True)
    # value = (z[edge_index[0]] * z[edge_index[1]]).sum(dim=1); sigmoid(value)
    src = jnp.take(z, edge_index[0], axis=0)
    dst = jnp.take(z, edge_index[1], axis=0)
    value = jnp.sum(src * dst, axis=1)
    return jax.nn.sigmoid(value)

if __name__ == "__main__":
    import jax
    _d = setup_inputs()
    print(jax.jit(kernel)(*tuple(_d.values())))

</pallas_src>

<mosaic_0001>
#map = affine_map<(d0, d1) -> (0, 0)>
#map1 = affine_map<(d0, d1) -> (0)>
#map2 = affine_map<(d0, d1) -> (0, 0, 0)>
module attributes {stable_mosaic.version = 14 : i64} {
  func.func @_gae_body(%arg0: i32, %arg1: i32, %arg2: memref<10000x128xf32, #tpu.memory_space<hbm>>, %arg3: memref<2x320000xi32, #tpu.memory_space<hbm>>, %arg4: memref<320000xf32, #tpu.memory_space<hbm>>, %arg5: memref<2x10000x64xi32, #tpu.memory_space<hbm>>, %arg6: memref<10112xi32, #tpu.memory_space<vmem>>, %arg7: memref<10112xi32, #tpu.memory_space<vmem>>, %arg8: memref<128x64xi32, #tpu.memory_space<vmem>>, %arg9: memref<128x64xi32, #tpu.memory_space<vmem>>, %arg10: memref<128x64xi32, #tpu.memory_space<vmem>>, %arg11: memref<128x64xi32, #tpu.memory_space<vmem>>, %arg12: memref<128x64xi32, #tpu.memory_space<vmem>>, %arg13: memref<128x64xi32, #tpu.memory_space<vmem>>, %arg14: memref<128x64xi32, #tpu.memory_space<vmem>>, %arg15: memref<128x64xi32, #tpu.memory_space<vmem>>, %arg16: memref<10128xf32, #tpu.memory_space<vmem>>, %arg17: memref<125x128xf32, #tpu.memory_space<vmem>>, %arg18: memref<125x64xi32, #tpu.memory_space<vmem>>, %arg19: memref<!tpu.dma_semaphore, #tpu.memory_space<semaphore_mem>>, %arg20: memref<!tpu.dma_semaphore, #tpu.memory_space<semaphore_mem>>, %arg21: memref<!tpu.dma_semaphore, #tpu.memory_space<semaphore_mem>>, %arg22: memref<!tpu.dma_semaphore, #tpu.memory_space<semaphore_mem>>, %arg23: memref<!tpu.dma_semaphore, #tpu.memory_space<semaphore_mem>>, %arg24: memref<!tpu.dma_semaphore, #tpu.memory_space<semaphore_mem>>, %arg25: memref<!tpu.dma_semaphore, #tpu.memory_space<semaphore_mem>>, %arg26: memref<!tpu.dma_semaphore, #tpu.memory_space<semaphore_mem>>, %arg27: memref<!tpu.dma_semaphore, #tpu.memory_space<semaphore_mem>>, %arg28: memref<!tpu.dma_semaphore, #tpu.memory_space<semaphore_mem>>) attributes {dimension_semantics = [#tpu.dimension_semantics<core_parallel>, #tpu.dimension_semantics<subcore_parallel>], iteration_bounds = array<i64: 2, 16>, scalar_prefetch = 0 : i64, scratch_operands = 23 : i64, tpu.core_type = #tpu.core_type<sc_vector_subcore>, window_params = [{transform_indices = #map}, {transform_indices = #map}, {transform_indices = #map1}, {transform_indices = #map2}]} {
    %mul3A = arith.constant 2 : i32
    %mul3A_0 = arith.muli %arg1, %mul3A : i32
    %add3A = arith.addi %mul3A_0, %arg0 : i32
    %lt3A = arith.constant 4 : i32
    %lt3A_1 = arith.cmpi slt, %add3A, %lt3A : i32
    %convert_element_type3A = arith.extui %lt3A_1 : i1 to i32
    %add3A_2 = arith.constant 78 : i32
    %add3A_3 = arith.addi %add3A_2, %convert_element_type3A : i32
    %mul3A_4 = arith.constant 78 : i32
    %mul3A_5 = arith.muli %add3A, %mul3A_4 : i32
    %min3A = arith.constant 4 : i32
    %min3A_6 = arith.minsi %add3A, %min3A : i32
    %add3A_7 = arith.addi %mul3A_5, %min3A_6 : i32
    %mul3A_8 = arith.constant 128 : i32
    %mul3A_9 = arith.muli %add3A_7, %mul3A_8 : i32
    %dma_start3A = arith.constant 0 : i32
    %dma_start3A_10 = arith.constant 0 : i32
    %dma_start3A_11 = tpu.memref_slice %arg6[%dma_start3A_10] : memref<10112xi32, #tpu.memory_space<vmem>> -> memref<9984xi32, #tpu.memory_space<vmem>>
    %dma_start3A_12 = arith.constant 0 : i32
    %dma_start3A_13 = tpu.memref_slice %arg3[%dma_start3A, %dma_start3A_12] : memref<2x320000xi32, #tpu.memory_space<hbm>> -> memref<1x320000xi32, #tpu.memory_space<hbm>>
    %dma_start3A_14 = tpu.memref_squeeze %dma_start3A_13 : memref<1x320000xi32, #tpu.memory_space<hbm>> -> memref<320000xi32, #tpu.memory_space<hbm>>
    %dma_start3A_15 = tpu.memref_slice %dma_start3A_14[%mul3A_9] : memref<320000xi32, #tpu.memory_space<hbm>> -> memref<9984xi32, #tpu.memory_space<hbm>>
    %dma_start3A_16 = arith.constant 0 : i32
    %dma_start3A_17 = tpu.memref_slice %arg6[%dma_start3A_16] : memref<10112xi32, #tpu.memory_space<vmem>> -> memref<9984xi32, #tpu.memory_space<vmem>>
    %dma_start3A_18 = arith.constant 0 : i32
    %dma_start3A_19 = tpu.memref_slice %arg3[%dma_start3A, %dma_start3A_18] : memref<2x320000xi32, #tpu.memory_space<hbm>> -> memref<1x320000xi32, #tpu.memory_space<hbm>>
    %dma_start3A_20 = tpu.memref_squeeze %dma_start3A_19 : memref<1x320000xi32, #tpu.memory_space<hbm>> -> memref<320000xi32, #tpu.memory_space<hbm>>
    %dma_start3A_21 = tpu.memref_slice %dma_start3A_20[%mul3A_9] : memref<320000xi32, #tpu.memory_space<hbm>> -> memref<9984xi32, #tpu.memory_space<hbm>>
    tpu.enqueue_dma source(%dma_start3A_21 : memref<9984xi32, #tpu.memory_space<hbm>>) target(%dma_start3A_17 : memref<9984xi32, #tpu.memory_space<vmem>>) target_semaphore(%arg27 : memref<!tpu.dma_semaphore, #tpu.memory_space<semaphore_mem>>)
    %dma_start3A_22 = arith.constant 1 : i32
    %dma_start3A_23 = arith.constant 0 : i32
    %dma_start3A_24 = tpu.memref_slice %arg7[%dma_start3A_23] : memref<10112xi32, #tpu.memory_space<vmem>> -> memref<9984xi32, #tpu.memory_space<vmem>>
    %dma_start3A_25 = arith.constant 0 : i32
    %dma_start3A_26 = tpu.memref_slice %arg3[%dma_start3A_22, %dma_start3A_25] : memref<2x320000xi32, #tpu.memory_space<hbm>> -> memref<1x320000xi32, #tpu.memory_space<hbm>>
    %dma_start3A_27 = tpu.memref_squeeze %dma_start3A_26 : memref<1x320000xi32, #tpu.memory_space<hbm>> -> memref<320000xi32, #tpu.memory_space<hbm>>
    %dma_start3A_28 = tpu.memref_slice %dma_start3A_27[%mul3A_9] : memref<320000xi32, #tpu.memory_space<hbm>> -> memref<9984xi32, #tpu.memory_space<hbm>>
    %dma_start3A_29 = arith.constant 0 : i32
    %dma_start3A_30 = tpu.memref_slice %arg7[%dma_start3A_29] : memref<10112xi32, #tpu.memory_space<vmem>> -> memref<9984xi32, #tpu.memory_space<vmem>>
    %dma_start3A_31 = arith.constant 0 : i32
    %dma_start3A_32 = tpu.memref_slice %arg3[%dma_start3A_22, %dma_start3A_31] : memref<2x320000xi32, #tpu.memory_space<hbm>> -> memref<1x320000xi32, #tpu.memory_space<hbm>>
    %dma_start3A_33 = tpu.memref_squeeze %dma_start3A_32 : memref<1x320000xi32, #tpu.memory_space<hbm>> -> memref<320000xi32, #tpu.memory_space<hbm>>
    %dma_start3A_34 = tpu.memref_slice %dma_start3A_33[%mul3A_9] : memref<320000xi32, #tpu.memory_space<hbm>> -> memref<9984xi32, #tpu.memory_space<hbm>>
    tpu.enqueue_dma source(%dma_start3A_34 : memref<9984xi32, #tpu.memory_space<hbm>>) target(%dma_start3A_30 : memref<9984xi32, #tpu.memory_space<vmem>>) target_semaphore(%arg28 : memref<!tpu.dma_semaphore, #tpu.memory_space<semaphore_mem>>)
    %mul3A_35 = arith.constant 625 : i32
    %mul3A_36 = arith.muli %arg1, %mul3A_35 : i32
    %scan3A = arith.constant 0 : i32
    %scan3A_37 = arith.constant 0 : i32
    %scan3A_38 = arith.constant 5 : i32
    %scan3A_39 = arith.addi %scan3A_37, %scan3A_38 : i32
    %scan3A_40 = arith.constant 1 : i32
    %scan3A_41 = scf.for %scan3A_130 = %scan3A_37 to %scan3A_39 step %scan3A_40 iter_args(%scan3A_131 = %scan3A) -> (i32)  : i32 {
      %mul3A_132 = arith.constant 125 : i32
      %mul3A_133 = arith.muli %scan3A_130, %mul3A_132 : i32
      %add3A_134 = arith.addi %mul3A_36, %mul3A_133 : i32
      "tpu.region"() ({
        %run_scoped3A = tpu.sem_alloc : memref<!tpu.dma_semaphore, #tpu.memory_space<semaphore_mem>>
        %dma_start3A_139 = arith.constant 0 : i32
        %dma_start3A_140 = tpu.memref_slice %arg2[%add3A_134, %dma_start3A_139] : memref<10000x128xf32, #tpu.memory_space<hbm>> -> memref<125x128xf32, #tpu.memory_space<hbm>>
        %dma_start3A_141 = arith.constant 0 : i32
        %dma_start3A_142 = tpu.memref_slice %arg2[%add3A_134, %dma_start3A_141] : memref<10000x128xf32, #tpu.memory_space<hbm>> -> memref<125x128xf32, #tpu.memory_space<hbm>>
        tpu.enqueue_dma source(%dma_start3A_142 : memref<125x128xf32, #tpu.memory_space<hbm>>) target(%arg17 : memref<125x128xf32, #tpu.memory_space<vmem>>) target_semaphore(%run_scoped3A : memref<!tpu.dma_semaphore, #tpu.memory_space<semaphore_mem>>)
        %dma_wait3A_143 = arith.constant 0 : i32
        %dma_wait3A_144 = tpu.memref_slice %arg2[%add3A_134, %dma_wait3A_143] : memref<10000x128xf32, #tpu.memory_space<hbm>> -> memref<125x128xf32, #tpu.memory_space<hbm>>
        %dma_wait3A_145 = arith.constant 0 : i32
        %dma_wait3A_146 = tpu.memref_slice %arg2[%add3A_134, %dma_wait3A_145] : memref<10000x128xf32, #tpu.memory_space<hbm>> -> memref<125x128xf32, #tpu.memory_space<hbm>>
        tpu.wait_dma2 semaphore(%run_scoped3A : memref<!tpu.dma_semaphore, #tpu.memory_space<semaphore_mem>>) src(%dma_wait3A_146 : memref<125x128xf32, #tpu.memory_space<hbm>>) dst(%arg17 : memref<125x128xf32, #tpu.memory_space<vmem>>)
        tpu.yield
      }) : () -> ()
      %parallel_loop3A_135 = arith.constant 0 : i32
      %parallel_loop3A_136 = arith.constant 125 : i32
      %parallel_loop3A_137 = arith.constant 1 : i32
      scf.for %parallel_loop3A_139 = %parallel_loop3A_135 to %parallel_loop3A_136 step %parallel_loop3A_137  : i32 {
        %parallel_loop3A_140 = arith.index_cast %parallel_loop3A_139 : i32 to index
        %parallel_loop3A_141 = arith.constant 0 : index
        %parallel_loop3A_142 = tpu.vector_load %arg17[%parallel_loop3A_140, %parallel_loop3A_141] {strides = array<i32>} : memref<125x128xf32, #tpu.memory_space<vmem>>, vector<16xf32>,
        %parallel_loop3A_143 = arith.index_cast %parallel_loop3A_139 : i32 to index
        %parallel_loop3A_144 = arith.constant 16 : index
        %parallel_loop3A_145 = tpu.vector_load %arg17[%parallel_loop3A_143, %parallel_loop3A_144] {strides = array<i32>} : memref<125x128xf32, #tpu.memory_space<vmem>>, vector<16xf32>,
        %parallel_loop3A_146 = tpu.pack_subelements %parallel_loop3A_142, %parallel_loop3A_145 {pack_format = #tpu.pack_format<interleaved>, positions = array<i32: 0, 1>} : vector<16xf32>, vector<16xf32> -> vector<32xbf16>
        %parallel_loop3A_147 = vector.bitcast %parallel_loop3A_146 : vector<32xbf16> to vector<16xi32>
        %parallel_loop3A_148 = arith.index_cast %parallel_loop3A_139 : i32 to index
        %parallel_loop3A_149 = arith.constant 0 : index
        %parallel_loop3A_150 = tpu.vector_load %arg18[%parallel_loop3A_148, %parallel_loop3A_149] {strides = array<i32>} : memref<125x64xi32, #tpu.memory_space<vmem>>, vector<16xi32>,
        tpu.vector_store %arg18[%parallel_loop3A_148, %parallel_loop3A_149], %parallel_loop3A_147 {strides = array<i32>} : memref<125x64xi32, #tpu.memory_space<vmem>>, vector<16xi32>,
        %parallel_loop3A_151 = arith.index_cast %parallel_loop3A_139 : i32 to index
        %parallel_loop3A_152 = arith.constant 32 : index
        %parallel_loop3A_153 = tpu.vector_load %arg17[%parallel_loop3A_151, %parallel_loop3A_152] {strides = array<i32>} : memref<125x128xf32, #tpu.memory_space<vmem>>, vector<16xf32>,
        %parallel_loop3A_154 = arith.index_cast %parallel_loop3A_139 : i32 to index
        %parallel_loop3A_155 = arith.constant 48 : index
        %parallel_loop3A_156 = tpu.vector_load %arg17[%parallel_loop3A_154, %parallel_loop3A_155] {strides = array<i32>} : memref<125x128xf32, #tpu.memory_space<vmem>>, vector<16xf32>,
        %parallel_loop3A_157 = tpu.pack_subelements %parallel_loop3A_153, %parallel_loop3A_156 {pack_format = #tpu.pack_format<interleaved>, positions = array<i32: 0, 1>} : vector<16xf32>, vector<16xf32> -> vector<32xbf16>
        %parallel_loop3A_158 = vector.bitcast %parallel_loop3A_157 : vector<32xbf16> to vector<16xi32>
        %parallel_loop3A_159 = arith.index_cast %parallel_loop3A_139 : i32 to index
        %parallel_loop3A_160 = arith.constant 16 : index
        %parallel_loop3A_161 = tpu.vector_load %arg18[%parallel_loop3A_159, %parallel_loop3A_160] {strides = array<i32>} : memref<125x64xi32, #tpu.memory_space<vmem>>, vector<16xi32>,
        tpu.vector_store %arg18[%parallel_loop3A_159, %parallel_loop3A_160], %parallel_loop3A_158 {strides = array<i32>} : memref<125x64xi32, #tpu.memory_space<vmem>>, vector<16xi32>,
        %parallel_loop3A_162 = arith.index_cast %parallel_loop3A_139 : i32 to index
        %parallel_loop3A_163 = arith.constant 64 : index
        %parallel_loop3A_164 = tpu.vector_load %arg17[%parallel_loop3A_162, %parallel_loop3A_163] {strides = array<i32>} : memref<125x128xf32, #tpu.memory_space<vmem>>, vector<16xf32>,
        %parallel_loop3A_165 = arith.index_cast %parallel_loop3A_139 : i32 to index
        %parallel_loop3A_166 = arith.constant 80 : index
        %parallel_loop3A_167 = tpu.vector_load %arg17[%parallel_loop3A_165, %parallel_loop3A_166] {strides = array<i32>} : memref<125x128xf32, #tpu.memory_space<vmem>>, vector<16xf32>,
        %parallel_loop3A_168 = tpu.pack_subelements %parallel_loop3A_164, %parallel_loop3A_167 {pack_format = #tpu.pack_format<interleaved>, positions = array<i32: 0, 1>} : vector<16xf32>, vector<16xf32> -> vector<32xbf16>
        %parallel_loop3A_169 = vector.bitcast %parallel_loop3A_168 : vector<32xbf16> to vector<16xi32>
        %parallel_loop3A_170 = arith.index_cast %parallel_loop3A_139 : i32 to index
        %parallel_loop3A_171 = arith.constant 32 : index
        %parallel_loop3A_172 = tpu.vector_load %arg18[%parallel_loop3A_170, %parallel_loop3A_171] {strides = array<i32>} : memref<125x64xi32, #tpu.memory_space<vmem>>, vector<16xi32>,
        tpu.vector_store %arg18[%parallel_loop3A_170, %parallel_loop3A_171], %parallel_loop3A_169 {strides = array<i32>} : memref<125x64xi32, #tpu.memory_space<vmem>>, vector<16xi32>,
        %parallel_loop3A_173 = arith.index_cast %parallel_loop3A_139 : i32 to index
        %parallel_loop3A_174 = arith.constant 96 : index
        %parallel_loop3A_175 = tpu.vector_load %arg17[%parallel_loop3A_173, %parallel_loop3A_174] {strides = array<i32>} : memref<125x128xf32, #tpu.memory_space<vmem>>, vector<16xf32>,
        %parallel_loop3A_176 = arith.index_cast %parallel_loop3A_139 : i32 to index
        %parallel_loop3A_177 = arith.constant 112 : index
        %parallel_loop3A_178 = tpu.vector_load %arg17[%parallel_loop3A_176, %parallel_loop3A_177] {strides = array<i32>} : memref<125x128xf32, #tpu.memory_space<vmem>>, vector<16xf32>,
        %parallel_loop3A_179 = tpu.pack_subelements %parallel_loop3A_175, %parallel_loop3A_178 {pack_format = #tpu.pack_format<interleaved>, positions = array<i32: 0, 1>} : vector<16xf32>, vector<16xf32> -> vector<32xbf16>
        %parallel_loop3A_180 = vector.bitcast %parallel_loop3A_179 : vector<32xbf16> to vector<16xi32>
        %parallel_loop3A_181 = arith.index_cast %parallel_loop3A_139 : i32 to index
        %parallel_loop3A_182 = arith.constant 48 : index
        %parallel_loop3A_183 = tpu.vector_load %arg18[%parallel_loop3A_181, %parallel_loop3A_182] {strides = array<i32>} : memref<125x64xi32, #tpu.memory_space<vmem>>, vector<16xi32>,
        tpu.vector_store %arg18[%parallel_loop3A_181, %parallel_loop3A_182], %parallel_loop3A_180 {strides = array<i32>} : memref<125x64xi32, #tpu.memory_space<vmem>>, vector<16xi32>,
      } {sc.loop_unroll_factor = 4 : i64, sc.parallel_access}
      "tpu.region"() ({
        %run_scoped3A = tpu.sem_alloc : memref<!tpu.dma_semaphore, #tpu.memory_space<semaphore_mem>>
        %dma_start3A_139 = arith.constant 0 : i32
        %dma_start3A_140 = arith.constant 0 : i32
        %dma_start3A_141 = tpu.memref_slice %arg5[%arg0, %dma_start3A_139, %dma_start3A_140] : memref<2x10000x64xi32, #tpu.memory_space<hbm>> -> memref<1x10000x64xi32, #tpu.memory_space<hbm>>
        %dma_start3A_142 = tpu.memref_squeeze %dma_start3A_141 : memref<1x10000x64xi32, #tpu.memory_space<hbm>> -> memref<10000x64xi32, #tpu.memory_space<hbm>>
        %dma_start3A_143 = arith.constant 0 : i32
        %dma_start3A_144 = tpu.memref_slice %dma_start3A_142[%add3A_134, %dma_start3A_143] : memref<10000x64xi32, #tpu.memory_space<hbm>> -> memref<125x64xi32, #tpu.memory_space<hbm>>
        %dma_start3A_145 = arith.constant 0 : i32
        %dma_start3A_146 = arith.constant 0 : i32
        %dma_start3A_147 = tpu.memref_slice %arg5[%arg0, %dma_start3A_145, %dma_start3A_146] : memref<2x10000x64xi32, #tpu.memory_space<hbm>> -> memref<1x10000x64xi32, #tpu.memory_space<hbm>>
        %dma_start3A_148 = tpu.memref_squeeze %dma_start3A_147 : memref<1x10000x64xi32, #tpu.memory_space<hbm>> -> memref<10000x64xi32, #tpu.memory_space<hbm>>
        %dma_start3A_149 = arith.constant 0 : i32
        %dma_start3A_150 = tpu.memref_slice %dma_start3A_148[%add3A_134, %dma_start3A_149] : memref<10000x64xi32, #tpu.memory_space<hbm>> -> memref<125x64xi32, #tpu.memory_space<hbm>>
        tpu.enqueue_dma source(%arg18 : memref<125x64xi32, #tpu.memory_space<vmem>>) target(%dma_start3A_150 : memref<125x64xi32, #tpu.memory_space<hbm>>) target_semaphore(%run_scoped3A : memref<!tpu.dma_semaphore, #tpu.memory_space<semaphore_mem>>)
        %dma_wait3A_151 = arith.constant 0 : i32
        %dma_wait3A_152 = arith.constant 0 : i32
        %dma_wait3A_153 = tpu.memref_slice %arg5[%arg0, %dma_wait3A_151, %dma_wait3A_152] : memref<2x10000x64xi32, #tpu.memory_space<hbm>> -> memref<1x10000x64xi32, #tpu.memory_space<hbm>>
        %dma_wait3A_154 = tpu.memref_squeeze %dma_wait3A_153 : memref<1x10000x64xi32, #tpu.memory_space<hbm>> -> memref<10000x64xi32, #tpu.memory_space<hbm>>
        %dma_wait3A_155 = arith.constant 0 : i32
        %dma_wait3A_156 = tpu.memref_slice %dma_wait3A_154[%add3A_134, %dma_wait3A_155] : memref<10000x64xi32, #tpu.memory_space<hbm>> -> memref<125x64xi32, #tpu.memory_space<hbm>>
        %dma_wait3A_157 = arith.constant 0 : i32
        %dma_wait3A_158 = arith.constant 0 : i32
        %dma_wait3A_159 = tpu.memref_slice %arg5[%arg0, %dma_wait3A_157, %dma_wait3A_158] : memref<2x10000x64xi32, #tpu.memory_space<hbm>> -> memref<1x10000x64xi32, #tpu.memory_space<hbm>>
        %dma_wait3A_160 = tpu.memref_squeeze %dma_wait3A_159 : memref<1x10000x64xi32, #tpu.memory_space<hbm>> -> memref<10000x64xi32, #tpu.memory_space<hbm>>
        %dma_wait3A_161 = arith.constant 0 : i32
        %dma_wait3A_162 = tpu.memref_slice %dma_wait3A_160[%add3A_134, %dma_wait3A_161] : memref<10000x64xi32, #tpu.memory_space<hbm>> -> memref<125x64xi32, #tpu.memory_space<hbm>>
        tpu.wait_dma2 semaphore(%run_scoped3A : memref<!tpu.dma_semaphore, #tpu.memory_space<semaphore_mem>>) src(%arg18 : memref<125x64xi32, #tpu.memory_space<vmem>>) dst(%dma_wait3A_162 : memref<125x64xi32, #tpu.memory_space<hbm>>)
        tpu.yield
      }) : () -> ()
      %scan3A_138 = arith.constant 0 : i32
      scf.yield %scan3A_138 : i32
    }
    %scan3A_42 = arith.constant 5 : i32
    %barrier3A = arith.constant 0 : index
    tpu.barrier barrier_id(%barrier3A)
    %dma_wait3A = arith.constant 0 : i32
    %dma_wait3A_43 = arith.constant 0 : i32
    %dma_wait3A_44 = tpu.memref_slice %arg6[%dma_wait3A_43] : memref<10112xi32, #tpu.memory_space<vmem>> -> memref<9984xi32, #tpu.memory_space<vmem>>
    %dma_wait3A_45 = arith.constant 0 : i32
    %dma_wait3A_46 = tpu.memref_slice %arg3[%dma_wait3A, %dma_wait3A_45] : memref<2x320000xi32, #tpu.memory_space<hbm>> -> memref<1x320000xi32, #tpu.memory_space<hbm>>
    %dma_wait3A_47 = tpu.memref_squeeze %dma_wait3A_46 : memref<1x320000xi32, #tpu.memory_space<hbm>> -> memref<320000xi32, #tpu.memory_space<hbm>>
    %dma_wait3A_48 = tpu.memref_slice %dma_wait3A_47[%mul3A_9] : memref<320000xi32, #tpu.memory_space<hbm>> -> memref<9984xi32, #tpu.memory_space<hbm>>
    %dma_wait3A_49 = arith.constant 0 : i32
    %dma_wait3A_50 = tpu.memref_slice %arg6[%dma_wait3A_49] : memref<10112xi32, #tpu.memory_space<vmem>> -> memref<9984xi32, #tpu.memory_space<vmem>>
    %dma_wait3A_51 = arith.constant 0 : i32
    %dma_wait3A_52 = tpu.memref_slice %arg3[%dma_wait3A, %dma_wait3A_51] : memref<2x320000xi32, #tpu.memory_space<hbm>> -> memref<1x320000xi32, #tpu.memory_space<hbm>>
    %dma_wait3A_53 = tpu.memref_squeeze %dma_wait3A_52 : memref<1x320000xi32, #tpu.memory_space<hbm>> -> memref<320000xi32, #tpu.memory_space<hbm>>
    %dma_wait3A_54 = tpu.memref_slice %dma_wait3A_53[%mul3A_9] : memref<320000xi32, #tpu.memory_space<hbm>> -> memref<9984xi32, #tpu.memory_space<hbm>>
    tpu.wait_dma2 semaphore(%arg27 : memref<!tpu.dma_semaphore, #tpu.memory_space<semaphore_mem>>) src(%dma_wait3A_54 : memref<9984xi32, #tpu.memory_space<hbm>>) dst(%dma_wait3A_50 : memref<9984xi32, #tpu.memory_space<vmem>>)
    %dma_wait3A_55 = arith.constant 1 : i32
    %dma_wait3A_56 = arith.constant 0 : i32
    %dma_wait3A_57 = tpu.memref_slice %arg7[%dma_wait3A_56] : memref<10112xi32, #tpu.memory_space<vmem>> -> memref<9984xi32, #tpu.memory_space<vmem>>
    %dma_wait3A_58 = arith.constant 0 : i32
    %dma_wait3A_59 = tpu.memref_slice %arg3[%dma_wait3A_55, %dma_wait3A_58] : memref<2x320000xi32, #tpu.memory_space<hbm>> -> memref<1x320000xi32, #tpu.memory_space<hbm>>
    %dma_wait3A_60 = tpu.memref_squeeze %dma_wait3A_59 : memref<1x320000xi32, #tpu.memory_space<hbm>> -> memref<320000xi32, #tpu.memory_space<hbm>>
    %dma_wait3A_61 = tpu.memref_slice %dma_wait3A_60[%mul3A_9] : memref<320000xi32, #tpu.memory_space<hbm>> -> memref<9984xi32, #tpu.memory_space<hbm>>
    %dma_wait3A_62 = arith.constant 0 : i32
    %dma_wait3A_63 = tpu.memref_slice %arg7[%dma_wait3A_62] : memref<10112xi32, #tpu.memory_space<vmem>> -> memref<9984xi32, #tpu.memory_space<vmem>>
    %dma_wait3A_64 = arith.constant 0 : i32
    %dma_wait3A_65 = tpu.memref_slice %arg3[%dma_wait3A_55, %dma_wait3A_64] : memref<2x320000xi32, #tpu.memory_space<hbm>> -> memref<1x320000xi32, #tpu.memory_space<hbm>>
    %dma_wait3A_66 = tpu.memref_squeeze %dma_wait3A_65 : memref<1x320000xi32, #tpu.memory_space<hbm>> -> memref<320000xi32, #tpu.memory_space<hbm>>
    %dma_wait3A_67 = tpu.memref_slice %dma_wait3A_66[%mul3A_9] : memref<320000xi32, #tpu.memory_space<hbm>> -> memref<9984xi32, #tpu.memory_space<hbm>>
    tpu.wait_dma2 semaphore(%arg28 : memref<!tpu.dma_semaphore, #tpu.memory_space<semaphore_mem>>) src(%dma_wait3A_67 : memref<9984xi32, #tpu.memory_space<hbm>>) dst(%dma_wait3A_63 : memref<9984xi32, #tpu.memory_space<vmem>>)
    %eq3A = arith.constant 1 : i32
    %eq3A_68 = arith.cmpi eq, %convert_element_type3A, %eq3A : i32
    %convert_element_type3A_69 = arith.extui %eq3A_68 : i1 to i32
    %cond3A = arith.constant 0 : i32
    %cond3A_70 = arith.constant 1 : i32
    %cond3A_71 = arith.constant 0 : i32
    %cond3A_72 = arith.cmpi ne, %convert_element_type3A_69, %cond3A_71 : i32
    scf.if %cond3A_72 {
      %add3A_130 = arith.constant 9984 : i32
      %add3A_131 = arith.addi %mul3A_9, %add3A_130 : i32
      "tpu.region"() ({
        %run_scoped3A = tpu.sem_alloc : memref<!tpu.dma_semaphore, #tpu.memory_space<semaphore_mem>>
        %dma_start3A_134 = arith.constant 9984 : i32
        %dma_start3A_135 = tpu.memref_slice %arg6[%dma_start3A_134] : memref<10112xi32, #tpu.memory_space<vmem>> -> memref<128xi32, #tpu.memory_space<vmem>>
        %dma_start3A_136 = arith.constant 0 : i32
        %dma_start3A_137 = tpu.memref_slice %arg3[%cond3A, %dma_start3A_136] : memref<2x320000xi32, #tpu.memory_space<hbm>> -> memref<1x320000xi32, #tpu.memory_space<hbm>>
        %dma_start3A_138 = tpu.memref_squeeze %dma_start3A_137 : memref<1x320000xi32, #tpu.memory_space<hbm>> -> memref<320000xi32, #tpu.memory_space<hbm>>
        %dma_start3A_139 = tpu.memref_slice %dma_start3A_138[%add3A_131] : memref<320000xi32, #tpu.memory_space<hbm>> -> memref<128xi32, #tpu.memory_space<hbm>>
        %dma_start3A_140 = arith.constant 9984 : i32
        %dma_start3A_141 = tpu.memref_slice %arg6[%dma_start3A_140] : memref<10112xi32, #tpu.memory_space<vmem>> -> memref<128xi32, #tpu.memory_space<vmem>>
        %dma_start3A_142 = arith.constant 0 : i32
        %dma_start3A_143 = tpu.memref_slice %arg3[%cond3A, %dma_start3A_142] : memref<2x320000xi32, #tpu.memory_space<hbm>> -> memref<1x320000xi32, #tpu.memory_space<hbm>>
        %dma_start3A_144 = tpu.memref_squeeze %dma_start3A_143 : memref<1x320000xi32, #tpu.memory_space<hbm>> -> memref<320000xi32, #tpu.memory_space<hbm>>
        %dma_start3A_145 = tpu.memref_slice %dma_start3A_144[%add3A_131] : memref<320000xi32, #tpu.memory_space<hbm>> -> memref<128xi32, #tpu.memory_space<hbm>>
        tpu.enqueue_dma source(%dma_start3A_145 : memref<128xi32, #tpu.memory_space<hbm>>) target(%dma_start3A_141 : memref<128xi32, #tpu.memory_space<vmem>>) target_semaphore(%run_scoped3A : memref<!tpu.dma_semaphore, #tpu.memory_space<semaphore_mem>>)
        %dma_wait3A_146 = arith.constant 9984 : i32
        %dma_wait3A_147 = tpu.memref_slice %arg6[%dma_wait3A_146] : memref<10112xi32, #tpu.memory_space<vmem>> -> memref<128xi32, #tpu.memory_space<vmem>>
        %dma_wait3A_148 = arith.constant 0 : i32
        %dma_wait3A_149 = tpu.memref_slice %arg3[%cond3A, %dma_wait3A_148] : memref<2x320000xi32, #tpu.memory_space<hbm>> -> memref<1x320000xi32, #tpu.memory_space<hbm>>
        %dma_wait3A_150 = tpu.memref_squeeze %dma_wait3A_149 : memref<1x320000xi32, #tpu.memory_space<hbm>> -> memref<320000xi32, #tpu.memory_space<hbm>>
        %dma_wait3A_151 = tpu.memref_slice %dma_wait3A_150[%add3A_131] : memref<320000xi32, #tpu.memory_space<hbm>> -> memref<128xi32, #tpu.memory_space<hbm>>
        %dma_wait3A_152 = arith.constant 9984 : i32
        %dma_wait3A_153 = tpu.memref_slice %arg6[%dma_wait3A_152] : memref<10112xi32, #tpu.memory_space<vmem>> -> memref<128xi32, #tpu.memory_space<vmem>>
        %dma_wait3A_154 = arith.constant 0 : i32
        %dma_wait3A_155 = tpu.memref_slice %arg3[%cond3A, %dma_wait3A_154] : memref<2x320000xi32, #tpu.memory_space<hbm>> -> memref<1x320000xi32, #tpu.memory_space<hbm>>
        %dma_wait3A_156 = tpu.memref_squeeze %dma_wait3A_155 : memref<1x320000xi32, #tpu.memory_space<hbm>> -> memref<320000xi32, #tpu.memory_space<hbm>>
        %dma_wait3A_157 = tpu.memref_slice %dma_wait3A_156[%add3A_131] : memref<320000xi32, #tpu.memory_space<hbm>> -> memref<128xi32, #tpu.memory_space<hbm>>
        tpu.wait_dma2 semaphore(%run_scoped3A : memref<!tpu.dma_semaphore, #tpu.memory_space<semaphore_mem>>) src(%dma_wait3A_157 : memref<128xi32, #tpu.memory_space<hbm>>) dst(%dma_wait3A_153 : memref<128xi32, #tpu.memory_space<vmem>>)
        tpu.yield
      }) : () -> ()
      %add3A_132 = arith.constant 9984 : i32
      %add3A_133 = arith.addi %mul3A_9, %add3A_132 : i32
      "tpu.region"() ({
        %run_scoped3A = tpu.sem_alloc : memref<!tpu.dma_semaphore, #tpu.memory_space<semaphore_mem>>
        %dma_start3A_134 = arith.constant 9984 : i32
        %dma_start3A_135 = tpu.memref_slice %arg7[%dma_start3A_134] : memref<10112xi32, #tpu.memory_space<vmem>> -> memref<128xi32, #tpu.memory_space<vmem>>
        %dma_start3A_136 = arith.constant 0 : i32
        %dma_start3A_137 = tpu.memref_slice %arg3[%cond3A_70, %dma_start3A_136] : memref<2x320000xi32, #tpu.memory_space<hbm>> -> memref<1x320000xi32, #tpu.memory_space<hbm>>
        %dma_start3A_138 = tpu.memref_squeeze %dma_start3A_137 : memref<1x320000xi32, #tpu.memory_space<hbm>> -> memref<320000xi32, #tpu.memory_space<hbm>>
        %dma_start3A_139 = tpu.memref_slice %dma_start3A_138[%add3A_133] : memref<320000xi32, #tpu.memory_space<hbm>> -> memref<128xi32, #tpu.memory_space<hbm>>
        %dma_start3A_140 = arith.constant 9984 : i32
        %dma_start3A_141 = tpu.memref_slice %arg7[%dma_start3A_140] : memref<10112xi32, #tpu.memory_space<vmem>> -> memref<128xi32, #tpu.memory_space<vmem>>
        %dma_start3A_142 = arith.constant 0 : i32
        %dma_start3A_143 = tpu.memref_slice %arg3[%cond3A_70, %dma_start3A_142] : memref<2x320000xi32, #tpu.memory_space<hbm>> -> memref<1x320000xi32, #tpu.memory_space<hbm>>
        %dma_start3A_144 = tpu.memref_squeeze %dma_start3A_143 : memref<1x320000xi32, #tpu.memory_space<hbm>> -> memref<320000xi32, #tpu.memory_space<hbm>>
        %dma_start3A_145 = tpu.memref_slice %dma_start3A_144[%add3A_133] : memref<320000xi32, #tpu.memory_space<hbm>> -> memref<128xi32, #tpu.memory_space<hbm>>
        tpu.enqueue_dma source(%dma_start3A_145 : memref<128xi32, #tpu.memory_space<hbm>>) target(%dma_start3A_141 : memref<128xi32, #tpu.memory_space<vmem>>) target_semaphore(%run_scoped3A : memref<!tpu.dma_semaphore, #tpu.memory_space<semaphore_mem>>)
        %dma_wait3A_146 = arith.constant 9984 : i32
        %dma_wait3A_147 = tpu.memref_slice %arg7[%dma_wait3A_146] : memref<10112xi32, #tpu.memory_space<vmem>> -> memref<128xi32, #tpu.memory_space<vmem>>
        %dma_wait3A_148 = arith.constant 0 : i32
        %dma_wait3A_149 = tpu.memref_slice %arg3[%cond3A_70, %dma_wait3A_148] : memref<2x320000xi32, #tpu.memory_space<hbm>> -> memref<1x320000xi32, #tpu.memory_space<hbm>>
        %dma_wait3A_150 = tpu.memref_squeeze %dma_wait3A_149 : memref<1x320000xi32, #tpu.memory_space<hbm>> -> memref<320000xi32, #tpu.memory_space<hbm>>
        %dma_wait3A_151 = tpu.memref_slice %dma_wait3A_150[%add3A_133] : memref<320000xi32, #tpu.memory_space<hbm>> -> memref<128xi32, #tpu.memory_space<hbm>>
        %dma_wait3A_152 = arith.constant 9984 : i32
        %dma_wait3A_153 = tpu.memref_slice %arg7[%dma_wait3A_152] : memref<10112xi32, #tpu.memory_space<vmem>> -> memref<128xi32, #tpu.memory_space<vmem>>
        %dma_wait3A_154 = arith.constant 0 : i32
        %dma_wait3A_155 = tpu.memref_slice %arg3[%cond3A_70, %dma_wait3A_154] : memref<2x320000xi32, #tpu.memory_space<hbm>> -> memref<1x320000xi32, #tpu.memory_space<hbm>>
        %dma_wait3A_156 = tpu.memref_squeeze %dma_wait3A_155 : memref<1x320000xi32, #tpu.memory_space<hbm>> -> memref<320000xi32, #tpu.memory_space<hbm>>
        %dma_wait3A_157 = tpu.memref_slice %dma_wait3A_156[%add3A_133] : memref<320000xi32, #tpu.memory_space<hbm>> -> memref<128xi32, #tpu.memory_space<hbm>>
        tpu.wait_dma2 semaphore(%run_scoped3A : memref<!tpu.dma_semaphore, #tpu.memory_space<semaphore_mem>>) src(%dma_wait3A_157 : memref<128xi32, #tpu.memory_space<hbm>>) dst(%dma_wait3A_153 : memref<128xi32, #tpu.memory_space<vmem>>)
        tpu.yield
      }) : () -> ()
    } else {
    }
    %iota3A = tpu.iota {dimensions = array<i32: 0>} : vector<16xi32>
    %gt3A = arith.constant 0 : i32
    %gt3A_73 = arith.cmpi sgt, %add3A_3, %gt3A : i32
    %convert_element_type3A_74 = arith.extui %gt3A_73 : i1 to i32
    %cond3A_75 = arith.constant 0 : i32
    %cond3A_76 = arith.cmpi ne, %convert_element_type3A_74, %cond3A_75 : i32
    scf.if %cond3A_76 {
      %dma_start3A_130 = arith.constant 0 : i32
      %dma_start3A_131 = tpu.memref_slice %arg6[%dma_start3A_130] : memref<10112xi32, #tpu.memory_space<vmem>> -> memref<128xi32, #tpu.memory_space<vmem>>
      %dma_start3A_132 = arith.constant 0 : i32
      %dma_start3A_133 = arith.constant 0 : i32
      %dma_start3A_134 = tpu.memref_slice %arg5[%arg0, %dma_start3A_132, %dma_start3A_133] : memref<2x10000x64xi32, #tpu.memory_space<hbm>> -> memref<1x10000x64xi32, #tpu.memory_space<hbm>>
      %dma_start3A_135 = tpu.memref_squeeze %dma_start3A_134 : memref<1x10000x64xi32, #tpu.memory_space<hbm>> -> memref<10000x64xi32, #tpu.memory_space<hbm>>
      %dma_start3A_136 = arith.constant 0 : i32
      %dma_start3A_137 = arith.constant 0 : i32
      %dma_start3A_138 = tpu.memref_slice %dma_start3A_135[%dma_start3A_136, %dma_start3A_137] : memref<10000x64xi32, #tpu.memory_space<hbm>> -> memref<10000x64xi32, #tpu.memory_space<hbm>>
      tpu.enqueue_indirect_dma source(%dma_start3A_138 : memref<10000x64xi32, #tpu.memory_space<hbm>>) target(%arg8 : memref<128x64xi32, #tpu.memory_space<vmem>>) offsets(%dma_start3A_131 : memref<128xi32, #tpu.memory_space<vmem>>) semaphore(%arg19 : memref<!tpu.dma_semaphore, #tpu.memory_space<semaphore_mem>>)
      %dma_start3A_139 = arith.constant 0 : i32
      %dma_start3A_140 = tpu.memref_slice %arg7[%dma_start3A_139] : memref<10112xi32, #tpu.memory_space<vmem>> -> memref<128xi32, #tpu.memory_space<vmem>>
      %dma_start3A_141 = arith.constant 0 : i32
      %dma_start3A_142 = arith.constant 0 : i32
      %dma_start3A_143 = tpu.memref_slice %arg5[%arg0, %dma_start3A_141, %dma_start3A_142] : memref<2x10000x64xi32, #tpu.memory_space<hbm>> -> memref<1x10000x64xi32, #tpu.memory_space<hbm>>
      %dma_start3A_144 = tpu.memref_squeeze %dma_start3A_143 : memref<1x10000x64xi32, #tpu.memory_space<hbm>> -> memref<10000x64xi32, #tpu.memory_space<hbm>>
      %dma_start3A_145 = arith.constant 0 : i32
      %dma_start3A_146 = arith.constant 0 : i32
      %dma_start3A_147 = tpu.memref_slice %dma_start3A_144[%dma_start3A_145, %dma_start3A_146] : memref<10000x64xi32, #tpu.memory_space<hbm>> -> memref<10000x64xi32, #tpu.memory_space<hbm>>
      tpu.enqueue_indirect_dma source(%dma_start3A_147 : memref<10000x64xi32, #tpu.memory_space<hbm>>) target(%arg12 : memref<128x64xi32, #tpu.memory_space<vmem>>) offsets(%dma_start3A_140 : memref<128xi32, #tpu.memory_space<vmem>>) semaphore(%arg23 : memref<!tpu.dma_semaphore, #tpu.memory_space<semaphore_mem>>)
    } else {
    }
    %gt3A_77 = arith.constant 1 : i32
    %gt3A_78 = arith.cmpi sgt, %add3A_3, %gt3A_77 : i32
    %convert_element_type3A_79 = arith.extui %gt3A_78 : i1 to i32
    %cond3A_80 = arith.constant 0 : i32
    %cond3A_81 = arith.cmpi ne, %convert_element_type3A_79, %cond3A_80 : i32
    scf.if %cond3A_81 {
      %dma_start3A_130 = arith.constant 128 : i32
      %dma_start3A_131 = tpu.memref_slice %arg6[%dma_start3A_130] : memref<10112xi32, #tpu.memory_space<vmem>> -> memref<128xi32, #tpu.memory_space<vmem>>
      %dma_start3A_132 = arith.constant 0 : i32
      %dma_start3A_133 = arith.constant 0 : i32
      %dma_start3A_134 = tpu.memref_slice %arg5[%arg0, %dma_start3A_132, %dma_start3A_133] : memref<2x10000x64xi32, #tpu.memory_space<hbm>> -> memref<1x10000x64xi32, #tpu.memory_space<hbm>>
      %dma_start3A_135 = tpu.memref_squeeze %dma_start3A_134 : memref<1x10000x64xi32, #tpu.memory_space<hbm>> -> memref<10000x64xi32, #tpu.memory_space<hbm>>
      %dma_start3A_136 = arith.constant 0 : i32
      %dma_start3A_137 = arith.constant 0 : i32
      %dma_start3A_138 = tpu.memref_slice %dma_start3A_135[%dma_start3A_136, %dma_start3A_137] : memref<10000x64xi32, #tpu.memory_space<hbm>> -> memref<10000x64xi32, #tpu.memory_space<hbm>>
      tpu.enqueue_indirect_dma source(%dma_start3A_138 : memref<10000x64xi32, #tpu.memory_space<hbm>>) target(%arg9 : memref<128x64xi32, #tpu.memory_space<vmem>>) offsets(%dma_start3A_131 : memref<128xi32, #tpu.memory_space<vmem>>) semaphore(%arg20 : memref<!tpu.dma_semaphore, #tpu.memory_space<semaphore_mem>>)
      %dma_start3A_139 = arith.constant 128 : i32
      %dma_start3A_140 = tpu.memref_slice %arg7[%dma_start3A_139] : memref<10112xi32, #tpu.memory_space<vmem>> -> memref<128xi32, #tpu.memory_space<vmem>>
      %dma_start3A_141 = arith.constant 0 : i32
      %dma_start3A_142 = arith.constant 0 : i32
      %dma_start3A_143 = tpu.memref_slice %arg5[%arg0, %dma_start3A_141, %dma_start3A_142] : memref<2x10000x64xi32, #tpu.memory_space<hbm>> -> memref<1x10000x64xi32, #tpu.memory_space<hbm>>
      %dma_start3A_144 = tpu.memref_squeeze %dma_start3A_143 : memref<1x10000x64xi32, #tpu.memory_space<hbm>> -> memref<10000x64xi32, #tpu.memory_space<hbm>>
      %dma_start3A_145 = arith.constant 0 : i32
      %dma_start3A_146 = arith.constant 0 : i32
      %dma_start3A_147 = tpu.memref_slice %dma_start3A_144[%dma_start3A_145, %dma_start3A_146] : memref<10000x64xi32, #tpu.memory_space<hbm>> -> memref<10000x64xi32, #tpu.memory_space<hbm>>
      tpu.enqueue_indirect_dma source(%dma_start3A_147 : memref<10000x64xi32, #tpu.memory_space<hbm>>) target(%arg13 : memref<128x64xi32, #tpu.memory_space<vmem>>) offsets(%dma_start3A_140 : memref<128xi32, #tpu.memory_space<vmem>>) semaphore(%arg24 : memref<!tpu.dma_semaphore, #tpu.memory_space<semaphore_mem>>)
    } else {
    }
    %gt3A_82 = arith.constant 2 : i32
    %gt3A_83 = arith.cmpi sgt, %add3A_3, %gt3A_82 : i32
    %convert_element_type3A_84 = arith.extui %gt3A_83 : i1 to i32
    %cond3A_85 = arith.constant 0 : i32
    %cond3A_86 = arith.cmpi ne, %convert_element_type3A_84, %cond3A_85 : i32
    scf.if %cond3A_86 {
      %dma_start3A_130 = arith.constant 256 : i32
      %dma_start3A_131 = tpu.memref_slice %arg6[%dma_start3A_130] : memref<10112xi32, #tpu.memory_space<vmem>> -> memref<128xi32, #tpu.memory_space<vmem>>
      %dma_start3A_132 = arith.constant 0 : i32
      %dma_start3A_133 = arith.constant 0 : i32
      %dma_start3A_134 = tpu.memref_slice %arg5[%arg0, %dma_start3A_132, %dma_start3A_133] : memref<2x10000x64xi32, #tpu.memory_space<hbm>> -> memref<1x10000x64xi32, #tpu.memory_space<hbm>>
      %dma_start3A_135 = tpu.memref_squeeze %dma_start3A_134 : memref<1x10000x64xi32, #tpu.memory_space<hbm>> -> memref<10000x64xi32, #tpu.memory_space<hbm>>
      %dma_start3A_136 = arith.constant 0 : i32
      %dma_start3A_137 = arith.constant 0 : i32
      %dma_start3A_138 = tpu.memref_slice %dma_start3A_135[%dma_start3A_136, %dma_start3A_137] : memref<10000x64xi32, #tpu.memory_space<hbm>> -> memref<10000x64xi32, #tpu.memory_space<hbm>>
      tpu.enqueue_indirect_dma source(%dma_start3A_138 : memref<10000x64xi32, #tpu.memory_space<hbm>>) target(%arg10 : memref<128x64xi32, #tpu.memory_space<vmem>>) offsets(%dma_start3A_131 : memref<128xi32, #tpu.memory_space<vmem>>) semaphore(%arg21 : memref<!tpu.dma_semaphore, #tpu.memory_space<semaphore_mem>>)
      %dma_start3A_139 = arith.constant 256 : i32
      %dma_start3A_140 = tpu.memref_slice %arg7[%dma_start3A_139] : memref<10112xi32, #tpu.memory_space<vmem>> -> memref<128xi32, #tpu.memory_space<vmem>>
      %dma_start3A_141 = arith.constant 0 : i32
      %dma_start3A_142 = arith.constant 0 : i32
      %dma_start3A_143 = tpu.memref_slice %arg5[%arg0, %dma_start3A_141, %dma_start3A_142] : memref<2x10000x64xi32, #tpu.memory_space<hbm>> -> memref<1x10000x64xi32, #tpu.memory_space<hbm>>
      %dma_start3A_144 = tpu.memref_squeeze %dma_start3A_143 : memref<1x10000x64xi32, #tpu.memory_space<hbm>> -> memref<10000x64xi32, #tpu.memory_space<hbm>>
      %dma_start3A_145 = arith.constant 0 : i32
      %dma_start3A_146 = arith.constant 0 : i32
      %dma_start3A_147 = tpu.memref_slice %dma_start3A_144[%dma_start3A_145, %dma_start3A_146] : memref<10000x64xi32, #tpu.memory_space<hbm>> -> memref<10000x64xi32, #tpu.memory_space<hbm>>
      tpu.enqueue_indirect_dma source(%dma_start3A_147 : memref<10000x64xi32, #tpu.memory_space<hbm>>) target(%arg14 : memref<128x64xi32, #tpu.memory_space<vmem>>) offsets(%dma_start3A_140 : memref<128xi32, #tpu.memory_space<vmem>>) semaphore(%arg25 : memref<!tpu.dma_semaphore, #tpu.memory_space<semaphore_mem>>)
    } else {
    }
    %add3A_87 = arith.constant 4 : i32
    %add3A_88 = arith.addi %add3A_3, %add3A_87 : i32
    %sub3A = arith.constant 1 : i32
    %sub3A_89 = arith.subi %add3A_88, %sub3A : i32
    %jit3A = arith.constant 4 : i32
    %div3A = arith.divsi %sub3A_89, %jit3A : i32
    %sign3A = arith.constant 0 : i32
    %sign3A_90 = arith.cmpi sgt, %sub3A_89, %sign3A : i32
    %sign3A_91 = arith.extui %sign3A_90 : i1 to i32
    %sign3A_92 = arith.constant 0 : i32
    %sign3A_93 = arith.cmpi slt, %sub3A_89, %sign3A_92 : i32
    %sign3A_94 = arith.extui %sign3A_93 : i1 to i32
    %sign3A_95 = arith.subi %sign3A_91, %sign3A_94 : i32
    %sign3A_96 = arith.constant 0 : i32
    %sign3A_97 = arith.cmpi sgt, %jit3A, %sign3A_96 : i32
    %sign3A_98 = arith.extui %sign3A_97 : i1 to i32
    %sign3A_99 = arith.constant 0 : i32
    %sign3A_100 = arith.cmpi slt, %jit3A, %sign3A_99 : i32
    %sign3A_101 = arith.extui %sign3A_100 : i1 to i32
    %sign3A_102 = arith.subi %sign3A_98, %sign3A_101 : i32
    %ne3A = arith.cmpi ne, %sign3A_95, %sign3A_102 : i32
    %rem3A = arith.remsi %sub3A_89, %jit3A : i32
    %ne3A_103 = arith.constant 0 : i32
    %ne3A_104 = arith.cmpi ne, %rem3A, %ne3A_103 : i32
    %and3A = arith.andi %ne3A, %ne3A_104 : i1
    %sub3A_105 = arith.constant 1 : i32
    %sub3A_106 = arith.subi %div3A, %sub3A_105 : i32
    %select_n3A = arith.select %and3A, %sub3A_106, %div3A : i32
    %while3A = arith.constant 0 : i32
    %while3A_107 = arith.constant 0 : i32
    %while3A_108 = arith.subi %select_n3A, %while3A : i32
    %while3A_109 = arith.addi %while3A, %while3A_108 : i32
    %while3A_110 = arith.constant 1 : i32
    %while3A_111 = arith.divsi %while3A_108, %while3A_110 : i32
    %while3A_112 = arith.muli %while3A_111, %while3A_110 : i32
    %while3A_113 = arith.addi %while3A, %while3A_112 : i32
    %while3A_114 = arith.constant 1 : i32
    %while3A_115 = scf.for %while3A_130 = %while3A to %while3A_113 step %while3A_114 iter_args(%while3A_131 = %while3A_107) -> (i32)  : i32 {
      %mul3A_132 = arith.constant 4 : i32
      %mul3A_133 = arith.muli %while3A_130, %mul3A_132 : i32
      %add3A_134 = arith.constant 0 : i32
      %add3A_135 = arith.addi %mul3A_133, %add3A_134 : i32
      %add3A_136 = arith.constant 4 : i32
      %add3A_137 = arith.addi %add3A_135, %add3A_136 : i32
      %sub3A_138 = arith.constant 1 : i32
      %sub3A_139 = arith.subi %add3A_137, %sub3A_138 : i32
      %lt3A_140 = arith.cmpi slt, %sub3A_139, %add3A_3 : i32
      %convert_element_type3A_141 = arith.extui %lt3A_140 : i1 to i32
      %cond3A_142 = arith.constant 0 : i32
      %cond3A_143 = arith.cmpi ne, %convert_element_type3A_141, %cond3A_142 : i32
      scf.if %cond3A_143 {
        %add3A_197 = arith.constant 4 : i32
        %add3A_198 = arith.addi %add3A_135, %add3A_197 : i32
        %sub3A_199 = arith.constant 1 : i32
        %sub3A_200 = arith.subi %add3A_198, %sub3A_199 : i32
        %mul3A_201 = arith.constant 128 : i32
        %mul3A_202 = arith.muli %sub3A_200, %mul3A_201 : i32
        %dma_start3A_203 = tpu.memref_slice %arg6[%mul3A_202] : memref<10112xi32, #tpu.memory_space<vmem>> -> memref<128xi32, #tpu.memory_space<vmem>>
        %dma_start3A_204 = arith.constant 0 : i32
        %dma_start3A_205 = arith.constant 0 : i32
        %dma_start3A_206 = tpu.memref_slice %arg5[%arg0, %dma_start3A_204, %dma_start3A_205] : memref<2x10000x64xi32, #tpu.memory_space<hbm>> -> memref<1x10000x64xi32, #tpu.memory_space<hbm>>
        %dma_start3A_207 = tpu.memref_squeeze %dma_start3A_206 : memref<1x10000x64xi32, #tpu.memory_space<hbm>> -> memref<10000x64xi32, #tpu.memory_space<hbm>>
        %dma_start3A_208 = arith.constant 0 : i32
        %dma_start3A_209 = arith.constant 0 : i32
        %dma_start3A_210 = tpu.memref_slice %dma_start3A_207[%dma_start3A_208, %dma_start3A_209] : memref<10000x64xi32, #tpu.memory_space<hbm>> -> memref<10000x64xi32, #tpu.memory_space<hbm>>
        tpu.enqueue_indirect_dma source(%dma_start3A_210 : memref<10000x64xi32, #tpu.memory_space<hbm>>) target(%arg11 : memref<128x64xi32, #tpu.memory_space<vmem>>) offsets(%dma_start3A_203 : memref<128xi32, #tpu.memory_space<vmem>>) semaphore(%arg22 : memref<!tpu.dma_semaphore, #tpu.memory_space<semaphore_mem>>)
        %mul3A_211 = arith.constant 128 : i32
        %mul3A_212 = arith.muli %sub3A_200, %mul3A_211 : i32
        %dma_start3A_213 = tpu.memref_slice %arg7[%mul3A_212] : memref<10112xi32, #tpu.memory_space<vmem>> -> memref<128xi32, #tpu.memory_space<vmem>>
        %dma_start3A_214 = arith.constant 0 : i32
        %dma_start3A_215 = arith.constant 0 : i32
        %dma_start3A_216 = tpu.memref_slice %arg5[%arg0, %dma_start3A_214, %dma_start3A_215] : memref<2x10000x64xi32, #tpu.memory_space<hbm>> -> memref<1x10000x64xi32, #tpu.memory_space<hbm>>
        %dma_start3A_217 = tpu.memref_squeeze %dma_start3A_216 : memref<1x10000x64xi32, #tpu.memory_space<hbm>> -> memref<10000x64xi32, #tpu.memory_space<hbm>>
        %dma_start3A_218 = arith.constant 0 : i32
        %dma_start3A_219 = arith.constant 0 : i32
        %dma_start3A_220 = tpu.memref_slice %dma_start3A_217[%dma_start3A_218, %dma_start3A_219] : memref<10000x64xi32, #tpu.memory_space<hbm>> -> memref<10000x64xi32, #tpu.memory_space<hbm>>
        tpu.enqueue_indirect_dma source(%dma_start3A_220 : memref<10000x64xi32, #tpu.memory_space<hbm>>) target(%arg15 : memref<128x64xi32, #tpu.memory_space<vmem>>) offsets(%dma_start3A_213 : memref<128xi32, #tpu.memory_space<vmem>>) semaphore(%arg26 : memref<!tpu.dma_semaphore, #tpu.memory_space<semaphore_mem>>)
      } else {
      }
      %lt3A_144 = arith.cmpi slt, %add3A_135, %add3A_3 : i32
      %convert_element_type3A_145 = arith.extui %lt3A_144 : i1 to i32
      %cond3A_146 = arith.constant 0 : i32
      %cond3A_147 = arith.cmpi ne, %convert_element_type3A_145, %cond3A_146 : i32
      scf.if %cond3A_147 {
        %dma_wait3A_197 = arith.constant 0 : i32
        %dma_wait3A_198 = tpu.memref_slice %arg6[%dma_wait3A_197] : memref<10112xi32, #tpu.memory_space<vmem>> -> memref<128xi32, #tpu.memory_space<vmem>>
        %dma_wait3A_199 = arith.constant 0 : i32
        %dma_wait3A_200 = arith.constant 0 : i32
        %dma_wait3A_201 = tpu.memref_slice %arg5[%arg0, %dma_wait3A_199, %dma_wait3A_200] : memref<2x10000x64xi32, #tpu.memory_space<hbm>> -> memref<1x10000x64xi32, #tpu.memory_space<hbm>>
        %dma_wait3A_202 = tpu.memref_squeeze %dma_wait3A_201 : memref<1x10000x64xi32, #tpu.memory_space<hbm>> -> memref<10000x64xi32, #tpu.memory_space<hbm>>
        %dma_wait3A_203 = arith.constant 0 : i32
        %dma_wait3A_204 = arith.constant 0 : i32
        %dma_wait3A_205 = tpu.memref_slice %dma_wait3A_202[%dma_wait3A_203, %dma_wait3A_204] : memref<10000x64xi32, #tpu.memory_space<hbm>> -> memref<10000x64xi32, #tpu.memory_space<hbm>>
        tpu.wait_indirect_dma semaphore(%arg19 : memref<!tpu.dma_semaphore, #tpu.memory_space<semaphore_mem>>) src(%dma_wait3A_205 : memref<10000x64xi32, #tpu.memory_space<hbm>>) dst(%arg8 : memref<128x64xi32, #tpu.memory_space<vmem>>)
        %dma_wait3A_206 = arith.constant 0 : i32
        %dma_wait3A_207 = tpu.memref_slice %arg7[%dma_wait3A_206] : memref<10112xi32, #tpu.memory_space<vmem>> -> memref<128xi32, #tpu.memory_space<vmem>>
        %dma_wait3A_208 = arith.constant 0 : i32
        %dma_wait3A_209 = arith.constant 0 : i32
        %dma_wait3A_210 = tpu.memref_slice %arg5[%arg0, %dma_wait3A_208, %dma_wait3A_209] : memref<2x10000x64xi32, #tpu.memory_space<hbm>> -> memref<1x10000x64xi32, #tpu.memory_space<hbm>>
        %dma_wait3A_211 = tpu.memref_squeeze %dma_wait3A_210 : memref<1x10000x64xi32, #tpu.memory_space<hbm>> -> memref<10000x64xi32, #tpu.memory_space<hbm>>
        %dma_wait3A_212 = arith.constant 0 : i32
        %dma_wait3A_213 = arith.constant 0 : i32
        %dma_wait3A_214 = tpu.memref_slice %dma_wait3A_211[%dma_wait3A_212, %dma_wait3A_213] : memref<10000x64xi32, #tpu.memory_space<hbm>> -> memref<10000x64xi32, #tpu.memory_space<hbm>>
        tpu.wait_indirect_dma semaphore(%arg23 : memref<!tpu.dma_semaphore, #tpu.memory_space<semaphore_mem>>) src(%dma_wait3A_214 : memref<10000x64xi32, #tpu.memory_space<hbm>>) dst(%arg12 : memref<128x64xi32, #tpu.memory_space<vmem>>)
        %parallel_loop3A_215 = arith.constant 0 : i32
        %parallel_loop3A_216 = arith.constant 128 : i32
        %parallel_loop3A_217 = arith.constant 1 : i32
        scf.for %parallel_loop3A_218 = %parallel_loop3A_215 to %parallel_loop3A_216 step %parallel_loop3A_217  : i32 {
          %parallel_loop3A_219 = arith.index_cast %parallel_loop3A_218 : i32 to index
          %parallel_loop3A_220 = arith.constant 0 : index
          %parallel_loop3A_221 = tpu.vector_load %arg8[%parallel_loop3A_219, %parallel_loop3A_220] {strides = array<i32>} : memref<128x64xi32, #tpu.memory_space<vmem>>, vector<16xi32>,
          %parallel_loop3A_222 = vector.bitcast %parallel_loop3A_221 : vector<16xi32> to vector<32xbf16>
          %parallel_loop3A_223 = arith.index_cast %parallel_loop3A_218 : i32 to index
          %parallel_loop3A_224 = arith.constant 0 : index
          %parallel_loop3A_225 = tpu.vector_load %arg12[%parallel_loop3A_223, %parallel_loop3A_224] {strides = array<i32>} : memref<128x64xi32, #tpu.memory_space<vmem>>, vector<16xi32>,
          %parallel_loop3A_226 = vector.bitcast %parallel_loop3A_225 : vector<16xi32> to vector<32xbf16>
          %parallel_loop3A_227 = arith.mulf %parallel_loop3A_222, %parallel_loop3A_226 : vector<32xbf16>
          %parallel_loop3A_228 = tpu.unpack_subelements %parallel_loop3A_227, 0 {pack_format = #tpu.pack_format<interleaved>} : vector<32xbf16> -> vector<16xf32>
          %parallel_loop3A_229 = tpu.unpack_subelements %parallel_loop3A_227, 1 {pack_format = #tpu.pack_format<interleaved>} : vector<32xbf16> -> vector<16xf32>
          %parallel_loop3A_230 = arith.addf %parallel_loop3A_228, %parallel_loop3A_229 : vector<16xf32>
          %parallel_loop3A_231 = arith.index_cast %parallel_loop3A_218 : i32 to index
          %parallel_loop3A_232 = arith.constant 16 : index
          %parallel_loop3A_233 = tpu.vector_load %arg8[%parallel_loop3A_231, %parallel_loop3A_232] {strides = array<i32>} : memref<128x64xi32, #tpu.memory_space<vmem>>, vector<16xi32>,
          %parallel_loop3A_234 = vector.bitcast %parallel_loop3A_233 : vector<16xi32> to vector<32xbf16>
          %parallel_loop3A_235 = arith.index_cast %parallel_loop3A_218 : i32 to index
          %parallel_loop3A_236 = arith.constant 16 : index
          %parallel_loop3A_237 = tpu.vector_load %arg12[%parallel_loop3A_235, %parallel_loop3A_236] {strides = array<i32>} : memref<128x64xi32, #tpu.memory_space<vmem>>, vector<16xi32>,
          %parallel_loop3A_238 = vector.bitcast %parallel_loop3A_237 : vector<16xi32> to vector<32xbf16>
          %parallel_loop3A_239 = arith.mulf %parallel_loop3A_234, %parallel_loop3A_238 : vector<32xbf16>
          %parallel_loop3A_240 = tpu.unpack_subelements %parallel_loop3A_239, 0 {pack_format = #tpu.pack_format<interleaved>} : vector<32xbf16> -> vector<16xf32>
          %parallel_loop3A_241 = tpu.unpack_subelements %parallel_loop3A_239, 1 {pack_format = #tpu.pack_format<interleaved>} : vector<32xbf16> -> vector<16xf32>
          %parallel_loop3A_242 = arith.addf %parallel_loop3A_240, %parallel_loop3A_241 : vector<16xf32>
          %parallel_loop3A_243 = arith.addf %parallel_loop3A_230, %parallel_loop3A_242 : vector<16xf32>
          %parallel_loop3A_244 = arith.index_cast %parallel_loop3A_218 : i32 to index
          %parallel_loop3A_245 = arith.constant 32 : index
          %parallel_loop3A_246 = tpu.vector_load %arg8[%parallel_loop3A_244, %parallel_loop3A_245] {strides = array<i32>} : memref<128x64xi32, #tpu.memory_space<vmem>>, vector<16xi32>,
          %parallel_loop3A_247 = vector.bitcast %parallel_loop3A_246 : vector<16xi32> to vector<32xbf16>
          %parallel_loop3A_248 = arith.index_cast %parallel_loop3A_218 : i32 to index
          %parallel_loop3A_249 = arith.constant 32 : index
          %parallel_loop3A_250 = tpu.vector_load %arg12[%parallel_loop3A_248, %parallel_loop3A_249] {strides = array<i32>} : memref<128x64xi32, #tpu.memory_space<vmem>>, vector<16xi32>,
          %parallel_loop3A_251 = vector.bitcast %parallel_loop3A_250 : vector<16xi32> to vector<32xbf16>
          %parallel_loop3A_252 = arith.mulf %parallel_loop3A_247, %parallel_loop3A_251 : vector<32xbf16>
          %parallel_loop3A_253 = tpu.unpack_subelements %parallel_loop3A_252, 0 {pack_format = #tpu.pack_format<interleaved>} : vector<32xbf16> -> vector<16xf32>
          %parallel_loop3A_254 = tpu.unpack_subelements %parallel_loop3A_252, 1 {pack_format = #tpu.pack_format<interleaved>} : vector<32xbf16> -> vector<16xf32>
          %parallel_loop3A_255 = arith.addf %parallel_loop3A_253, %parallel_loop3A_254 : vector<16xf32>
          %parallel_loop3A_256 = arith.addf %parallel_loop3A_243, %parallel_loop3A_255 : vector<16xf32>
          %parallel_loop3A_257 = arith.index_cast %parallel_loop3A_218 : i32 to index
          %parallel_loop3A_258 = arith.constant 48 : index
          %parallel_loop3A_259 = tpu.vector_load %arg8[%parallel_loop3A_257, %parallel_loop3A_258] {strides = array<i32>} : memref<128x64xi32, #tpu.memory_space<vmem>>, vector<16xi32>,
          %parallel_loop3A_260 = vector.bitcast %parallel_loop3A_259 : vector<16xi32> to vector<32xbf16>
          %parallel_loop3A_261 = arith.index_cast %parallel_loop3A_218 : i32 to index
          %parallel_loop3A_262 = arith.constant 48 : index
          %parallel_loop3A_263 = tpu.vector_load %arg12[%parallel_loop3A_261, %parallel_loop3A_262] {strides = array<i32>} : memref<128x64xi32, #tpu.memory_space<vmem>>, vector<16xi32>,
          %parallel_loop3A_264 = vector.bitcast %parallel_loop3A_263 : vector<16xi32> to vector<32xbf16>
          %parallel_loop3A_265 = arith.mulf %parallel_loop3A_260, %parallel_loop3A_264 : vector<32xbf16>
          %parallel_loop3A_266 = tpu.unpack_subelements %parallel_loop3A_265, 0 {pack_format = #tpu.pack_format<interleaved>} : vector<32xbf16> -> vector<16xf32>
          %parallel_loop3A_267 = tpu.unpack_subelements %parallel_loop3A_265, 1 {pack_format = #tpu.pack_format<interleaved>} : vector<32xbf16> -> vector<16xf32>
          %parallel_loop3A_268 = arith.addf %parallel_loop3A_266, %parallel_loop3A_267 : vector<16xf32>
          %parallel_loop3A_269 = arith.addf %parallel_loop3A_256, %parallel_loop3A_268 : vector<16xf32>
          %parallel_loop3A_270 = arith.constant true
          %parallel_loop3A_271 = vector.broadcast %parallel_loop3A_270 : i1 to vector<16xi1>
          %parallel_loop3A_272 = tpu.scan <sum>, %parallel_loop3A_269 masked %parallel_loop3A_271 : vector<16xf32>, vector<16xi1> -> vector<16xf32>
          %parallel_loop3A_273 = arith.constant 128 : i32
          %parallel_loop3A_274 = arith.muli %add3A_135, %parallel_loop3A_273 : i32
          %parallel_loop3A_275 = arith.addi %parallel_loop3A_274, %parallel_loop3A_218 : i32
          %parallel_loop3A_276 = arith.constant 15 : i32
          %parallel_loop3A_277 = vector.broadcast %parallel_loop3A_276 : i32 to vector<16xi32>
          %parallel_loop3A_278 = arith.cmpi eq, %iota3A, %parallel_loop3A_277 : vector<16xi32>
          %parallel_loop3A_279 = arith.index_cast %parallel_loop3A_275 : i32 to index
          %parallel_loop3A_280 = tpu.vector_load %arg16[%parallel_loop3A_279] masked %parallel_loop3A_278 {strides = array<i32>} : memref<10128xf32, #tpu.memory_space<vmem>>, vector<16xf32>, vector<16xi1>
          tpu.vector_store %arg16[%parallel_loop3A_279], %parallel_loop3A_272 masked %parallel_loop3A_278 {strides = array<i32>} : memref<10128xf32, #tpu.memory_space<vmem>>, vector<16xf32>, vector<16xi1>
        } {sc.loop_unroll_factor = 8 : i64, sc.parallel_access}
      } else {
      }
      %mul3A_148 = arith.constant 4 : i32
      %mul3A_149 = arith.muli %while3A_130, %mul3A_148 : i32
      %add3A_150 = arith.constant 1 : i32
      %add3A_151 = arith.addi %mul3A_149, %add3A_150 : i32
      %add3A_152 = arith.constant 4 : i32
      %add3A_153 = arith.addi %add3A_151, %add3A_152 : i32
      %sub3A_154 = arith.constant 1 : i32
      %sub3A_155 = arith.subi %add3A_153, %sub3A_154 : i32
      %lt3A_156 = arith.cmpi slt, %sub3A_155, %add3A_3 : i32
      %convert_element_type3A_157 = arith.extui %lt3A_156 : i1 to i32
      %cond3A_158 = arith.constant 0 : i32
      %cond3A_159 = arith.cmpi ne, %convert_element_type3A_157, %cond3A_158 : i32
      scf.if %cond3A_159 {
        %add3A_197 = arith.constant 4 : i32
        %add3A_198 = arith.addi %add3A_151, %add3A_197 : i32
        %sub3A_199 = arith.constant 1 : i32
        %sub3A_200 = arith.subi %add3A_198, %sub3A_199 : i32
        %mul3A_201 = arith.constant 128 : i32
        %mul3A_202 = arith.muli %sub3A_200, %mul3A_201 : i32
        %dma_start3A_203 = tpu.memref_slice %arg6[%mul3A_202] : memref<10112xi32, #tpu.memory_space<vmem>> -> memref<128xi32, #tpu.memory_space<vmem>>
        %dma_start3A_204 = arith.constant 0 : i32
        %dma_start3A_205 = arith.constant 0 : i32
        %dma_start3A_206 = tpu.memref_slice %arg5[%arg0, %dma_start3A_204, %dma_start3A_205] : memref<2x10000x64xi32, #tpu.memory_space<hbm>> -> memref<1x10000x64xi32, #tpu.memory_space<hbm>>
        %dma_start3A_207 = tpu.memref_squeeze %dma_start3A_206 : memref<1x10000x64xi32, #tpu.memory_space<hbm>> -> memref<10000x64xi32, #tpu.memory_space<hbm>>
        %dma_start3A_208 = arith.constant 0 : i32
        %dma_start3A_209 = arith.constant 0 : i32
        %dma_start3A_210 = tpu.memref_slice %dma_start3A_207[%dma_start3A_208, %dma_start3A_209] : memref<10000x64xi32, #tpu.memory_space<hbm>> -> memref<10000x64xi32, #tpu.memory_space<hbm>>
        tpu.enqueue_indirect_dma source(%dma_start3A_210 : memref<10000x64xi32, #tpu.memory_space<hbm>>) target(%arg8 : memref<128x64xi32, #tpu.memory_space<vmem>>) offsets(%dma_start3A_203 : memref<128xi32, #tpu.memory_space<vmem>>) semaphore(%arg19 : memref<!tpu.dma_semaphore, #tpu.memory_space<semaphore_mem>>)
        %mul3A_211 = arith.constant 128 : i32
        %mul3A_212 = arith.muli %sub3A_200, %mul3A_211 : i32
        %dma_start3A_213 = tpu.memref_slice %arg7[%mul3A_212] : memref<10112xi32, #tpu.memory_space<vmem>> -> memref<128xi32, #tpu.memory_space<vmem>>
        %dma_start3A_214 = arith.constant 0 : i32
        %dma_start3A_215 = arith.constant 0 : i32
        %dma_start3A_216 = tpu.memref_slice %arg5[%arg0, %dma_start3A_214, %dma_start3A_215] : memref<2x10000x64xi32, #tpu.memory_space<hbm>> -> memref<1x10000x64xi32, #tpu.memory_space<hbm>>
        %dma_start3A_217 = tpu.memref_squeeze %dma_start3A_216 : memref<1x10000x64xi32, #tpu.memory_space<hbm>> -> memref<10000x64xi32, #tpu.memory_space<hbm>>
        %dma_start3A_218 = arith.constant 0 : i32
        %dma_start3A_219 = arith.constant 0 : i32
        %dma_start3A_220 = tpu.memref_slice %dma_start3A_217[%dma_start3A_218, %dma_start3A_219] : memref<10000x64xi32, #tpu.memory_space<hbm>> -> memref<10000x64xi32, #tpu.memory_space<hbm>>
        tpu.enqueue_indirect_dma source(%dma_start3A_220 : memref<10000x64xi32, #tpu.memory_space<hbm>>) target(%arg12 : memref<128x64xi32, #tpu.memory_space<vmem>>) offsets(%dma_start3A_213 : memref<128xi32, #tpu.memory_space<vmem>>) semaphore(%arg23 : memref<!tpu.dma_semaphore, #tpu.memory_space<semaphore_mem>>)
      } else {
      }
      %lt3A_160 = arith.cmpi slt, %add3A_151, %add3A_3 : i32
      %convert_element_type3A_161 = arith.extui %lt3A_160 : i1 to i32
      %cond3A_162 = arith.constant 0 : i32
      %cond3A_163 = arith.cmpi ne, %convert_element_type3A_161, %cond3A_162 : i32
      scf.if %cond3A_163 {
        %dma_wait3A_197 = arith.constant 0 : i32
        %dma_wait3A_198 = tpu.memref_slice %arg6[%dma_wait3A_197] : memref<10112xi32, #tpu.memory_space<vmem>> -> memref<128xi32, #tpu.memory_space<vmem>>
        %dma_wait3A_199 = arith.constant 0 : i32
        %dma_wait3A_200 = arith.constant 0 : i32
        %dma_wait3A_201 = tpu.memref_slice %arg5[%arg0, %dma_wait3A_199, %dma_wait3A_200] : memref<2x10000x64xi32, #tpu.memory_space<hbm>> -> memref<1x10000x64xi32, #tpu.memory_space<hbm>>
        %dma_wait3A_202 = tpu.memref_squeeze %dma_wait3A_201 : memref<1x10000x64xi32, #tpu.memory_space<hbm>> -> memref<10000x64xi32, #tpu.memory_space<hbm>>
        %dma_wait3A_203 = arith.constant 0 : i32
        %dma_wait3A_204 = arith.constant 0 : i32
        %dma_wait3A_205 = tpu.memref_slice %dma_wait3A_202[%dma_wait3A_203, %dma_wait3A_204] : memref<10000x64xi32, #tpu.memory_space<hbm>> -> memref<10000x64xi32, #tpu.memory_space<hbm>>
        tpu.wait_indirect_dma semaphore(%arg20 : memref<!tpu.dma_semaphore, #tpu.memory_space<semaphore_mem>>) src(%dma_wait3A_205 : memref<10000x64xi32, #tpu.memory_space<hbm>>) dst(%arg9 : memref<128x64xi32, #tpu.memory_space<vmem>>)
        %dma_wait3A_206 = arith.constant 0 : i32
        %dma_wait3A_207 = tpu.memref_slice %arg7[%dma_wait3A_206] : memref<10112xi32, #tpu.memory_space<vmem>> -> memref<128xi32, #tpu.memory_space<vmem>>
        %dma_wait3A_208 = arith.constant 0 : i32
        %dma_wait3A_209 = arith.constant 0 : i32
        %dma_wait3A_210 = tpu.memref_slice %arg5[%arg0, %dma_wait3A_208, %dma_wait3A_209] : memref<2x10000x64xi32, #tpu.memory_space<hbm>> -> memref<1x10000x64xi32, #tpu.memory_space<hbm>>
        %dma_wait3A_211 = tpu.memref_squeeze %dma_wait3A_210 : memref<1x10000x64xi32, #tpu.memory_space<hbm>> -> memref<10000x64xi32, #tpu.memory_space<hbm>>
        %dma_wait3A_212 = arith.constant 0 : i32
        %dma_wait3A_213 = arith.constant 0 : i32
        %dma_wait3A_214 = tpu.memref_slice %dma_wait3A_211[%dma_wait3A_212, %dma_wait3A_213] : memref<10000x64xi32, #tpu.memory_space<hbm>> -> memref<10000x64xi32, #tpu.memory_space<hbm>>
        tpu.wait_indirect_dma semaphore(%arg24 : memref<!tpu.dma_semaphore, #tpu.memory_space<semaphore_mem>>) src(%dma_wait3A_214 : memref<10000x64xi32, #tpu.memory_space<hbm>>) dst(%arg13 : memref<128x64xi32, #tpu.memory_space<vmem>>)
        %parallel_loop3A_215 = arith.constant 0 : i32
        %parallel_loop3A_216 = arith.constant 128 : i32
        %parallel_loop3A_217 = arith.constant 1 : i32
        scf.for %parallel_loop3A_218 = %parallel_loop3A_215 to %parallel_loop3A_216 step %parallel_loop3A_217  : i32 {
          %parallel_loop3A_219 = arith.index_cast %parallel_loop3A_218 : i32 to index
          %parallel_loop3A_220 = arith.constant 0 : index
          %parallel_loop3A_221 = tpu.vector_load %arg9[%parallel_loop3A_219, %parallel_loop3A_220] {strides = array<i32>} : memref<128x64xi32, #tpu.memory_space<vmem>>, vector<16xi32>,
          %parallel_loop3A_222 = vector.bitcast %parallel_loop3A_221 : vector<16xi32> to vector<32xbf16>
          %parallel_loop3A_223 = arith.index_cast %parallel_loop3A_218 : i32 to index
          %parallel_loop3A_224 = arith.constant 0 : index
          %parallel_loop3A_225 = tpu.vector_load %arg13[%parallel_loop3A_223, %parallel_loop3A_224] {strides = array<i32>} : memref<128x64xi32, #tpu.memory_space<vmem>>, vector<16xi32>,
          %parallel_loop3A_226 = vector.bitcast %parallel_loop3A_225 : vector<16xi32> to vector<32xbf16>
          %parallel_loop3A_227 = arith.mulf %parallel_loop3A_222, %parallel_loop3A_226 : vector<32xbf16>
          %parallel_loop3A_228 = tpu.unpack_subelements %parallel_loop3A_227, 0 {pack_format = #tpu.pack_format<interleaved>} : vector<32xbf16> -> vector<16xf32>
          %parallel_loop3A_229 = tpu.unpack_subelements %parallel_loop3A_227, 1 {pack_format = #tpu.pack_format<interleaved>} : vector<32xbf16> -> vector<16xf32>
          %parallel_loop3A_230 = arith.addf %parallel_loop3A_228, %parallel_loop3A_229 : vector<16xf32>
          %parallel_loop3A_231 = arith.index_cast %parallel_loop3A_218 : i32 to index
          %parallel_loop3A_232 = arith.constant 16 : index
          %parallel_loop3A_233 = tpu.vector_load %arg9[%parallel_loop3A_231, %parallel_loop3A_232] {strides = array<i32>} : memref<128x64xi32, #tpu.memory_space<vmem>>, vector<16xi32>,
          %parallel_loop3A_234 = vector.bitcast %parallel_loop3A_233 : vector<16xi32> to vector<32xbf16>
          %parallel_loop3A_235 = arith.index_cast %parallel_loop3A_218 : i32 to index
          %parallel_loop3A_236 = arith.constant 16 : index
          %parallel_loop3A_237 = tpu.vector_load %arg13[%parallel_loop3A_235, %parallel_loop3A_236] {strides = array<i32>} : memref<128x64xi32, #tpu.memory_space<vmem>>, vector<16xi32>,
          %parallel_loop3A_238 = vector.bitcast %parallel_loop3A_237 : vector<16xi32> to vector<32xbf16>
          %parallel_loop3A_239 = arith.mulf %parallel_loop3A_234, %parallel_loop3A_238 : vector<32xbf16>
          %parallel_loop3A_240 = tpu.unpack_subelements %parallel_loop3A_239, 0 {pack_format = #tpu.pack_format<interleaved>} : vector<32xbf16> -> vector<16xf32>
          %parallel_loop3A_241 = tpu.unpack_subelements %parallel_loop3A_239, 1 {pack_format = #tpu.pack_format<interleaved>} : vector<32xbf16> -> vector<16xf32>
          %parallel_loop3A_242 = arith.addf %parallel_loop3A_240, %parallel_loop3A_241 : vector<16xf32>
          %parallel_loop3A_243 = arith.addf %parallel_loop3A_230, %parallel_loop3A_242 : vector<16xf32>
          %parallel_loop3A_244 = arith.index_cast %parallel_loop3A_218 : i32 to index
          %parallel_loop3A_245 = arith.constant 32 : index
          %parallel_loop3A_246 = tpu.vector_load %arg9[%parallel_loop3A_244, %parallel_loop3A_245] {strides = array<i32>} : memref<128x64xi32, #tpu.memory_space<vmem>>, vector<16xi32>,
          %parallel_loop3A_247 = vector.bitcast %parallel_loop3A_246 : vector<16xi32> to vector<32xbf16>
          %parallel_loop3A_248 = arith.index_cast %parallel_loop3A_218 : i32 to index
          %parallel_loop3A_249 = arith.constant 32 : index
          %parallel_loop3A_250 = tpu.vector_load %arg13[%parallel_loop3A_248, %parallel_loop3A_249] {strides = array<i32>} : memref<128x64xi32, #tpu.memory_space<vmem>>, vector<16xi32>,
          %parallel_loop3A_251 = vector.bitcast %parallel_loop3A_250 : vector<16xi32> to vector<32xbf16>
          %parallel_loop3A_252 = arith.mulf %parallel_loop3A_247, %parallel_loop3A_251 : vector<32xbf16>
          %parallel_loop3A_253 = tpu.unpack_subelements %parallel_loop3A_252, 0 {pack_format = #tpu.pack_format<interleaved>} : vector<32xbf16> -> vector<16xf32>
          %parallel_loop3A_254 = tpu.unpack_subelements %parallel_loop3A_252, 1 {pack_format = #tpu.pack_format<interleaved>} : vector<32xbf16> -> vector<16xf32>
          %parallel_loop3A_255 = arith.addf %parallel_loop3A_253, %parallel_loop3A_254 : vector<16xf32>
          %parallel_loop3A_256 = arith.addf %parallel_loop3A_243, %parallel_loop3A_255 : vector<16xf32>
          %parallel_loop3A_257 = arith.index_cast %parallel_loop3A_218 : i32 to index
          %parallel_loop3A_258 = arith.constant 48 : index
          %parallel_loop3A_259 = tpu.vector_load %arg9[%parallel_loop3A_257, %parallel_loop3A_258] {strides = array<i32>} : memref<128x64xi32, #tpu.memory_space<vmem>>, vector<16xi32>,
          %parallel_loop3A_260 = vector.bitcast %parallel_loop3A_259 : vector<16xi32> to vector<32xbf16>
          %parallel_loop3A_261 = arith.index_cast %parallel_loop3A_218 : i32 to index
          %parallel_loop3A_262 = arith.constant 48 : index
          %parallel_loop3A_263 = tpu.vector_load %arg13[%parallel_loop3A_261, %parallel_loop3A_262] {strides = array<i32>} : memref<128x64xi32, #tpu.memory_space<vmem>>, vector<16xi32>,
          %parallel_loop3A_264 = vector.bitcast %parallel_loop3A_263 : vector<16xi32> to vector<32xbf16>
          %parallel_loop3A_265 = arith.mulf %parallel_loop3A_260, %parallel_loop3A_264 : vector<32xbf16>
          %parallel_loop3A_266 = tpu.unpack_subelements %parallel_loop3A_265, 0 {pack_format = #tpu.pack_format<interleaved>} : vector<32xbf16> -> vector<16xf32>
          %parallel_loop3A_267 = tpu.unpack_subelements %parallel_loop3A_265, 1 {pack_format = #tpu.pack_format<interleaved>} : vector<32xbf16> -> vector<16xf32>
          %parallel_loop3A_268 = arith.addf %parallel_loop3A_266, %parallel_loop3A_267 : vector<16xf32>
          %parallel_loop3A_269 = arith.addf %parallel_loop3A_256, %parallel_loop3A_268 : vector<16xf32>
          %parallel_loop3A_270 = arith.constant true
          %parallel_loop3A_271 = vector.broadcast %parallel_loop3A_270 : i1 to vector<16xi1>
          %parallel_loop3A_272 = tpu.scan <sum>, %parallel_loop3A_269 masked %parallel_loop3A_271 : vector<16xf32>, vector<16xi1> -> vector<16xf32>
          %parallel_loop3A_273 = arith.constant 128 : i32
          %parallel_loop3A_274 = arith.muli %add3A_151, %parallel_loop3A_273 : i32
          %parallel_loop3A_275 = arith.addi %parallel_loop3A_274, %parallel_loop3A_218 : i32
          %parallel_loop3A_276 = arith.constant 15 : i32
          %parallel_loop3A_277 = vector.broadcast %parallel_loop3A_276 : i32 to vector<16xi32>
          %parallel_loop3A_278 = arith.cmpi eq, %iota3A, %parallel_loop3A_277 : vector<16xi32>
          %parallel_loop3A_279 = arith.index_cast %parallel_loop3A_275 : i32 to index
          %parallel_loop3A_280 = tpu.vector_load %arg16[%parallel_loop3A_279] masked %parallel_loop3A_278 {strides = array<i32>} : memref<10128xf32, #tpu.memory_space<vmem>>, vector<16xf32>, vector<16xi1>
          tpu.vector_store %arg16[%parallel_loop3A_279], %parallel_loop3A_272 masked %parallel_loop3A_278 {strides = array<i32>} : memref<10128xf32, #tpu.memory_space<vmem>>, vector<16xf32>, vector<16xi1>
        } {sc.loop_unroll_factor = 8 : i64, sc.parallel_access}
      } else {
      }
      %mul3A_164 = arith.constant 4 : i32
      %mul3A_165 = arith.muli %while3A_130, %mul3A_164 : i32
      %add3A_166 = arith.constant 2 : i32
      %add3A_167 = arith.addi %mul3A_165, %add3A_166 : i32
      %add3A_168 = arith.constant 4 : i32
      %add3A_169 = arith.addi %add3A_167, %add3A_168 : i32
      %sub3A_170 = arith.constant 1 : i32
      %sub3A_171 = arith.subi %add3A_169, %sub3A_170 : i32
      %lt3A_172 = arith.cmpi slt, %sub3A_171, %add3A_3 : i32
      %convert_element_type3A_173 = arith.extui %lt3A_172 : i1 to i32
      %cond3A_174 = arith.constant 0 : i32
      %cond3A_175 = arith.cmpi ne, %convert_element_type3A_173, %cond3A_174 : i32
      scf.if %cond3A_175 {
        %add3A_197 = arith.constant 4 : i32
        %add3A_198 = arith.addi %add3A_167, %add3A_197 : i32
        %sub3A_199 = arith.constant 1 : i32
        %sub3A_200 = arith.subi %add3A_198, %sub3A_199 : i32
        %mul3A_201 = arith.constant 128 : i32
        %mul3A_202 = arith.muli %sub3A_200, %mul3A_201 : i32
        %dma_start3A_203 = tpu.memref_slice %arg6[%mul3A_202] : memref<10112xi32, #tpu.memory_space<vmem>> -> memref<128xi32, #tpu.memory_space<vmem>>
        %dma_start3A_204 = arith.constant 0 : i32
        %dma_start3A_205 = arith.constant 0 : i32
        %dma_start3A_206 = tpu.memref_slice %arg5[%arg0, %dma_start3A_204, %dma_start3A_205] : memref<2x10000x64xi32, #tpu.memory_space<hbm>> -> memref<1x10000x64xi32, #tpu.memory_space<hbm>>
        %dma_start3A_207 = tpu.memref_squeeze %dma_start3A_206 : memref<1x10000x64xi32, #tpu.memory_space<hbm>> -> memref<10000x64xi32, #tpu.memory_space<hbm>>
        %dma_start3A_208 = arith.constant 0 : i32
        %dma_start3A_209 = arith.constant 0 : i32
        %dma_start3A_210 = tpu.memref_slice %dma_start3A_207[%dma_start3A_208, %dma_start3A_209] : memref<10000x64xi32, #tpu.memory_space<hbm>> -> memref<10000x64xi32, #tpu.memory_space<hbm>>
        tpu.enqueue_indirect_dma source(%dma_start3A_210 : memref<10000x64xi32, #tpu.memory_space<hbm>>) target(%arg9 : memref<128x64xi32, #tpu.memory_space<vmem>>) offsets(%dma_start3A_203 : memref<128xi32, #tpu.memory_space<vmem>>) semaphore(%arg20 : memref<!tpu.dma_semaphore, #tpu.memory_space<semaphore_mem>>)
        %mul3A_211 = arith.constant 128 : i32
        %mul3A_212 = arith.muli %sub3A_200, %mul3A_211 : i32
        %dma_start3A_213 = tpu.memref_slice %arg7[%mul3A_212] : memref<10112xi32, #tpu.memory_space<vmem>> -> memref<128xi32, #tpu.memory_space<vmem>>
        %dma_start3A_214 = arith.constant 0 : i32
        %dma_start3A_215 = arith.constant 0 : i32
        %dma_start3A_216 = tpu.memref_slice %arg5[%arg0, %dma_start3A_214, %dma_start3A_215] : memref<2x10000x64xi32, #tpu.memory_space<hbm>> -> memref<1x10000x64xi32, #tpu.memory_space<hbm>>
        %dma_start3A_217 = tpu.memref_squeeze %dma_start3A_216 : memref<1x10000x64xi32, #tpu.memory_space<hbm>> -> memref<10000x64xi32, #tpu.memory_space<hbm>>
        %dma_start3A_218 = arith.constant 0 : i32
        %dma_start3A_219 = arith.constant 0 : i32
        %dma_start3A_220 = tpu.memref_slice %dma_start3A_217[%dma_start3A_218, %dma_start3A_219] : memref<10000x64xi32, #tpu.memory_space<hbm>> -> memref<10000x64xi32, #tpu.memory_space<hbm>>
        tpu.enqueue_indirect_dma source(%dma_start3A_220 : memref<10000x64xi32, #tpu.memory_space<hbm>>) target(%arg13 : memref<128x64xi32, #tpu.memory_space<vmem>>) offsets(%dma_start3A_213 : memref<128xi32, #tpu.memory_space<vmem>>) semaphore(%arg24 : memref<!tpu.dma_semaphore, #tpu.memory_space<semaphore_mem>>)
      } else {
      }
      %lt3A_176 = arith.cmpi slt, %add3A_167, %add3A_3 : i32
      %convert_element_type3A_177 = arith.extui %lt3A_176 : i1 to i32
      %cond3A_178 = arith.constant 0 : i32
      %cond3A_179 = arith.cmpi ne, %convert_element_type3A_177, %cond3A_178 : i32
      scf.if %cond3A_179 {
        %dma_wait3A_197 = arith.constant 0 : i32
        %dma_wait3A_198 = tpu.memref_slice %arg6[%dma_wait3A_197] : memref<10112xi32, #tpu.memory_space<vmem>> -> memref<128xi32, #tpu.memory_space<vmem>>
        %dma_wait3A_199 = arith.constant 0 : i32
        %dma_wait3A_200 = arith.constant 0 : i32
        %dma_wait3A_201 = tpu.memref_slice %arg5[%arg0, %dma_wait3A_199, %dma_wait3A_200] : memref<2x10000x64xi32, #tpu.memory_space<hbm>> -> memref<1x10000x64xi32, #tpu.memory_space<hbm>>
        %dma_wait3A_202 = tpu.memref_squeeze %dma_wait3A_201 : memref<1x10000x64xi32, #tpu.memory_space<hbm>> -> memref<10000x64xi32, #tpu.memory_space<hbm>>
        %dma_wait3A_203 = arith.constant 0 : i32
        %dma_wait3A_204 = arith.constant 0 : i32
        %dma_wait3A_205 = tpu.memref_slice %dma_wait3A_202[%dma_wait3A_203, %dma_wait3A_204] : memref<10000x64xi32, #tpu.memory_space<hbm>> -> memref<10000x64xi32, #tpu.memory_space<hbm>>
        tpu.wait_indirect_dma semaphore(%arg21 : memref<!tpu.dma_semaphore, #tpu.memory_space<semaphore_mem>>) src(%dma_wait3A_205 : memref<10000x64xi32, #tpu.memory_space<hbm>>) dst(%arg10 : memref<128x64xi32, #tpu.memory_space<vmem>>)
        %dma_wait3A_206 = arith.constant 0 : i32
        %dma_wait3A_207 = tpu.memref_slice %arg7[%dma_wait3A_206] : memref<10112xi32, #tpu.memory_space<vmem>> -> memref<128xi32, #tpu.memory_space<vmem>>
        %dma_wait3A_208 = arith.constant 0 : i32
        %dma_wait3A_209 = arith.constant 0 : i32
        %dma_wait3A_210 = tpu.memref_slice %arg5[%arg0, %dma_wait3A_208, %dma_wait3A_209] : memref<2x10000x64xi32, #tpu.memory_space<hbm>> -> memref<1x10000x64xi32, #tpu.memory_space<hbm>>
        %dma_wait3A_211 = tpu.memref_squeeze %dma_wait3A_210 : memref<1x10000x64xi32, #tpu.memory_space<hbm>> -> memref<10000x64xi32, #tpu.memory_space<hbm>>
        %dma_wait3A_212 = arith.constant 0 : i32
        %dma_wait3A_213 = arith.constant 0 : i32
        %dma_wait3A_214 = tpu.memref_slice %dma_wait3A_211[%dma_wait3A_212, %dma_wait3A_213] : memref<10000x64xi32, #tpu.memory_space<hbm>> -> memref<10000x64xi32, #tpu.memory_space<hbm>>
        tpu.wait_indirect_dma semaphore(%arg25 : memref<!tpu.dma_semaphore, #tpu.memory_space<semaphore_mem>>) src(%dma_wait3A_214 : memref<10000x64xi32, #tpu.memory_space<hbm>>) dst(%arg14 : memref<128x64xi32, #tpu.memory_space<vmem>>)
        %parallel_loop3A_215 = arith.constant 0 : i32
        %parallel_loop3A_216 = arith.constant 128 : i32
        %parallel_loop3A_217 = arith.constant 1 : i32
        scf.for %parallel_loop3A_218 = %parallel_loop3A_215 to %parallel_loop3A_216 step %parallel_loop3A_217  : i32 {
          %parallel_loop3A_219 = arith.index_cast %parallel_loop3A_218 : i32 to index
          %parallel_loop3A_220 = arith.constant 0 : index
          %parallel_loop3A_221 = tpu.vector_load %arg10[%parallel_loop3A_219, %parallel_loop3A_220] {strides = array<i32>} : memref<128x64xi32, #tpu.memory_space<vmem>>, vector<16xi32>,
          %parallel_loop3A_222 = vector.bitcast %parallel_loop3A_221 : vector<16xi32> to vector<32xbf16>
          %parallel_loop3A_223 = arith.index_cast %parallel_loop3A_218 : i32 to index
          %parallel_loop3A_224 = arith.constant 0 : index
          %parallel_loop3A_225 = tpu.vector_load %arg14[%parallel_loop3A_223, %parallel_loop3A_224] {strides = array<i32>} : memref<128x64xi32, #tpu.memory_space<vmem>>, vector<16xi32>,
          %parallel_loop3A_226 = vector.bitcast %parallel_loop3A_225 : vector<16xi32> to vector<32xbf16>
          %parallel_loop3A_227 = arith.mulf %parallel_loop3A_222, %parallel_loop3A_226 : vector<32xbf16>
          %parallel_loop3A_228 = tpu.unpack_subelements %parallel_loop3A_227, 0 {pack_format = #tpu.pack_format<interleaved>} : vector<32xbf16> -> vector<16xf32>
          %parallel_loop3A_229 = tpu.unpack_subelements %parallel_loop3A_227, 1 {pack_format = #tpu.pack_format<interleaved>} : vector<32xbf16> -> vector<16xf32>
          %parallel_loop3A_230 = arith.addf %parallel_loop3A_228, %parallel_loop3A_229 : vector<16xf32>
          %parallel_loop3A_231 = arith.index_cast %parallel_loop3A_218 : i32 to index
          %parallel_loop3A_232 = arith.constant 16 : index
          %parallel_loop3A_233 = tpu.vector_load %arg10[%parallel_loop3A_231, %parallel_loop3A_232] {strides = array<i32>} : memref<128x64xi32, #tpu.memory_space<vmem>>, vector<16xi32>,
          %parallel_loop3A_234 = vector.bitcast %parallel_loop3A_233 : vector<16xi32> to vector<32xbf16>
          %parallel_loop3A_235 = arith.index_cast %parallel_loop3A_218 : i32 to index
          %parallel_loop3A_236 = arith.constant 16 : index
          %parallel_loop3A_237 = tpu.vector_load %arg14[%parallel_loop3A_235, %parallel_loop3A_236] {strides = array<i32>} : memref<128x64xi32, #tpu.memory_space<vmem>>, vector<16xi32>,
          %parallel_loop3A_238 = vector.bitcast %parallel_loop3A_237 : vector<16xi32> to vector<32xbf16>
          %parallel_loop3A_239 = arith.mulf %parallel_loop3A_234, %parallel_loop3A_238 : vector<32xbf16>
          %parallel_loop3A_240 = tpu.unpack_subelements %parallel_loop3A_239, 0 {pack_format = #tpu.pack_format<interleaved>} : vector<32xbf16> -> vector<16xf32>
          %parallel_loop3A_241 = tpu.unpack_subelements %parallel_loop3A_239, 1 {pack_format = #tpu.pack_format<interleaved>} : vector<32xbf16> -> vector<16xf32>
          %parallel_loop3A_242 = arith.addf %parallel_loop3A_240, %parallel_loop3A_241 : vector<16xf32>
          %parallel_loop3A_243 = arith.addf %parallel_loop3A_230, %parallel_loop3A_242 : vector<16xf32>
          %parallel_loop3A_244 = arith.index_cast %parallel_loop3A_218 : i32 to index
          %parallel_loop3A_245 = arith.constant 32 : index
          %parallel_loop3A_246 = tpu.vector_load %arg10[%parallel_loop3A_244, %parallel_loop3A_245] {strides = array<i32>} : memref<128x64xi32, #tpu.memory_space<vmem>>, vector<16xi32>,
          %parallel_loop3A_247 = vector.bitcast %parallel_loop3A_246 : vector<16xi32> to vector<32xbf16>
          %parallel_loop3A_248 = arith.index_cast %parallel_loop3A_218 : i32 to index
          %parallel_loop3A_249 = arith.constant 32 : index
          %parallel_loop3A_250 = tpu.vector_load %arg14[%parallel_loop3A_248, %parallel_loop3A_249] {strides = array<i32>} : memref<128x64xi32, #tpu.memory_space<vmem>>, vector<16xi32>,
          %parallel_loop3A_251 = vector.bitcast %parallel_loop3A_250 : vector<16xi32> to vector<32xbf16>
          %parallel_loop3A_252 = arith.mulf %parallel_loop3A_247, %parallel_loop3A_251 : vector<32xbf16>
          %parallel_loop3A_253 = tpu.unpack_subelements %parallel_loop3A_252, 0 {pack_format = #tpu.pack_format<interleaved>} : vector<32xbf16> -> vector<16xf32>
          %parallel_loop3A_254 = tpu.unpack_subelements %parallel_loop3A_252, 1 {pack_format = #tpu.pack_format<interleaved>} : vector<32xbf16> -> vector<16xf32>
          %parallel_loop3A_255 = arith.addf %parallel_loop3A_253, %parallel_loop3A_254 : vector<16xf32>
          %parallel_loop3A_256 = arith.addf %parallel_loop3A_243, %parallel_loop3A_255 : vector<16xf32>
          %parallel_loop3A_257 = arith.index_cast %parallel_loop3A_218 : i32 to index
          %parallel_loop3A_258 = arith.constant 48 : index
          %parallel_loop3A_259 = tpu.vector_load %arg10[%parallel_loop3A_257, %parallel_loop3A_258] {strides = array<i32>} : memref<128x64xi32, #tpu.memory_space<vmem>>, vector<16xi32>,
          %parallel_loop3A_260 = vector.bitcast %parallel_loop3A_259 : vector<16xi32> to vector<32xbf16>
          %parallel_loop3A_261 = arith.index_cast %parallel_loop3A_218 : i32 to index
          %parallel_loop3A_262 = arith.constant 48 : index
          %parallel_loop3A_263 = tpu.vector_load %arg14[%parallel_loop3A_261, %parallel_loop3A_262] {strides = array<i32>} : memref<128x64xi32, #tpu.memory_space<vmem>>, vector<16xi32>,
          %parallel_loop3A_264 = vector.bitcast %parallel_loop3A_263 : vector<16xi32> to vector<32xbf16>
          %parallel_loop3A_265 = arith.mulf %parallel_loop3A_260, %parallel_loop3A_264 : vector<32xbf16>
          %parallel_loop3A_266 = tpu.unpack_subelements %parallel_loop3A_265, 0 {pack_format = #tpu.pack_format<interleaved>} : vector<32xbf16> -> vector<16xf32>
          %parallel_loop3A_267 = tpu.unpack_subelements %parallel_loop3A_265, 1 {pack_format = #tpu.pack_format<interleaved>} : vector<32xbf16> -> vector<16xf32>
          %parallel_loop3A_268 = arith.addf %parallel_loop3A_266, %parallel_loop3A_267 : vector<16xf32>
          %parallel_loop3A_269 = arith.addf %parallel_loop3A_256, %parallel_loop3A_268 : vector<16xf32>
          %parallel_loop3A_270 = arith.constant true
          %parallel_loop3A_271 = vector.broadcast %parallel_loop3A_270 : i1 to vector<16xi1>
          %parallel_loop3A_272 = tpu.scan <sum>, %parallel_loop3A_269 masked %parallel_loop3A_271 : vector<16xf32>, vector<16xi1> -> vector<16xf32>
          %parallel_loop3A_273 = arith.constant 128 : i32
          %parallel_loop3A_274 = arith.muli %add3A_167, %parallel_loop3A_273 : i32
          %parallel_loop3A_275 = arith.addi %parallel_loop3A_274, %parallel_loop3A_218 : i32
          %parallel_loop3A_276 = arith.constant 15 : i32
          %parallel_loop3A_277 = vector.broadcast %parallel_loop3A_276 : i32 to vector<16xi32>
          %parallel_loop3A_278 = arith.cmpi eq, %iota3A, %parallel_loop3A_277 : vector<16xi32>
          %parallel_loop3A_279 = arith.index_cast %parallel_loop3A_275 : i32 to index
          %parallel_loop3A_280 = tpu.vector_load %arg16[%parallel_loop3A_279] masked %parallel_loop3A_278 {strides = array<i32>} : memref<10128xf32, #tpu.memory_space<vmem>>, vector<16xf32>, vector<16xi1>
          tpu.vector_store %arg16[%parallel_loop3A_279], %parallel_loop3A_272 masked %parallel_loop3A_278 {strides = array<i32>} : memref<10128xf32, #tpu.memory_space<vmem>>, vector<16xf32>, vector<16xi1>
        } {sc.loop_unroll_factor = 8 : i64, sc.parallel_access}
      } else {
      }
      %mul3A_180 = arith.constant 4 : i32
      %mul3A_181 = arith.muli %while3A_130, %mul3A_180 : i32
      %add3A_182 = arith.constant 3 : i32
      %add3A_183 = arith.addi %mul3A_181, %add3A_182 : i32
      %add3A_184 = arith.constant 4 : i32
      %add3A_185 = arith.addi %add3A_183, %add3A_184 : i32
      %sub3A_186 = arith.constant 1 : i32
      %sub3A_187 = arith.subi %add3A_185, %sub3A_186 : i32
      %lt3A_188 = arith.cmpi slt, %sub3A_187, %add3A_3 : i32
      %convert_element_type3A_189 = arith.extui %lt3A_188 : i1 to i32
      %cond3A_190 = arith.constant 0 : i32
      %cond3A_191 = arith.cmpi ne, %convert_element_type3A_189, %cond3A_190 : i32
      scf.if %cond3A_191 {
        %add3A_197 = arith.constant 4 : i32
        %add3A_198 = arith.addi %add3A_183, %add3A_197 : i32
        %sub3A_199 = arith.constant 1 : i32
        %sub3A_200 = arith.subi %add3A_198, %sub3A_199 : i32
        %mul3A_201 = arith.constant 128 : i32
        %mul3A_202 = arith.muli %sub3A_200, %mul3A_201 : i32
        %dma_start3A_203 = tpu.memref_slice %arg6[%mul3A_202] : memref<10112xi32, #tpu.memory_space<vmem>> -> memref<128xi32, #tpu.memory_space<vmem>>
        %dma_start3A_204 = arith.constant 0 : i32
        %dma_start3A_205 = arith.constant 0 : i32
        %dma_start3A_206 = tpu.memref_slice %arg5[%arg0, %dma_start3A_204, %dma_start3A_205] : memref<2x10000x64xi32, #tpu.memory_space<hbm>> -> memref<1x10000x64xi32, #tpu.memory_space<hbm>>
        %dma_start3A_207 = tpu.memref_squeeze %dma_start3A_206 : memref<1x10000x64xi32, #tpu.memory_space<hbm>> -> memref<10000x64xi32, #tpu.memory_space<hbm>>
        %dma_start3A_208 = arith.constant 0 : i32
        %dma_start3A_209 = arith.constant 0 : i32
        %dma_start3A_210 = tpu.memref_slice %dma_start3A_207[%dma_start3A_208, %dma_start3A_209] : memref<10000x64xi32, #tpu.memory_space<hbm>> -> memref<10000x64xi32, #tpu.memory_space<hbm>>
        tpu.enqueue_indirect_dma source(%dma_start3A_210 : memref<10000x64xi32, #tpu.memory_space<hbm>>) target(%arg10 : memref<128x64xi32, #tpu.memory_space<vmem>>) offsets(%dma_start3A_203 : memref<128xi32, #tpu.memory_space<vmem>>) semaphore(%arg21 : memref<!tpu.dma_semaphore, #tpu.memory_space<semaphore_mem>>)
        %mul3A_211 = arith.constant 128 : i32
        %mul3A_212 = arith.muli %sub3A_200, %mul3A_211 : i32
        %dma_start3A_213 = tpu.memref_slice %arg7[%mul3A_212] : memref<10112xi32, #tpu.memory_space<vmem>> -> memref<128xi32, #tpu.memory_space<vmem>>
        %dma_start3A_214 = arith.constant 0 : i32
        %dma_start3A_215 = arith.constant 0 : i32
        %dma_start3A_216 = tpu.memref_slice %arg5[%arg0, %dma_start3A_214, %dma_start3A_215] : memref<2x10000x64xi32, #tpu.memory_space<hbm>> -> memref<1x10000x64xi32, #tpu.memory_space<hbm>>
        %dma_start3A_217 = tpu.memref_squeeze %dma_start3A_216 : memref<1x10000x64xi32, #tpu.memory_space<hbm>> -> memref<10000x64xi32, #tpu.memory_space<hbm>>
        %dma_start3A_218 = arith.constant 0 : i32
        %dma_start3A_219 = arith.constant 0 : i32
        %dma_start3A_220 = tpu.memref_slice %dma_start3A_217[%dma_start3A_218, %dma_start3A_219] : memref<10000x64xi32, #tpu.memory_space<hbm>> -> memref<10000x64xi32, #tpu.memory_space<hbm>>
        tpu.enqueue_indirect_dma source(%dma_start3A_220 : memref<10000x64xi32, #tpu.memory_space<hbm>>) target(%arg14 : memref<128x64xi32, #tpu.memory_space<vmem>>) offsets(%dma_start3A_213 : memref<128xi32, #tpu.memory_space<vmem>>) semaphore(%arg25 : memref<!tpu.dma_semaphore, #tpu.memory_space<semaphore_mem>>)
      } else {
      }
      %lt3A_192 = arith.cmpi slt, %add3A_183, %add3A_3 : i32
      %convert_element_type3A_193 = arith.extui %lt3A_192 : i1 to i32
      %cond3A_194 = arith.constant 0 : i32
      %cond3A_195 = arith.cmpi ne, %convert_element_type3A_193, %cond3A_194 : i32
      scf.if %cond3A_195 {
        %dma_wait3A_197 = arith.constant 0 : i32
        %dma_wait3A_198 = tpu.memref_slice %arg6[%dma_wait3A_197] : memref<10112xi32, #tpu.memory_space<vmem>> -> memref<128xi32, #tpu.memory_space<vmem>>
        %dma_wait3A_199 = arith.constant 0 : i32
        %dma_wait3A_200 = arith.constant 0 : i32
        %dma_wait3A_201 = tpu.memref_slice %arg5[%arg0, %dma_wait3A_199, %dma_wait3A_200] : memref<2x10000x64xi32, #tpu.memory_space<hbm>> -> memref<1x10000x64xi32, #tpu.memory_space<hbm>>
        %dma_wait3A_202 = tpu.memref_squeeze %dma_wait3A_201 : memref<1x10000x64xi32, #tpu.memory_space<hbm>> -> memref<10000x64xi32, #tpu.memory_space<hbm>>
        %dma_wait3A_203 = arith.constant 0 : i32
        %dma_wait3A_204 = arith.constant 0 : i32
        %dma_wait3A_205 = tpu.memref_slice %dma_wait3A_202[%dma_wait3A_203, %dma_wait3A_204] : memref<10000x64xi32, #tpu.memory_space<hbm>> -> memref<10000x64xi32, #tpu.memory_space<hbm>>
        tpu.wait_indirect_dma semaphore(%arg22 : memref<!tpu.dma_semaphore, #tpu.memory_space<semaphore_mem>>) src(%dma_wait3A_205 : memref<10000x64xi32, #tpu.memory_space<hbm>>) dst(%arg11 : memref<128x64xi32, #tpu.memory_space<vmem>>)
        %dma_wait3A_206 = arith.constant 0 : i32
        %dma_wait3A_207 = tpu.memref_slice %arg7[%dma_wait3A_206] : memref<10112xi32, #tpu.memory_space<vmem>> -> memref<128xi32, #tpu.memory_space<vmem>>
        %dma_wait3A_208 = arith.constant 0 : i32
        %dma_wait3A_209 = arith.constant 0 : i32
        %dma_wait3A_210 = tpu.memref_slice %arg5[%arg0, %dma_wait3A_208, %dma_wait3A_209] : memref<2x10000x64xi32, #tpu.memory_space<hbm>> -> memref<1x10000x64xi32, #tpu.memory_space<hbm>>
        %dma_wait3A_211 = tpu.memref_squeeze %dma_wait3A_210 : memref<1x10000x64xi32, #tpu.memory_space<hbm>> -> memref<10000x64xi32, #tpu.memory_space<hbm>>
        %dma_wait3A_212 = arith.constant 0 : i32
        %dma_wait3A_213 = arith.constant 0 : i32
        %dma_wait3A_214 = tpu.memref_slice %dma_wait3A_211[%dma_wait3A_212, %dma_wait3A_213] : memref<10000x64xi32, #tpu.memory_space<hbm>> -> memref<10000x64xi32, #tpu.memory_space<hbm>>
        tpu.wait_indirect_dma semaphore(%arg26 : memref<!tpu.dma_semaphore, #tpu.memory_space<semaphore_mem>>) src(%dma_wait3A_214 : memref<10000x64xi32, #tpu.memory_space<hbm>>) dst(%arg15 : memref<128x64xi32, #tpu.memory_space<vmem>>)
        %parallel_loop3A_215 = arith.constant 0 : i32
        %parallel_loop3A_216 = arith.constant 128 : i32
        %parallel_loop3A_217 = arith.constant 1 : i32
        scf.for %parallel_loop3A_218 = %parallel_loop3A_215 to %parallel_loop3A_216 step %parallel_loop3A_217  : i32 {
          %parallel_loop3A_219 = arith.index_cast %parallel_loop3A_218 : i32 to index
          %parallel_loop3A_220 = arith.constant 0 : index
          %parallel_loop3A_221 = tpu.vector_load %arg11[%parallel_loop3A_219, %parallel_loop3A_220] {strides = array<i32>} : memref<128x64xi32, #tpu.memory_space<vmem>>, vector<16xi32>,
          %parallel_loop3A_222 = vector.bitcast %parallel_loop3A_221 : vector<16xi32> to vector<32xbf16>
          %parallel_loop3A_223 = arith.index_cast %parallel_loop3A_218 : i32 to index
          %parallel_loop3A_224 = arith.constant 0 : index
          %parallel_loop3A_225 = tpu.vector_load %arg15[%parallel_loop3A_223, %parallel_loop3A_224] {strides = array<i32>} : memref<128x64xi32, #tpu.memory_space<vmem>>, vector<16xi32>,
          %parallel_loop3A_226 = vector.bitcast %parallel_loop3A_225 : vector<16xi32> to vector<32xbf16>
          %parallel_loop3A_227 = arith.mulf %parallel_loop3A_222, %parallel_loop3A_226 : vector<32xbf16>
          %parallel_loop3A_228 = tpu.unpack_subelements %parallel_loop3A_227, 0 {pack_format = #tpu.pack_format<interleaved>} : vector<32xbf16> -> vector<16xf32>
          %parallel_loop3A_229 = tpu.unpack_subelements %parallel_loop3A_227, 1 {pack_format = #tpu.pack_format<interleaved>} : vector<32xbf16> -> vector<16xf32>
          %parallel_loop3A_230 = arith.addf %parallel_loop3A_228, %parallel_loop3A_229 : vector<16xf32>
          %parallel_loop3A_231 = arith.index_cast %parallel_loop3A_218 : i32 to index
          %parallel_loop3A_232 = arith.constant 16 : index
          %parallel_loop3A_233 = tpu.vector_load %arg11[%parallel_loop3A_231, %parallel_loop3A_232] {strides = array<i32>} : memref<128x64xi32, #tpu.memory_space<vmem>>, vector<16xi32>,
          %parallel_loop3A_234 = vector.bitcast %parallel_loop3A_233 : vector<16xi32> to vector<32xbf16>
          %parallel_loop3A_235 = arith.index_cast %parallel_loop3A_218 : i32 to index
          %parallel_loop3A_236 = arith.constant 16 : index
          %parallel_loop3A_237 = tpu.vector_load %arg15[%parallel_loop3A_235, %parallel_loop3A_236] {strides = array<i32>} : memref<128x64xi32, #tpu.memory_space<vmem>>, vector<16xi32>,
          %parallel_loop3A_238 = vector.bitcast %parallel_loop3A_237 : vector<16xi32> to vector<32xbf16>
          %parallel_loop3A_239 = arith.mulf %parallel_loop3A_234, %parallel_loop3A_238 : vector<32xbf16>
          %parallel_loop3A_240 = tpu.unpack_subelements %parallel_loop3A_239, 0 {pack_format = #tpu.pack_format<interleaved>} : vector<32xbf16> -> vector<16xf32>
          %parallel_loop3A_241 = tpu.unpack_subelements %parallel_loop3A_239, 1 {pack_format = #tpu.pack_format<interleaved>} : vector<32xbf16> -> vector<16xf32>
          %parallel_loop3A_242 = arith.addf %parallel_loop3A_240, %parallel_loop3A_241 : vector<16xf32>
          %parallel_loop3A_243 = arith.addf %parallel_loop3A_230, %parallel_loop3A_242 : vector<16xf32>
          %parallel_loop3A_244 = arith.index_cast %parallel_loop3A_218 : i32 to index
          %parallel_loop3A_245 = arith.constant 32 : index
          %parallel_loop3A_246 = tpu.vector_load %arg11[%parallel_loop3A_244, %parallel_loop3A_245] {strides = array<i32>} : memref<128x64xi32, #tpu.memory_space<vmem>>, vector<16xi32>,
          %parallel_loop3A_247 = vector.bitcast %parallel_loop3A_246 : vector<16xi32> to vector<32xbf16>
          %parallel_loop3A_248 = arith.index_cast %parallel_loop3A_218 : i32 to index
          %parallel_loop3A_249 = arith.constant 32 : index
          %parallel_loop3A_250 = tpu.vector_load %arg15[%parallel_loop3A_248, %parallel_loop3A_249] {strides = array<i32>} : memref<128x64xi32, #tpu.memory_space<vmem>>, vector<16xi32>,
          %parallel_loop3A_251 = vector.bitcast %parallel_loop3A_250 : vector<16xi32> to vector<32xbf16>
          %parallel_loop3A_252 = arith.mulf %parallel_loop3A_247, %parallel_loop3A_251 : vector<32xbf16>
          %parallel_loop3A_253 = tpu.unpack_subelements %parallel_loop3A_252, 0 {pack_format = #tpu.pack_format<interleaved>} : vector<32xbf16> -> vector<16xf32>
          %parallel_loop3A_254 = tpu.unpack_subelements %parallel_loop3A_252, 1 {pack_format = #tpu.pack_format<interleaved>} : vector<32xbf16> -> vector<16xf32>
          %parallel_loop3A_255 = arith.addf %parallel_loop3A_253, %parallel_loop3A_254 : vector<16xf32>
          %parallel_loop3A_256 = arith.addf %parallel_loop3A_243, %parallel_loop3A_255 : vector<16xf32>
          %parallel_loop3A_257 = arith.index_cast %parallel_loop3A_218 : i32 to index
          %parallel_loop3A_258 = arith.constant 48 : index
          %parallel_loop3A_259 = tpu.vector_load %arg11[%parallel_loop3A_257, %parallel_loop3A_258] {strides = array<i32>} : memref<128x64xi32, #tpu.memory_space<vmem>>, vector<16xi32>,
          %parallel_loop3A_260 = vector.bitcast %parallel_loop3A_259 : vector<16xi32> to vector<32xbf16>
          %parallel_loop3A_261 = arith.index_cast %parallel_loop3A_218 : i32 to index
          %parallel_loop3A_262 = arith.constant 48 : index
          %parallel_loop3A_263 = tpu.vector_load %arg15[%parallel_loop3A_261, %parallel_loop3A_262] {strides = array<i32>} : memref<128x64xi32, #tpu.memory_space<vmem>>, vector<16xi32>,
          %parallel_loop3A_264 = vector.bitcast %parallel_loop3A_263 : vector<16xi32> to vector<32xbf16>
          %parallel_loop3A_265 = arith.mulf %parallel_loop3A_260, %parallel_loop3A_264 : vector<32xbf16>
          %parallel_loop3A_266 = tpu.unpack_subelements %parallel_loop3A_265, 0 {pack_format = #tpu.pack_format<interleaved>} : vector<32xbf16> -> vector<16xf32>
          %parallel_loop3A_267 = tpu.unpack_subelements %parallel_loop3A_265, 1 {pack_format = #tpu.pack_format<interleaved>} : vector<32xbf16> -> vector<16xf32>
          %parallel_loop3A_268 = arith.addf %parallel_loop3A_266, %parallel_loop3A_267 : vector<16xf32>
          %parallel_loop3A_269 = arith.addf %parallel_loop3A_256, %parallel_loop3A_268 : vector<16xf32>
          %parallel_loop3A_270 = arith.constant true
          %parallel_loop3A_271 = vector.broadcast %parallel_loop3A_270 : i1 to vector<16xi1>
          %parallel_loop3A_272 = tpu.scan <sum>, %parallel_loop3A_269 masked %parallel_loop3A_271 : vector<16xf32>, vector<16xi1> -> vector<16xf32>
          %parallel_loop3A_273 = arith.constant 128 : i32
          %parallel_loop3A_274 = arith.muli %add3A_183, %parallel_loop3A_273 : i32
          %parallel_loop3A_275 = arith.addi %parallel_loop3A_274, %parallel_loop3A_218 : i32
          %parallel_loop3A_276 = arith.constant 15 : i32
          %parallel_loop3A_277 = vector.broadcast %parallel_loop3A_276 : i32 to vector<16xi32>
          %parallel_loop3A_278 = arith.cmpi eq, %iota3A, %parallel_loop3A_277 : vector<16xi32>
          %parallel_loop3A_279 = arith.index_cast %parallel_loop3A_275 : i32 to index
          %parallel_loop3A_280 = tpu.vector_load %arg16[%parallel_loop3A_279] masked %parallel_loop3A_278 {strides = array<i32>} : memref<10128xf32, #tpu.memory_space<vmem>>, vector<16xf32>, vector<16xi1>
          tpu.vector_store %arg16[%parallel_loop3A_279], %parallel_loop3A_272 masked %parallel_loop3A_278 {strides = array<i32>} : memref<10128xf32, #tpu.memory_space<vmem>>, vector<16xf32>, vector<16xi1>
        } {sc.loop_unroll_factor = 8 : i64, sc.parallel_access}
      } else {
      }
      %while3A_196 = arith.constant 0 : i32
      scf.yield %while3A_196 : i32
    }
    %while3A_116 = arith.constant 1 : i32
    %while3A_117 = scf.for %while3A_130 = %while3A_113 to %while3A_109 step %while3A_116 iter_args(%while3A_131 = %while3A_115) -> (i32)  : i32 {
      %mul3A_132 = arith.constant 4 : i32
      %mul3A_133 = arith.muli %while3A_130, %mul3A_132 : i32
      %add3A_134 = arith.constant 0 : i32
      %add3A_135 = arith.addi %mul3A_133, %add3A_134 : i32
      %add3A_136 = arith.constant 4 : i32
      %add3A_137 = arith.addi %add3A_135, %add3A_136 : i32
      %sub3A_138 = arith.constant 1 : i32
      %sub3A_139 = arith.subi %add3A_137, %sub3A_138 : i32
      %lt3A_140 = arith.cmpi slt, %sub3A_139, %add3A_3 : i32
      %convert_element_type3A_141 = arith.extui %lt3A_140 : i1 to i32
      %cond3A_142 = arith.constant 0 : i32
      %cond3A_143 = arith.cmpi ne, %convert_element_type3A_141, %cond3A_142 : i32
      scf.if %cond3A_143 {
        %add3A_197 = arith.constant 4 : i32
        %add3A_198 = arith.addi %add3A_135, %add3A_197 : i32
        %sub3A_199 = arith.constant 1 : i32
        %sub3A_200 = arith.subi %add3A_198, %sub3A_199 : i32
        %mul3A_201 = arith.constant 128 : i32
        %mul3A_202 = arith.muli %sub3A_200, %mul3A_201 : i32
        %dma_start3A_203 = tpu.memref_slice %arg6[%mul3A_202] : memref<10112xi32, #tpu.memory_space<vmem>> -> memref<128xi32, #tpu.memory_space<vmem>>
        %dma_start3A_204 = arith.constant 0 : i32
        %dma_start3A_205 = arith.constant 0 : i32
        %dma_start3A_206 = tpu.memref_slice %arg5[%arg0, %dma_start3A_204, %dma_start3A_205] : memref<2x10000x64xi32, #tpu.memory_space<hbm>> -> memref<1x10000x64xi32, #tpu.memory_space<hbm>>
        %dma_start3A_207 = tpu.memref_squeeze %dma_start3A_206 : memref<1x10000x64xi32, #tpu.memory_space<hbm>> -> memref<10000x64xi32, #tpu.memory_space<hbm>>
        %dma_start3A_208 = arith.constant 0 : i32
        %dma_start3A_209 = arith.constant 0 : i32
        %dma_start3A_210 = tpu.memref_slice %dma_start3A_207[%dma_start3A_208, %dma_start3A_209] : memref<10000x64xi32, #tpu.memory_space<hbm>> -> memref<10000x64xi32, #tpu.memory_space<hbm>>
        tpu.enqueue_indirect_dma source(%dma_start3A_210 : memref<10000x64xi32, #tpu.memory_space<hbm>>) target(%arg11 : memref<128x64xi32, #tpu.memory_space<vmem>>) offsets(%dma_start3A_203 : memref<128xi32, #tpu.memory_space<vmem>>) semaphore(%arg22 : memref<!tpu.dma_semaphore, #tpu.memory_space<semaphore_mem>>)
        %mul3A_211 = arith.constant 128 : i32
        %mul3A_212 = arith.muli %sub3A_200, %mul3A_211 : i32
        %dma_start3A_213 = tpu.memref_slice %arg7[%mul3A_212] : memref<10112xi32, #tpu.memory_space<vmem>> -> memref<128xi32, #tpu.memory_space<vmem>>
        %dma_start3A_214 = arith.constant 0 : i32
        %dma_start3A_215 = arith.constant 0 : i32
        %dma_start3A_216 = tpu.memref_slice %arg5[%arg0, %dma_start3A_214, %dma_start3A_215] : memref<2x10000x64xi32, #tpu.memory_space<hbm>> -> memref<1x10000x64xi32, #tpu.memory_space<hbm>>
        %dma_start3A_217 = tpu.memref_squeeze %dma_start3A_216 : memref<1x10000x64xi32, #tpu.memory_space<hbm>> -> memref<10000x64xi32, #tpu.memory_space<hbm>>
        %dma_start3A_218 = arith.constant 0 : i32
        %dma_start3A_219 = arith.constant 0 : i32
        %dma_start3A_220 = tpu.memref_slice %dma_start3A_217[%dma_start3A_218, %dma_start3A_219] : memref<10000x64xi32, #tpu.memory_space<hbm>> -> memref<10000x64xi32, #tpu.memory_space<hbm>>
        tpu.enqueue_indirect_dma source(%dma_start3A_220 : memref<10000x64xi32, #tpu.memory_space<hbm>>) target(%arg15 : memref<128x64xi32, #tpu.memory_space<vmem>>) offsets(%dma_start3A_213 : memref<128xi32, #tpu.memory_space<vmem>>) semaphore(%arg26 : memref<!tpu.dma_semaphore, #tpu.memory_space<semaphore_mem>>)
      } else {
      }
      %lt3A_144 = arith.cmpi slt, %add3A_135, %add3A_3 : i32
      %convert_element_type3A_145 = arith.extui %lt3A_144 : i1 to i32
      %cond3A_146 = arith.constant 0 : i32
      %cond3A_147 = arith.cmpi ne, %convert_element_type3A_145, %cond3A_146 : i32
      scf.if %cond3A_147 {
        %dma_wait3A_197 = arith.constant 0 : i32
        %dma_wait3A_198 = tpu.memref_slice %arg6[%dma_wait3A_197] : memref<10112xi32, #tpu.memory_space<vmem>> -> memref<128xi32, #tpu.memory_space<vmem>>
        %dma_wait3A_199 = arith.constant 0 : i32
        %dma_wait3A_200 = arith.constant 0 : i32
        %dma_wait3A_201 = tpu.memref_slice %arg5[%arg0, %dma_wait3A_199, %dma_wait3A_200] : memref<2x10000x64xi32, #tpu.memory_space<hbm>> -> memref<1x10000x64xi32, #tpu.memory_space<hbm>>
        %dma_wait3A_202 = tpu.memref_squeeze %dma_wait3A_201 : memref<1x10000x64xi32, #tpu.memory_space<hbm>> -> memref<10000x64xi32, #tpu.memory_space<hbm>>
        %dma_wait3A_203 = arith.constant 0 : i32
        %dma_wait3A_204 = arith.constant 0 : i32
        %dma_wait3A_205 = tpu.memref_slice %dma_wait3A_202[%dma_wait3A_203, %dma_wait3A_204] : memref<10000x64xi32, #tpu.memory_space<hbm>> -> memref<10000x64xi32, #tpu.memory_space<hbm>>
        tpu.wait_indirect_dma semaphore(%arg19 : memref<!tpu.dma_semaphore, #tpu.memory_space<semaphore_mem>>) src(%dma_wait3A_205 : memref<10000x64xi32, #tpu.memory_space<hbm>>) dst(%arg8 : memref<128x64xi32, #tpu.memory_space<vmem>>)
        %dma_wait3A_206 = arith.constant 0 : i32
        %dma_wait3A_207 = tpu.memref_slice %arg7[%dma_wait3A_206] : memref<10112xi32, #tpu.memory_space<vmem>> -> memref<128xi32, #tpu.memory_space<vmem>>
        %dma_wait3A_208 = arith.constant 0 : i32
        %dma_wait3A_209 = arith.constant 0 : i32
        %dma_wait3A_210 = tpu.memref_slice %arg5[%arg0, %dma_wait3A_208, %dma_wait3A_209] : memref<2x10000x64xi32, #tpu.memory_space<hbm>> -> memref<1x10000x64xi32, #tpu.memory_space<hbm>>
        %dma_wait3A_211 = tpu.memref_squeeze %dma_wait3A_210 : memref<1x10000x64xi32, #tpu.memory_space<hbm>> -> memref<10000x64xi32, #tpu.memory_space<hbm>>
        %dma_wait3A_212 = arith.constant 0 : i32
        %dma_wait3A_213 = arith.constant 0 : i32
        %dma_wait3A_214 = tpu.memref_slice %dma_wait3A_211[%dma_wait3A_212, %dma_wait3A_213] : memref<10000x64xi32, #tpu.memory_space<hbm>> -> memref<10000x64xi32, #tpu.memory_space<hbm>>
        tpu.wait_indirect_dma semaphore(%arg23 : memref<!tpu.dma_semaphore, #tpu.memory_space<semaphore_mem>>) src(%dma_wait3A_214 : memref<10000x64xi32, #tpu.memory_space<hbm>>) dst(%arg12 : memref<128x64xi32, #tpu.memory_space<vmem>>)
        %parallel_loop3A_215 = arith.constant 0 : i32
        %parallel_loop3A_216 = arith.constant 128 : i32
        %parallel_loop3A_217 = arith.constant 1 : i32
        scf.for %parallel_loop3A_218 = %parallel_loop3A_215 to %parallel_loop3A_216 step %parallel_loop3A_217  : i32 {
          %parallel_loop3A_219 = arith.index_cast %parallel_loop3A_218 : i32 to index
          %parallel_loop3A_220 = arith.constant 0 : index
          %parallel_loop3A_221 = tpu.vector_load %arg8[%parallel_loop3A_219, %parallel_loop3A_220] {strides = array<i32>} : memref<128x64xi32, #tpu.memory_space<vmem>>, vector<16xi32>,
          %parallel_loop3A_222 = vector.bitcast %parallel_loop3A_221 : vector<16xi32> to vector<32xbf16>
          %parallel_loop3A_223 = arith.index_cast %parallel_loop3A_218 : i32 to index
          %parallel_loop3A_224 = arith.constant 0 : index
          %parallel_loop3A_225 = tpu.vector_load %arg12[%parallel_loop3A_223, %parallel_loop3A_224] {strides = array<i32>} : memref<128x64xi32, #tpu.memory_space<vmem>>, vector<16xi32>,
          %parallel_loop3A_226 = vector.bitcast %parallel_loop3A_225 : vector<16xi32> to vector<32xbf16>
          %parallel_loop3A_227 = arith.mulf %parallel_loop3A_222, %parallel_loop3A_226 : vector<32xbf16>
          %parallel_loop3A_228 = tpu.unpack_subelements %parallel_loop3A_227, 0 {pack_format = #tpu.pack_format<interleaved>} : vector<32xbf16> -> vector<16xf32>
          %parallel_loop3A_229 = tpu.unpack_subelements %parallel_loop3A_227, 1 {pack_format = #tpu.pack_format<interleaved>} : vector<32xbf16> -> vector<16xf32>
          %parallel_loop3A_230 = arith.addf %parallel_loop3A_228, %parallel_loop3A_229 : vector<16xf32>
          %parallel_loop3A_231 = arith.index_cast %parallel_loop3A_218 : i32 to index
          %parallel_loop3A_232 = arith.constant 16 : index
          %parallel_loop3A_233 = tpu.vector_load %arg8[%parallel_loop3A_231, %parallel_loop3A_232] {strides = array<i32>} : memref<128x64xi32, #tpu.memory_space<vmem>>, vector<16xi32>,
          %parallel_loop3A_234 = vector.bitcast %parallel_loop3A_233 : vector<16xi32> to vector<32xbf16>
          %parallel_loop3A_235 = arith.index_cast %parallel_loop3A_218 : i32 to index
          %parallel_loop3A_236 = arith.constant 16 : index
          %parallel_loop3A_237 = tpu.vector_load %arg12[%parallel_loop3A_235, %parallel_loop3A_236] {strides = array<i32>} : memref<128x64xi32, #tpu.memory_space<vmem>>, vector<16xi32>,
          %parallel_loop3A_238 = vector.bitcast %parallel_loop3A_237 : vector<16xi32> to vector<32xbf16>
          %parallel_loop3A_239 = arith.mulf %parallel_loop3A_234, %parallel_loop3A_238 : vector<32xbf16>
          %parallel_loop3A_240 = tpu.unpack_subelements %parallel_loop3A_239, 0 {pack_format = #tpu.pack_format<interleaved>} : vector<32xbf16> -> vector<16xf32>
          %parallel_loop3A_241 = tpu.unpack_subelements %parallel_loop3A_239, 1 {pack_format = #tpu.pack_format<interleaved>} : vector<32xbf16> -> vector<16xf32>
          %parallel_loop3A_242 = arith.addf %parallel_loop3A_240, %parallel_loop3A_241 : vector<16xf32>
          %parallel_loop3A_243 = arith.addf %parallel_loop3A_230, %parallel_loop3A_242 : vector<16xf32>
          %parallel_loop3A_244 = arith.index_cast %parallel_loop3A_218 : i32 to index
          %parallel_loop3A_245 = arith.constant 32 : index
          %parallel_loop3A_246 = tpu.vector_load %arg8[%parallel_loop3A_244, %parallel_loop3A_245] {strides = array<i32>} : memref<128x64xi32, #tpu.memory_space<vmem>>, vector<16xi32>,
          %parallel_loop3A_247 = vector.bitcast %parallel_loop3A_246 : vector<16xi32> to vector<32xbf16>
          %parallel_loop3A_248 = arith.index_cast %parallel_loop3A_218 : i32 to index
          %parallel_loop3A_249 = arith.constant 32 : index
          %parallel_loop3A_250 = tpu.vector_load %arg12[%parallel_loop3A_248, %parallel_loop3A_249] {strides = array<i32>} : memref<128x64xi32, #tpu.memory_space<vmem>>, vector<16xi32>,
          %parallel_loop3A_251 = vector.bitcast %parallel_loop3A_250 : vector<16xi32> to vector<32xbf16>
          %parallel_loop3A_252 = arith.mulf %parallel_loop3A_247, %parallel_loop3A_251 : vector<32xbf16>
          %parallel_loop3A_253 = tpu.unpack_subelements %parallel_loop3A_252, 0 {pack_format = #tpu.pack_format<interleaved>} : vector<32xbf16> -> vector<16xf32>
          %parallel_loop3A_254 = tpu.unpack_subelements %parallel_loop3A_252, 1 {pack_format = #tpu.pack_format<interleaved>} : vector<32xbf16> -> vector<16xf32>
          %parallel_loop3A_255 = arith.addf %parallel_loop3A_253, %parallel_loop3A_254 : vector<16xf32>
          %parallel_loop3A_256 = arith.addf %parallel_loop3A_243, %parallel_loop3A_255 : vector<16xf32>
          %parallel_loop3A_257 = arith.index_cast %parallel_loop3A_218 : i32 to index
          %parallel_loop3A_258 = arith.constant 48 : index
          %parallel_loop3A_259 = tpu.vector_load %arg8[%parallel_loop3A_257, %parallel_loop3A_258] {strides = array<i32>} : memref<128x64xi32, #tpu.memory_space<vmem>>, vector<16xi32>,
          %parallel_loop3A_260 = vector.bitcast %parallel_loop3A_259 : vector<16xi32> to vector<32xbf16>
          %parallel_loop3A_261 = arith.index_cast %parallel_loop3A_218 : i32 to index
          %parallel_loop3A_262 = arith.constant 48 : index
          %parallel_loop3A_263 = tpu.vector_load %arg12[%parallel_loop3A_261, %parallel_loop3A_262] {strides = array<i32>} : memref<128x64xi32, #tpu.memory_space<vmem>>, vector<16xi32>,
          %parallel_loop3A_264 = vector.bitcast %parallel_loop3A_263 : vector<16xi32> to vector<32xbf16>
          %parallel_loop3A_265 = arith.mulf %parallel_loop3A_260, %parallel_loop3A_264 : vector<32xbf16>
          %parallel_loop3A_266 = tpu.unpack_subelements %parallel_loop3A_265, 0 {pack_format = #tpu.pack_format<interleaved>} : vector<32xbf16> -> vector<16xf32>
          %parallel_loop3A_267 = tpu.unpack_subelements %parallel_loop3A_265, 1 {pack_format = #tpu.pack_format<interleaved>} : vector<32xbf16> -> vector<16xf32>
          %parallel_loop3A_268 = arith.addf %parallel_loop3A_266, %parallel_loop3A_267 : vector<16xf32>
          %parallel_loop3A_269 = arith.addf %parallel_loop3A_256, %parallel_loop3A_268 : vector<16xf32>
          %parallel_loop3A_270 = arith.constant true
          %parallel_loop3A_271 = vector.broadcast %parallel_loop3A_270 : i1 to vector<16xi1>
          %parallel_loop3A_272 = tpu.scan <sum>, %parallel_loop3A_269 masked %parallel_loop3A_271 : vector<16xf32>, vector<16xi1> -> vector<16xf32>
          %parallel_loop3A_273 = arith.constant 128 : i32
          %parallel_loop3A_274 = arith.muli %add3A_135, %parallel_loop3A_273 : i32
          %parallel_loop3A_275 = arith.addi %parallel_loop3A_274, %parallel_loop3A_218 : i32
          %parallel_loop3A_276 = arith.constant 15 : i32
          %parallel_loop3A_277 = vector.broadcast %parallel_loop3A_276 : i32 to vector<16xi32>
          %parallel_loop3A_278 = arith.cmpi eq, %iota3A, %parallel_loop3A_277 : vector<16xi32>
          %parallel_loop3A_279 = arith.index_cast %parallel_loop3A_275 : i32 to index
          %parallel_loop3A_280 = tpu.vector_load %arg16[%parallel_loop3A_279] masked %parallel_loop3A_278 {strides = array<i32>} : memref<10128xf32, #tpu.memory_space<vmem>>, vector<16xf32>, vector<16xi1>
          tpu.vector_store %arg16[%parallel_loop3A_279], %parallel_loop3A_272 masked %parallel_loop3A_278 {strides = array<i32>} : memref<10128xf32, #tpu.memory_space<vmem>>, vector<16xf32>, vector<16xi1>
        } {sc.loop_unroll_factor = 8 : i64, sc.parallel_access}
      } else {
      }
      %mul3A_148 = arith.constant 4 : i32
      %mul3A_149 = arith.muli %while3A_130, %mul3A_148 : i32
      %add3A_150 = arith.constant 1 : i32
      %add3A_151 = arith.addi %mul3A_149, %add3A_150 : i32
      %add3A_152 = arith.constant 4 : i32
      %add3A_153 = arith.addi %add3A_151, %add3A_152 : i32
      %sub3A_154 = arith.constant 1 : i32
      %sub3A_155 = arith.subi %add3A_153, %sub3A_154 : i32
      %lt3A_156 = arith.cmpi slt, %sub3A_155, %add3A_3 : i32
      %convert_element_type3A_157 = arith.extui %lt3A_156 : i1 to i32
      %cond3A_158 = arith.constant 0 : i32
      %cond3A_159 = arith.cmpi ne, %convert_element_type3A_157, %cond3A_158 : i32
      scf.if %cond3A_159 {
        %add3A_197 = arith.constant 4 : i32
        %add3A_198 = arith.addi %add3A_151, %add3A_197 : i32
        %sub3A_199 = arith.constant 1 : i32
        %sub3A_200 = arith.subi %add3A_198, %sub3A_199 : i32
        %mul3A_201 = arith.constant 128 : i32
        %mul3A_202 = arith.muli %sub3A_200, %mul3A_201 : i32
        %dma_start3A_203 = tpu.memref_slice %arg6[%mul3A_202] : memref<10112xi32, #tpu.memory_space<vmem>> -> memref<128xi32, #tpu.memory_space<vmem>>
        %dma_start3A_204 = arith.constant 0 : i32
        %dma_start3A_205 = arith.constant 0 : i32
        %dma_start3A_206 = tpu.memref_slice %arg5[%arg0, %dma_start3A_204, %dma_start3A_205] : memref<2x10000x64xi32, #tpu.memory_space<hbm>> -> memref<1x10000x64xi32, #tpu.memory_space<hbm>>
        %dma_start3A_207 = tpu.memref_squeeze %dma_start3A_206 : memref<1x10000x64xi32, #tpu.memory_space<hbm>> -> memref<10000x64xi32, #tpu.memory_space<hbm>>
        %dma_start3A_208 = arith.constant 0 : i32
        %dma_start3A_209 = arith.constant 0 : i32
        %dma_start3A_210 = tpu.memref_slice %dma_start3A_207[%dma_start3A_208, %dma_start3A_209] : memref<10000x64xi32, #tpu.memory_space<hbm>> -> memref<10000x64xi32, #tpu.memory_space<hbm>>
        tpu.enqueue_indirect_dma source(%dma_start3A_210 : memref<10000x64xi32, #tpu.memory_space<hbm>>) target(%arg8 : memref<128x64xi32, #tpu.memory_space<vmem>>) offsets(%dma_start3A_203 : memref<128xi32, #tpu.memory_space<vmem>>) semaphore(%arg19 : memref<!tpu.dma_semaphore, #tpu.memory_space<semaphore_mem>>)
        %mul3A_211 = arith.constant 128 : i32
        %mul3A_212 = arith.muli %sub3A_200, %mul3A_211 : i32
        %dma_start3A_213 = tpu.memref_slice %arg7[%mul3A_212] : memref<10112xi32, #tpu.memory_space<vmem>> -> memref<128xi32, #tpu.memory_space<vmem>>
        %dma_start3A_214 = arith.constant 0 : i32
        %dma_start3A_215 = arith.constant 0 : i32
        %dma_start3A_216 = tpu.memref_slice %arg5[%arg0, %dma_start3A_214, %dma_start3A_215] : memref<2x10000x64xi32, #tpu.memory_space<hbm>> -> memref<1x10000x64xi32, #tpu.memory_space<hbm>>
        %dma_start3A_217 = tpu.memref_squeeze %dma_start3A_216 : memref<1x10000x64xi32, #tpu.memory_space<hbm>> -> memref<10000x64xi32, #tpu.memory_space<hbm>>
        %dma_start3A_218 = arith.constant 0 : i32
        %dma_start3A_219 = arith.constant 0 : i32
        %dma_start3A_220 = tpu.memref_slice %dma_start3A_217[%dma_start3A_218, %dma_start3A_219] : memref<10000x64xi32, #tpu.memory_space<hbm>> -> memref<10000x64xi32, #tpu.memory_space<hbm>>
        tpu.enqueue_indirect_dma source(%dma_start3A_220 : memref<10000x64xi32, #tpu.memory_space<hbm>>) target(%arg12 : memref<128x64xi32, #tpu.memory_space<vmem>>) offsets(%dma_start3A_213 : memref<128xi32, #tpu.memory_space<vmem>>) semaphore(%arg23 : memref<!tpu.dma_semaphore, #tpu.memory_space<semaphore_mem>>)
      } else {
      }
      %lt3A_160 = arith.cmpi slt, %add3A_151, %add3A_3 : i32
      %convert_element_type3A_161 = arith.extui %lt3A_160 : i1 to i32
      %cond3A_162 = arith.constant 0 : i32
      %cond3A_163 = arith.cmpi ne, %convert_element_type3A_161, %cond3A_162 : i32
      scf.if %cond3A_163 {
        %dma_wait3A_197 = arith.constant 0 : i32
        %dma_wait3A_198 = tpu.memref_slice %arg6[%dma_wait3A_197] : memref<10112xi32, #tpu.memory_space<vmem>> -> memref<128xi32, #tpu.memory_space<vmem>>
        %dma_wait3A_199 = arith.constant 0 : i32
        %dma_wait3A_200 = arith.constant 0 : i32
        %dma_wait3A_201 = tpu.memref_slice %arg5[%arg0, %dma_wait3A_199, %dma_wait3A_200] : memref<2x10000x64xi32, #tpu.memory_space<hbm>> -> memref<1x10000x64xi32, #tpu.memory_space<hbm>>
        %dma_wait3A_202 = tpu.memref_squeeze %dma_wait3A_201 : memref<1x10000x64xi32, #tpu.memory_space<hbm>> -> memref<10000x64xi32, #tpu.memory_space<hbm>>
        %dma_wait3A_203 = arith.constant 0 : i32
        %dma_wait3A_204 = arith.constant 0 : i32
        %dma_wait3A_205 = tpu.memref_slice %dma_wait3A_202[%dma_wait3A_203, %dma_wait3A_204] : memref<10000x64xi32, #tpu.memory_space<hbm>> -> memref<10000x64xi32, #tpu.memory_space<hbm>>
        tpu.wait_indirect_dma semaphore(%arg20 : memref<!tpu.dma_semaphore, #tpu.memory_space<semaphore_mem>>) src(%dma_wait3A_205 : memref<10000x64xi32, #tpu.memory_space<hbm>>) dst(%arg9 : memref<128x64xi32, #tpu.memory_space<vmem>>)
        %dma_wait3A_206 = arith.constant 0 : i32
        %dma_wait3A_207 = tpu.memref_slice %arg7[%dma_wait3A_206] : memref<10112xi32, #tpu.memory_space<vmem>> -> memref<128xi32, #tpu.memory_space<vmem>>
        %dma_wait3A_208 = arith.constant 0 : i32
        %dma_wait3A_209 = arith.constant 0 : i32
        %dma_wait3A_210 = tpu.memref_slice %arg5[%arg0, %dma_wait3A_208, %dma_wait3A_209] : memref<2x10000x64xi32, #tpu.memory_space<hbm>> -> memref<1x10000x64xi32, #tpu.memory_space<hbm>>
        %dma_wait3A_211 = tpu.memref_squeeze %dma_wait3A_210 : memref<1x10000x64xi32, #tpu.memory_space<hbm>> -> memref<10000x64xi32, #tpu.memory_space<hbm>>
        %dma_wait3A_212 = arith.constant 0 : i32
        %dma_wait3A_213 = arith.constant 0 : i32
        %dma_wait3A_214 = tpu.memref_slice %dma_wait3A_211[%dma_wait3A_212, %dma_wait3A_213] : memref<10000x64xi32, #tpu.memory_space<hbm>> -> memref<10000x64xi32, #tpu.memory_space<hbm>>
        tpu.wait_indirect_dma semaphore(%arg24 : memref<!tpu.dma_semaphore, #tpu.memory_space<semaphore_mem>>) src(%dma_wait3A_214 : memref<10000x64xi32, #tpu.memory_space<hbm>>) dst(%arg13 : memref<128x64xi32, #tpu.memory_space<vmem>>)
        %parallel_loop3A_215 = arith.constant 0 : i32
        %parallel_loop3A_216 = arith.constant 128 : i32
        %parallel_loop3A_217 = arith.constant 1 : i32
        scf.for %parallel_loop3A_218 = %parallel_loop3A_215 to %parallel_loop3A_216 step %parallel_loop3A_217  : i32 {
          %parallel_loop3A_219 = arith.index_cast %parallel_loop3A_218 : i32 to index
          %parallel_loop3A_220 = arith.constant 0 : index
          %parallel_loop3A_221 = tpu.vector_load %arg9[%parallel_loop3A_219, %parallel_loop3A_220] {strides = array<i32>} : memref<128x64xi32, #tpu.memory_space<vmem>>, vector<16xi32>,
          %parallel_loop3A_222 = vector.bitcast %parallel_loop3A_221 : vector<16xi32> to vector<32xbf16>
          %parallel_loop3A_223 = arith.index_cast %parallel_loop3A_218 : i32 to index
          %parallel_loop3A_224 = arith.constant 0 : index
          %parallel_loop3A_225 = tpu.vector_load %arg13[%parallel_loop3A_223, %parallel_loop3A_224] {strides = array<i32>} : memref<128x64xi32, #tpu.memory_space<vmem>>, vector<16xi32>,
          %parallel_loop3A_226 = vector.bitcast %parallel_loop3A_225 : vector<16xi32> to vector<32xbf16>
          %parallel_loop3A_227 = arith.mulf %parallel_loop3A_222, %parallel_loop3A_226 : vector<32xbf16>
          %parallel_loop3A_228 = tpu.unpack_subelements %parallel_loop3A_227, 0 {pack_format = #tpu.pack_format<interleaved>} : vector<32xbf16> -> vector<16xf32>
          %parallel_loop3A_229 = tpu.unpack_subelements %parallel_loop3A_227, 1 {pack_format = #tpu.pack_format<interleaved>} : vector<32xbf16> -> vector<16xf32>
          %parallel_loop3A_230 = arith.addf %parallel_loop3A_228, %parallel_loop3A_229 : vector<16xf32>
          %parallel_loop3A_231 = arith.index_cast %parallel_loop3A_218 : i32 to index
          %parallel_loop3A_232 = arith.constant 16 : index
          %parallel_loop3A_233 = tpu.vector_load %arg9[%parallel_loop3A_231, %parallel_loop3A_232] {strides = array<i32>} : memref<128x64xi32, #tpu.memory_space<vmem>>, vector<16xi32>,
          %parallel_loop3A_234 = vector.bitcast %parallel_loop3A_233 : vector<16xi32> to vector<32xbf16>
          %parallel_loop3A_235 = arith.index_cast %parallel_loop3A_218 : i32 to index
          %parallel_loop3A_236 = arith.constant 16 : index
          %parallel_loop3A_237 = tpu.vector_load %arg13[%parallel_loop3A_235, %parallel_loop3A_236] {strides = array<i32>} : memref<128x64xi32, #tpu.memory_space<vmem>>, vector<16xi32>,
          %parallel_loop3A_238 = vector.bitcast %parallel_loop3A_237 : vector<16xi32> to vector<32xbf16>
          %parallel_loop3A_239 = arith.mulf %parallel_loop3A_234, %parallel_loop3A_238 : vector<32xbf16>
          %parallel_loop3A_240 = tpu.unpack_subelements %parallel_loop3A_239, 0 {pack_format = #tpu.pack_format<interleaved>} : vector<32xbf16> -> vector<16xf32>
          %parallel_loop3A_241 = tpu.unpack_subelements %parallel_loop3A_239, 1 {pack_format = #tpu.pack_format<interleaved>} : vector<32xbf16> -> vector<16xf32>
          %parallel_loop3A_242 = arith.addf %parallel_loop3A_240, %parallel_loop3A_241 : vector<16xf32>
          %parallel_loop3A_243 = arith.addf %parallel_loop3A_230, %parallel_loop3A_242 : vector<16xf32>
          %parallel_loop3A_244 = arith.index_cast %parallel_loop3A_218 : i32 to index
          %parallel_loop3A_245 = arith.constant 32 : index
          %parallel_loop3A_246 = tpu.vector_load %arg9[%parallel_loop3A_244, %parallel_loop3A_245] {strides = array<i32>} : memref<128x64xi32, #tpu.memory_space<vmem>>, vector<16xi32>,
          %parallel_loop3A_247 = vector.bitcast %parallel_loop3A_246 : vector<16xi32> to vector<32xbf16>
          %parallel_loop3A_248 = arith.index_cast %parallel_loop3A_218 : i32 to index
          %parallel_loop3A_249 = arith.constant 32 : index
          %parallel_loop3A_250 = tpu.vector_load %arg13[%parallel_loop3A_248, %parallel_loop3A_249] {strides = array<i32>} : memref<128x64xi32, #tpu.memory_space<vmem>>, vector<16xi32>,
          %parallel_loop3A_251 = vector.bitcast %parallel_loop3A_250 : vector<16xi32> to vector<32xbf16>
          %parallel_loop3A_252 = arith.mulf %parallel_loop3A_247, %parallel_loop3A_251 : vector<32xbf16>
          %parallel_loop3A_253 = tpu.unpack_subelements %parallel_loop3A_252, 0 {pack_format = #tpu.pack_format<interleaved>} : vector<32xbf16> -> vector<16xf32>
          %parallel_loop3A_254 = tpu.unpack_subelements %parallel_loop3A_252, 1 {pack_format = #tpu.pack_format<interleaved>} : vector<32xbf16> -> vector<16xf32>
          %parallel_loop3A_255 = arith.addf %parallel_loop3A_253, %parallel_loop3A_254 : vector<16xf32>
          %parallel_loop3A_256 = arith.addf %parallel_loop3A_243, %parallel_loop3A_255 : vector<16xf32>
          %parallel_loop3A_257 = arith.index_cast %parallel_loop3A_218 : i32 to index
          %parallel_loop3A_258 = arith.constant 48 : index
          %parallel_loop3A_259 = tpu.vector_load %arg9[%parallel_loop3A_257, %parallel_loop3A_258] {strides = array<i32>} : memref<128x64xi32, #tpu.memory_space<vmem>>, vector<16xi32>,
          %parallel_loop3A_260 = vector.bitcast %parallel_loop3A_259 : vector<16xi32> to vector<32xbf16>
          %parallel_loop3A_261 = arith.index_cast %parallel_loop3A_218 : i32 to index
          %parallel_loop3A_262 = arith.constant 48 : index
          %parallel_loop3A_263 = tpu.vector_load %arg13[%parallel_loop3A_261, %parallel_loop3A_262] {strides = array<i32>} : memref<128x64xi32, #tpu.memory_space<vmem>>, vector<16xi32>,
          %parallel_loop3A_264 = vector.bitcast %parallel_loop3A_263 : vector<16xi32> to vector<32xbf16>
          %parallel_loop3A_265 = arith.mulf %parallel_loop3A_260, %parallel_loop3A_264 : vector<32xbf16>
          %parallel_loop3A_266 = tpu.unpack_subelements %parallel_loop3A_265, 0 {pack_format = #tpu.pack_format<interleaved>} : vector<32xbf16> -> vector<16xf32>
          %parallel_loop3A_267 = tpu.unpack_subelements %parallel_loop3A_265, 1 {pack_format = #tpu.pack_format<interleaved>} : vector<32xbf16> -> vector<16xf32>
          %parallel_loop3A_268 = arith.addf %parallel_loop3A_266, %parallel_loop3A_267 : vector<16xf32>
          %parallel_loop3A_269 = arith.addf %parallel_loop3A_256, %parallel_loop3A_268 : vector<16xf32>
          %parallel_loop3A_270 = arith.constant true
          %parallel_loop3A_271 = vector.broadcast %parallel_loop3A_270 : i1 to vector<16xi1>
          %parallel_loop3A_272 = tpu.scan <sum>, %parallel_loop3A_269 masked %parallel_loop3A_271 : vector<16xf32>, vector<16xi1> -> vector<16xf32>
          %parallel_loop3A_273 = arith.constant 128 : i32
          %parallel_loop3A_274 = arith.muli %add3A_151, %parallel_loop3A_273 : i32
          %parallel_loop3A_275 = arith.addi %parallel_loop3A_274, %parallel_loop3A_218 : i32
          %parallel_loop3A_276 = arith.constant 15 : i32
          %parallel_loop3A_277 = vector.broadcast %parallel_loop3A_276 : i32 to vector<16xi32>
          %parallel_loop3A_278 = arith.cmpi eq, %iota3A, %parallel_loop3A_277 : vector<16xi32>
          %parallel_loop3A_279 = arith.index_cast %parallel_loop3A_275 : i32 to index
          %parallel_loop3A_280 = tpu.vector_load %arg16[%parallel_loop3A_279] masked %parallel_loop3A_278 {strides = array<i32>} : memref<10128xf32, #tpu.memory_space<vmem>>, vector<16xf32>, vector<16xi1>
          tpu.vector_store %arg16[%parallel_loop3A_279], %parallel_loop3A_272 masked %parallel_loop3A_278 {strides = array<i32>} : memref<10128xf32, #tpu.memory_space<vmem>>, vector<16xf32>, vector<16xi1>
        } {sc.loop_unroll_factor = 8 : i64, sc.parallel_access}
      } else {
      }
      %mul3A_164 = arith.constant 4 : i32
      %mul3A_165 = arith.muli %while3A_130, %mul3A_164 : i32
      %add3A_166 = arith.constant 2 : i32
      %add3A_167 = arith.addi %mul3A_165, %add3A_166 : i32
      %add3A_168 = arith.constant 4 : i32
      %add3A_169 = arith.addi %add3A_167, %add3A_168 : i32
      %sub3A_170 = arith.constant 1 : i32
      %sub3A_171 = arith.subi %add3A_169, %sub3A_170 : i32
      %lt3A_172 = arith.cmpi slt, %sub3A_171, %add3A_3 : i32
      %convert_element_type3A_173 = arith.extui %lt3A_172 : i1 to i32
      %cond3A_174 = arith.constant 0 : i32
      %cond3A_175 = arith.cmpi ne, %convert_element_type3A_173, %cond3A_174 : i32
      scf.if %cond3A_175 {
        %add3A_197 = arith.constant 4 : i32
        %add3A_198 = arith.addi %add3A_167, %add3A_197 : i32
        %sub3A_199 = arith.constant 1 : i32
        %sub3A_200 = arith.subi %add3A_198, %sub3A_199 : i32
        %mul3A_201 = arith.constant 128 : i32
        %mul3A_202 = arith.muli %sub3A_200, %mul3A_201 : i32
        %dma_start3A_203 = tpu.memref_slice %arg6[%mul3A_202] : memref<10112xi32, #tpu.memory_space<vmem>> -> memref<128xi32, #tpu.memory_space<vmem>>
        %dma_start3A_204 = arith.constant 0 : i32
        %dma_start3A_205 = arith.constant 0 : i32
        %dma_start3A_206 = tpu.memref_slice %arg5[%arg0, %dma_start3A_204, %dma_start3A_205] : memref<2x10000x64xi32, #tpu.memory_space<hbm>> -> memref<1x10000x64xi32, #tpu.memory_space<hbm>>
        %dma_start3A_207 = tpu.memref_squeeze %dma_start3A_206 : memref<1x10000x64xi32, #tpu.memory_space<hbm>> -> memref<10000x64xi32, #tpu.memory_space<hbm>>
        %dma_start3A_208 = arith.constant 0 : i32
        %dma_start3A_209 = arith.constant 0 : i32
        %dma_start3A_210 = tpu.memref_slice %dma_start3A_207[%dma_start3A_208, %dma_start3A_209] : memref<10000x64xi32, #tpu.memory_space<hbm>> -> memref<10000x64xi32, #tpu.memory_space<hbm>>
        tpu.enqueue_indirect_dma source(%dma_start3A_210 : memref<10000x64xi32, #tpu.memory_space<hbm>>) target(%arg9 : memref<128x64xi32, #tpu.memory_space<vmem>>) offsets(%dma_start3A_203 : memref<128xi32, #tpu.memory_space<vmem>>) semaphore(%arg20 : memref<!tpu.dma_semaphore, #tpu.memory_space<semaphore_mem>>)
        %mul3A_211 = arith.constant 128 : i32
        %mul3A_212 = arith.muli %sub3A_200, %mul3A_211 : i32
        %dma_start3A_213 = tpu.memref_slice %arg7[%mul3A_212] : memref<10112xi32, #tpu.memory_space<vmem>> -> memref<128xi32, #tpu.memory_space<vmem>>
        %dma_start3A_214 = arith.constant 0 : i32
        %dma_start3A_215 = arith.constant 0 : i32
        %dma_start3A_216 = tpu.memref_slice %arg5[%arg0, %dma_start3A_214, %dma_start3A_215] : memref<2x10000x64xi32, #tpu.memory_space<hbm>> -> memref<1x10000x64xi32, #tpu.memory_space<hbm>>
        %dma_start3A_217 = tpu.memref_squeeze %dma_start3A_216 : memref<1x10000x64xi32, #tpu.memory_space<hbm>> -> memref<10000x64xi32, #tpu.memory_space<hbm>>
        %dma_start3A_218 = arith.constant 0 : i32
        %dma_start3A_219 = arith.constant 0 : i32
        %dma_start3A_220 = tpu.memref_slice %dma_start3A_217[%dma_start3A_218, %dma_start3A_219] : memref<10000x64xi32, #tpu.memory_space<hbm>> -> memref<10000x64xi32, #tpu.memory_space<hbm>>
        tpu.enqueue_indirect_dma source(%dma_start3A_220 : memref<10000x64xi32, #tpu.memory_space<hbm>>) target(%arg13 : memref<128x64xi32, #tpu.memory_space<vmem>>) offsets(%dma_start3A_213 : memref<128xi32, #tpu.memory_space<vmem>>) semaphore(%arg24 : memref<!tpu.dma_semaphore, #tpu.memory_space<semaphore_mem>>)
      } else {
      }
      %lt3A_176 = arith.cmpi slt, %add3A_167, %add3A_3 : i32
      %convert_element_type3A_177 = arith.extui %lt3A_176 : i1 to i32
      %cond3A_178 = arith.constant 0 : i32
      %cond3A_179 = arith.cmpi ne, %convert_element_type3A_177, %cond3A_178 : i32
      scf.if %cond3A_179 {
        %dma_wait3A_197 = arith.constant 0 : i32
        %dma_wait3A_198 = tpu.memref_slice %arg6[%dma_wait3A_197] : memref<10112xi32, #tpu.memory_space<vmem>> -> memref<128xi32, #tpu.memory_space<vmem>>
        %dma_wait3A_199 = arith.constant 0 : i32
        %dma_wait3A_200 = arith.constant 0 : i32
        %dma_wait3A_201 = tpu.memref_slice %arg5[%arg0, %dma_wait3A_199, %dma_wait3A_200] : memref<2x10000x64xi32, #tpu.memory_space<hbm>> -> memref<1x10000x64xi32, #tpu.memory_space<hbm>>
        %dma_wait3A_202 = tpu.memref_squeeze %dma_wait3A_201 : memref<1x10000x64xi32, #tpu.memory_space<hbm>> -> memref<10000x64xi32, #tpu.memory_space<hbm>>
        %dma_wait3A_203 = arith.constant 0 : i32
        %dma_wait3A_204 = arith.constant 0 : i32
        %dma_wait3A_205 = tpu.memref_slice %dma_wait3A_202[%dma_wait3A_203, %dma_wait3A_204] : memref<10000x64xi32, #tpu.memory_space<hbm>> -> memref<10000x64xi32, #tpu.memory_space<hbm>>
        tpu.wait_indirect_dma semaphore(%arg21 : memref<!tpu.dma_semaphore, #tpu.memory_space<semaphore_mem>>) src(%dma_wait3A_205 : memref<10000x64xi32, #tpu.memory_space<hbm>>) dst(%arg10 : memref<128x64xi32, #tpu.memory_space<vmem>>)
        %dma_wait3A_206 = arith.constant 0 : i32
        %dma_wait3A_207 = tpu.memref_slice %arg7[%dma_wait3A_206] : memref<10112xi32, #tpu.memory_space<vmem>> -> memref<128xi32, #tpu.memory_space<vmem>>
        %dma_wait3A_208 = arith.constant 0 : i32
        %dma_wait3A_209 = arith.constant 0 : i32
        %dma_wait3A_210 = tpu.memref_slice %arg5[%arg0, %dma_wait3A_208, %dma_wait3A_209] : memref<2x10000x64xi32, #tpu.memory_space<hbm>> -> memref<1x10000x64xi32, #tpu.memory_space<hbm>>
        %dma_wait3A_211 = tpu.memref_squeeze %dma_wait3A_210 : memref<1x10000x64xi32, #tpu.memory_space<hbm>> -> memref<10000x64xi32, #tpu.memory_space<hbm>>
        %dma_wait3A_212 = arith.constant 0 : i32
        %dma_wait3A_213 = arith.constant 0 : i32
        %dma_wait3A_214 = tpu.memref_slice %dma_wait3A_211[%dma_wait3A_212, %dma_wait3A_213] : memref<10000x64xi32, #tpu.memory_space<hbm>> -> memref<10000x64xi32, #tpu.memory_space<hbm>>
        tpu.wait_indirect_dma semaphore(%arg25 : memref<!tpu.dma_semaphore, #tpu.memory_space<semaphore_mem>>) src(%dma_wait3A_214 : memref<10000x64xi32, #tpu.memory_space<hbm>>) dst(%arg14 : memref<128x64xi32, #tpu.memory_space<vmem>>)
        %parallel_loop3A_215 = arith.constant 0 : i32
        %parallel_loop3A_216 = arith.constant 128 : i32
        %parallel_loop3A_217 = arith.constant 1 : i32
        scf.for %parallel_loop3A_218 = %parallel_loop3A_215 to %parallel_loop3A_216 step %parallel_loop3A_217  : i32 {
          %parallel_loop3A_219 = arith.index_cast %parallel_loop3A_218 : i32 to index
          %parallel_loop3A_220 = arith.constant 0 : index
          %parallel_loop3A_221 = tpu.vector_load %arg10[%parallel_loop3A_219, %parallel_loop3A_220] {strides = array<i32>} : memref<128x64xi32, #tpu.memory_space<vmem>>, vector<16xi32>,
          %parallel_loop3A_222 = vector.bitcast %parallel_loop3A_221 : vector<16xi32> to vector<32xbf16>
          %parallel_loop3A_223 = arith.index_cast %parallel_loop3A_218 : i32 to index
          %parallel_loop3A_224 = arith.constant 0 : index
          %parallel_loop3A_225 = tpu.vector_load %arg14[%parallel_loop3A_223, %parallel_loop3A_224] {strides = array<i32>} : memref<128x64xi32, #tpu.memory_space<vmem>>, vector<16xi32>,
          %parallel_loop3A_226 = vector.bitcast %parallel_loop3A_225 : vector<16xi32> to vector<32xbf16>
          %parallel_loop3A_227 = arith.mulf %parallel_loop3A_222, %parallel_loop3A_226 : vector<32xbf16>
          %parallel_loop3A_228 = tpu.unpack_subelements %parallel_loop3A_227, 0 {pack_format = #tpu.pack_format<interleaved>} : vector<32xbf16> -> vector<16xf32>
          %parallel_loop3A_229 = tpu.unpack_subelements %parallel_loop3A_227, 1 {pack_format = #tpu.pack_format<interleaved>} : vector<32xbf16> -> vector<16xf32>
          %parallel_loop3A_230 = arith.addf %parallel_loop3A_228, %parallel_loop3A_229 : vector<16xf32>
          %parallel_loop3A_231 = arith.index_cast %parallel_loop3A_218 : i32 to index
          %parallel_loop3A_232 = arith.constant 16 : index
          %parallel_loop3A_233 = tpu.vector_load %arg10[%parallel_loop3A_231, %parallel_loop3A_232] {strides = array<i32>} : memref<128x64xi32, #tpu.memory_space<vmem>>, vector<16xi32>,
          %parallel_loop3A_234 = vector.bitcast %parallel_loop3A_233 : vector<16xi32> to vector<32xbf16>
          %parallel_loop3A_235 = arith.index_cast %parallel_loop3A_218 : i32 to index
          %parallel_loop3A_236 = arith.constant 16 : index
          %parallel_loop3A_237 = tpu.vector_load %arg14[%parallel_loop3A_235, %parallel_loop3A_236] {strides = array<i32>} : memref<128x64xi32, #tpu.memory_space<vmem>>, vector<16xi32>,
          %parallel_loop3A_238 = vector.bitcast %parallel_loop3A_237 : vector<16xi32> to vector<32xbf16>
          %parallel_loop3A_239 = arith.mulf %parallel_loop3A_234, %parallel_loop3A_238 : vector<32xbf16>
          %parallel_loop3A_240 = tpu.unpack_subelements %parallel_loop3A_239, 0 {pack_format = #tpu.pack_format<interleaved>} : vector<32xbf16> -> vector<16xf32>
          %parallel_loop3A_241 = tpu.unpack_subelements %parallel_loop3A_239, 1 {pack_format = #tpu.pack_format<interleaved>} : vector<32xbf16> -> vector<16xf32>
          %parallel_loop3A_242 = arith.addf %parallel_loop3A_240, %parallel_loop3A_241 : vector<16xf32>
          %parallel_loop3A_243 = arith.addf %parallel_loop3A_230, %parallel_loop3A_242 : vector<16xf32>
          %parallel_loop3A_244 = arith.index_cast %parallel_loop3A_218 : i32 to index
          %parallel_loop3A_245 = arith.constant 32 : index
          %parallel_loop3A_246 = tpu.vector_load %arg10[%parallel_loop3A_244, %parallel_loop3A_245] {strides = array<i32>} : memref<128x64xi32, #tpu.memory_space<vmem>>, vector<16xi32>,
          %parallel_loop3A_247 = vector.bitcast %parallel_loop3A_246 : vector<16xi32> to vector<32xbf16>
          %parallel_loop3A_248 = arith.index_cast %parallel_loop3A_218 : i32 to index
          %parallel_loop3A_249 = arith.constant 32 : index
          %parallel_loop3A_250 = tpu.vector_load %arg14[%parallel_loop3A_248, %parallel_loop3A_249] {strides = array<i32>} : memref<128x64xi32, #tpu.memory_space<vmem>>, vector<16xi32>,
          %parallel_loop3A_251 = vector.bitcast %parallel_loop3A_250 : vector<16xi32> to vector<32xbf16>
          %parallel_loop3A_252 = arith.mulf %parallel_loop3A_247, %parallel_loop3A_251 : vector<32xbf16>
          %parallel_loop3A_253 = tpu.unpack_subelements %parallel_loop3A_252, 0 {pack_format = #tpu.pack_format<interleaved>} : vector<32xbf16> -> vector<16xf32>
          %parallel_loop3A_254 = tpu.unpack_subelements %parallel_loop3A_252, 1 {pack_format = #tpu.pack_format<interleaved>} : vector<32xbf16> -> vector<16xf32>
          %parallel_loop3A_255 = arith.addf %parallel_loop3A_253, %parallel_loop3A_254 : vector<16xf32>
          %parallel_loop3A_256 = arith.addf %parallel_loop3A_243, %parallel_loop3A_255 : vector<16xf32>
          %parallel_loop3A_257 = arith.index_cast %parallel_loop3A_218 : i32 to index
          %parallel_loop3A_258 = arith.constant 48 : index
          %parallel_loop3A_259 = tpu.vector_load %arg10[%parallel_loop3A_257, %parallel_loop3A_258] {strides = array<i32>} : memref<128x64xi32, #tpu.memory_space<vmem>>, vector<16xi32>,
          %parallel_loop3A_260 = vector.bitcast %parallel_loop3A_259 : vector<16xi32> to vector<32xbf16>
          %parallel_loop3A_261 = arith.index_cast %parallel_loop3A_218 : i32 to index
          %parallel_loop3A_262 = arith.constant 48 : index
          %parallel_loop3A_263 = tpu.vector_load %arg14[%parallel_loop3A_261, %parallel_loop3A_262] {strides = array<i32>} : memref<128x64xi32, #tpu.memory_space<vmem>>, vector<16xi32>,
          %parallel_loop3A_264 = vector.bitcast %parallel_loop3A_263 : vector<16xi32> to vector<32xbf16>
          %parallel_loop3A_265 = arith.mulf %parallel_loop3A_260, %parallel_loop3A_264 : vector<32xbf16>
          %parallel_loop3A_266 = tpu.unpack_subelements %parallel_loop3A_265, 0 {pack_format = #tpu.pack_format<interleaved>} : vector<32xbf16> -> vector<16xf32>
          %parallel_loop3A_267 = tpu.unpack_subelements %parallel_loop3A_265, 1 {pack_format = #tpu.pack_format<interleaved>} : vector<32xbf16> -> vector<16xf32>
          %parallel_loop3A_268 = arith.addf %parallel_loop3A_266, %parallel_loop3A_267 : vector<16xf32>
          %parallel_loop3A_269 = arith.addf %parallel_loop3A_256, %parallel_loop3A_268 : vector<16xf32>
          %parallel_loop3A_270 = arith.constant true
          %parallel_loop3A_271 = vector.broadcast %parallel_loop3A_270 : i1 to vector<16xi1>
          %parallel_loop3A_272 = tpu.scan <sum>, %parallel_loop3A_269 masked %parallel_loop3A_271 : vector<16xf32>, vector<16xi1> -> vector<16xf32>
          %parallel_loop3A_273 = arith.constant 128 : i32
          %parallel_loop3A_274 = arith.muli %add3A_167, %parallel_loop3A_273 : i32
          %parallel_loop3A_275 = arith.addi %parallel_loop3A_274, %parallel_loop3A_218 : i32
          %parallel_loop3A_276 = arith.constant 15 : i32
          %parallel_loop3A_277 = vector.broadcast %parallel_loop3A_276 : i32 to vector<16xi32>
          %parallel_loop3A_278 = arith.cmpi eq, %iota3A, %parallel_loop3A_277 : vector<16xi32>
          %parallel_loop3A_279 = arith.index_cast %parallel_loop3A_275 : i32 to index
          %parallel_loop3A_280 = tpu.vector_load %arg16[%parallel_loop3A_279] masked %parallel_loop3A_278 {strides = array<i32>} : memref<10128xf32, #tpu.memory_space<vmem>>, vector<16xf32>, vector<16xi1>
          tpu.vector_store %arg16[%parallel_loop3A_279], %parallel_loop3A_272 masked %parallel_loop3A_278 {strides = array<i32>} : memref<10128xf32, #tpu.memory_space<vmem>>, vector<16xf32>, vector<16xi1>
        } {sc.loop_unroll_factor = 8 : i64, sc.parallel_access}
      } else {
      }
      %mul3A_180 = arith.constant 4 : i32
      %mul3A_181 = arith.muli %while3A_130, %mul3A_180 : i32
      %add3A_182 = arith.constant 3 : i32
      %add3A_183 = arith.addi %mul3A_181, %add3A_182 : i32
      %add3A_184 = arith.constant 4 : i32
      %add3A_185 = arith.addi %add3A_183, %add3A_184 : i32
      %sub3A_186 = arith.constant 1 : i32
      %sub3A_187 = arith.subi %add3A_185, %sub3A_186 : i32
      %lt3A_188 = arith.cmpi slt, %sub3A_187, %add3A_3 : i32
      %convert_element_type3A_189 = arith.extui %lt3A_188 : i1 to i32
      %cond3A_190 = arith.constant 0 : i32
      %cond3A_191 = arith.cmpi ne, %convert_element_type3A_189, %cond3A_190 : i32
      scf.if %cond3A_191 {
        %add3A_197 = arith.constant 4 : i32
        %add3A_198 = arith.addi %add3A_183, %add3A_197 : i32
        %sub3A_199 = arith.constant 1 : i32
        %sub3A_200 = arith.subi %add3A_198, %sub3A_199 : i32
        %mul3A_201 = arith.constant 128 : i32
        %mul3A_202 = arith.muli %sub3A_200, %mul3A_201 : i32
        %dma_start3A_203 = tpu.memref_slice %arg6[%mul3A_202] : memref<10112xi32, #tpu.memory_space<vmem>> -> memref<128xi32, #tpu.memory_space<vmem>>
        %dma_start3A_204 = arith.constant 0 : i32
        %dma_start3A_205 = arith.constant 0 : i32
        %dma_start3A_206 = tpu.memref_slice %arg5[%arg0, %dma_start3A_204, %dma_start3A_205] : memref<2x10000x64xi32, #tpu.memory_space<hbm>> -> memref<1x10000x64xi32, #tpu.memory_space<hbm>>
        %dma_start3A_207 = tpu.memref_squeeze %dma_start3A_206 : memref<1x10000x64xi32, #tpu.memory_space<hbm>> -> memref<10000x64xi32, #tpu.memory_space<hbm>>
        %dma_start3A_208 = arith.constant 0 : i32
        %dma_start3A_209 = arith.constant 0 : i32
        %dma_start3A_210 = tpu.memref_slice %dma_start3A_207[%dma_start3A_208, %dma_start3A_209] : memref<10000x64xi32, #tpu.memory_space<hbm>> -> memref<10000x64xi32, #tpu.memory_space<hbm>>
        tpu.enqueue_indirect_dma source(%dma_start3A_210 : memref<10000x64xi32, #tpu.memory_space<hbm>>) target(%arg10 : memref<128x64xi32, #tpu.memory_space<vmem>>) offsets(%dma_start3A_203 : memref<128xi32, #tpu.memory_space<vmem>>) semaphore(%arg21 : memref<!tpu.dma_semaphore, #tpu.memory_space<semaphore_mem>>)
        %mul3A_211 = arith.constant 128 : i32
        %mul3A_212 = arith.muli %sub3A_200, %mul3A_211 : i32
        %dma_start3A_213 = tpu.memref_slice %arg7[%mul3A_212] : memref<10112xi32, #tpu.memory_space<vmem>> -> memref<128xi32, #tpu.memory_space<vmem>>
        %dma_start3A_214 = arith.constant 0 : i32
        %dma_start3A_215 = arith.constant 0 : i32
        %dma_start3A_216 = tpu.memref_slice %arg5[%arg0, %dma_start3A_214, %dma_start3A_215] : memref<2x10000x64xi32, #tpu.memory_space<hbm>> -> memref<1x10000x64xi32, #tpu.memory_space<hbm>>
        %dma_start3A_217 = tpu.memref_squeeze %dma_start3A_216 : memref<1x10000x64xi32, #tpu.memory_space<hbm>> -> memref<10000x64xi32, #tpu.memory_space<hbm>>
        %dma_start3A_218 = arith.constant 0 : i32
        %dma_start3A_219 = arith.constant 0 : i32
        %dma_start3A_220 = tpu.memref_slice %dma_start3A_217[%dma_start3A_218, %dma_start3A_219] : memref<10000x64xi32, #tpu.memory_space<hbm>> -> memref<10000x64xi32, #tpu.memory_space<hbm>>
        tpu.enqueue_indirect_dma source(%dma_start3A_220 : memref<10000x64xi32, #tpu.memory_space<hbm>>) target(%arg14 : memref<128x64xi32, #tpu.memory_space<vmem>>) offsets(%dma_start3A_213 : memref<128xi32, #tpu.memory_space<vmem>>) semaphore(%arg25 : memref<!tpu.dma_semaphore, #tpu.memory_space<semaphore_mem>>)
      } else {
      }
      %lt3A_192 = arith.cmpi slt, %add3A_183, %add3A_3 : i32
      %convert_element_type3A_193 = arith.extui %lt3A_192 : i1 to i32
      %cond3A_194 = arith.constant 0 : i32
      %cond3A_195 = arith.cmpi ne, %convert_element_type3A_193, %cond3A_194 : i32
      scf.if %cond3A_195 {
        %dma_wait3A_197 = arith.constant 0 : i32
        %dma_wait3A_198 = tpu.memref_slice %arg6[%dma_wait3A_197] : memref<10112xi32, #tpu.memory_space<vmem>> -> memref<128xi32, #tpu.memory_space<vmem>>
        %dma_wait3A_199 = arith.constant 0 : i32
        %dma_wait3A_200 = arith.constant 0 : i32
        %dma_wait3A_201 = tpu.memref_slice %arg5[%arg0, %dma_wait3A_199, %dma_wait3A_200] : memref<2x10000x64xi32, #tpu.memory_space<hbm>> -> memref<1x10000x64xi32, #tpu.memory_space<hbm>>
        %dma_wait3A_202 = tpu.memref_squeeze %dma_wait3A_201 : memref<1x10000x64xi32, #tpu.memory_space<hbm>> -> memref<10000x64xi32, #tpu.memory_space<hbm>>
        %dma_wait3A_203 = arith.constant 0 : i32
        %dma_wait3A_204 = arith.constant 0 : i32
        %dma_wait3A_205 = tpu.memref_slice %dma_wait3A_202[%dma_wait3A_203, %dma_wait3A_204] : memref<10000x64xi32, #tpu.memory_space<hbm>> -> memref<10000x64xi32, #tpu.memory_space<hbm>>
        tpu.wait_indirect_dma semaphore(%arg22 : memref<!tpu.dma_semaphore, #tpu.memory_space<semaphore_mem>>) src(%dma_wait3A_205 : memref<10000x64xi32, #tpu.memory_space<hbm>>) dst(%arg11 : memref<128x64xi32, #tpu.memory_space<vmem>>)
        %dma_wait3A_206 = arith.constant 0 : i32
        %dma_wait3A_207 = tpu.memref_slice %arg7[%dma_wait3A_206] : memref<10112xi32, #tpu.memory_space<vmem>> -> memref<128xi32, #tpu.memory_space<vmem>>
        %dma_wait3A_208 = arith.constant 0 : i32
        %dma_wait3A_209 = arith.constant 0 : i32
        %dma_wait3A_210 = tpu.memref_slice %arg5[%arg0, %dma_wait3A_208, %dma_wait3A_209] : memref<2x10000x64xi32, #tpu.memory_space<hbm>> -> memref<1x10000x64xi32, #tpu.memory_space<hbm>>
        %dma_wait3A_211 = tpu.memref_squeeze %dma_wait3A_210 : memref<1x10000x64xi32, #tpu.memory_space<hbm>> -> memref<10000x64xi32, #tpu.memory_space<hbm>>
        %dma_wait3A_212 = arith.constant 0 : i32
        %dma_wait3A_213 = arith.constant 0 : i32
        %dma_wait3A_214 = tpu.memref_slice %dma_wait3A_211[%dma_wait3A_212, %dma_wait3A_213] : memref<10000x64xi32, #tpu.memory_space<hbm>> -> memref<10000x64xi32, #tpu.memory_space<hbm>>
        tpu.wait_indirect_dma semaphore(%arg26 : memref<!tpu.dma_semaphore, #tpu.memory_space<semaphore_mem>>) src(%dma_wait3A_214 : memref<10000x64xi32, #tpu.memory_space<hbm>>) dst(%arg15 : memref<128x64xi32, #tpu.memory_space<vmem>>)
        %parallel_loop3A_215 = arith.constant 0 : i32
        %parallel_loop3A_216 = arith.constant 128 : i32
        %parallel_loop3A_217 = arith.constant 1 : i32
        scf.for %parallel_loop3A_218 = %parallel_loop3A_215 to %parallel_loop3A_216 step %parallel_loop3A_217  : i32 {
          %parallel_loop3A_219 = arith.index_cast %parallel_loop3A_218 : i32 to index
          %parallel_loop3A_220 = arith.constant 0 : index
          %parallel_loop3A_221 = tpu.vector_load %arg11[%parallel_loop3A_219, %parallel_loop3A_220] {strides = array<i32>} : memref<128x64xi32, #tpu.memory_space<vmem>>, vector<16xi32>,
          %parallel_loop3A_222 = vector.bitcast %parallel_loop3A_221 : vector<16xi32> to vector<32xbf16>
          %parallel_loop3A_223 = arith.index_cast %parallel_loop3A_218 : i32 to index
          %parallel_loop3A_224 = arith.constant 0 : index
          %parallel_loop3A_225 = tpu.vector_load %arg15[%parallel_loop3A_223, %parallel_loop3A_224] {strides = array<i32>} : memref<128x64xi32, #tpu.memory_space<vmem>>, vector<16xi32>,
          %parallel_loop3A_226 = vector.bitcast %parallel_loop3A_225 : vector<16xi32> to vector<32xbf16>
          %parallel_loop3A_227 = arith.mulf %parallel_loop3A_222, %parallel_loop3A_226 : vector<32xbf16>
          %parallel_loop3A_228 = tpu.unpack_subelements %parallel_loop3A_227, 0 {pack_format = #tpu.pack_format<interleaved>} : vector<32xbf16> -> vector<16xf32>
          %parallel_loop3A_229 = tpu.unpack_subelements %parallel_loop3A_227, 1 {pack_format = #tpu.pack_format<interleaved>} : vector<32xbf16> -> vector<16xf32>
          %parallel_loop3A_230 = arith.addf %parallel_loop3A_228, %parallel_loop3A_229 : vector<16xf32>
          %parallel_loop3A_231 = arith.index_cast %parallel_loop3A_218 : i32 to index
          %parallel_loop3A_232 = arith.constant 16 : index
          %parallel_loop3A_233 = tpu.vector_load %arg11[%parallel_loop3A_231, %parallel_loop3A_232] {strides = array<i32>} : memref<128x64xi32, #tpu.memory_space<vmem>>, vector<16xi32>,
          %parallel_loop3A_234 = vector.bitcast %parallel_loop3A_233 : vector<16xi32> to vector<32xbf16>
          %parallel_loop3A_235 = arith.index_cast %parallel_loop3A_218 : i32 to index
          %parallel_loop3A_236 = arith.constant 16 : index
          %parallel_loop3A_237 = tpu.vector_load %arg15[%parallel_loop3A_235, %parallel_loop3A_236] {strides = array<i32>} : memref<128x64xi32, #tpu.memory_space<vmem>>, vector<16xi32>,
          %parallel_loop3A_238 = vector.bitcast %parallel_loop3A_237 : vector<16xi32> to vector<32xbf16>
          %parallel_loop3A_239 = arith.mulf %parallel_loop3A_234, %parallel_loop3A_238 : vector<32xbf16>
          %parallel_loop3A_240 = tpu.unpack_subelements %parallel_loop3A_239, 0 {pack_format = #tpu.pack_format<interleaved>} : vector<32xbf16> -> vector<16xf32>
          %parallel_loop3A_241 = tpu.unpack_subelements %parallel_loop3A_239, 1 {pack_format = #tpu.pack_format<interleaved>} : vector<32xbf16> -> vector<16xf32>
          %parallel_loop3A_242 = arith.addf %parallel_loop3A_240, %parallel_loop3A_241 : vector<16xf32>
          %parallel_loop3A_243 = arith.addf %parallel_loop3A_230, %parallel_loop3A_242 : vector<16xf32>
          %parallel_loop3A_244 = arith.index_cast %parallel_loop3A_218 : i32 to index
          %parallel_loop3A_245 = arith.constant 32 : index
          %parallel_loop3A_246 = tpu.vector_load %arg11[%parallel_loop3A_244, %parallel_loop3A_245] {strides = array<i32>} : memref<128x64xi32, #tpu.memory_space<vmem>>, vector<16xi32>,
          %parallel_loop3A_247 = vector.bitcast %parallel_loop3A_246 : vector<16xi32> to vector<32xbf16>
          %parallel_loop3A_248 = arith.index_cast %parallel_loop3A_218 : i32 to index
          %parallel_loop3A_249 = arith.constant 32 : index
          %parallel_loop3A_250 = tpu.vector_load %arg15[%parallel_loop3A_248, %parallel_loop3A_249] {strides = array<i32>} : memref<128x64xi32, #tpu.memory_space<vmem>>, vector<16xi32>,
          %parallel_loop3A_251 = vector.bitcast %parallel_loop3A_250 : vector<16xi32> to vector<32xbf16>
          %parallel_loop3A_252 = arith.mulf %parallel_loop3A_247, %parallel_loop3A_251 : vector<32xbf16>
          %parallel_loop3A_253 = tpu.unpack_subelements %parallel_loop3A_252, 0 {pack_format = #tpu.pack_format<interleaved>} : vector<32xbf16> -> vector<16xf32>
          %parallel_loop3A_254 = tpu.unpack_subelements %parallel_loop3A_252, 1 {pack_format = #tpu.pack_format<interleaved>} : vector<32xbf16> -> vector<16xf32>
          %parallel_loop3A_255 = arith.addf %parallel_loop3A_253, %parallel_loop3A_254 : vector<16xf32>
          %parallel_loop3A_256 = arith.addf %parallel_loop3A_243, %parallel_loop3A_255 : vector<16xf32>
          %parallel_loop3A_257 = arith.index_cast %parallel_loop3A_218 : i32 to index
          %parallel_loop3A_258 = arith.constant 48 : index
          %parallel_loop3A_259 = tpu.vector_load %arg11[%parallel_loop3A_257, %parallel_loop3A_258] {strides = array<i32>} : memref<128x64xi32, #tpu.memory_space<vmem>>, vector<16xi32>,
          %parallel_loop3A_260 = vector.bitcast %parallel_loop3A_259 : vector<16xi32> to vector<32xbf16>
          %parallel_loop3A_261 = arith.index_cast %parallel_loop3A_218 : i32 to index
          %parallel_loop3A_262 = arith.constant 48 : index
          %parallel_loop3A_263 = tpu.vector_load %arg15[%parallel_loop3A_261, %parallel_loop3A_262] {strides = array<i32>} : memref<128x64xi32, #tpu.memory_space<vmem>>, vector<16xi32>,
          %parallel_loop3A_264 = vector.bitcast %parallel_loop3A_263 : vector<16xi32> to vector<32xbf16>
          %parallel_loop3A_265 = arith.mulf %parallel_loop3A_260, %parallel_loop3A_264 : vector<32xbf16>
          %parallel_loop3A_266 = tpu.unpack_subelements %parallel_loop3A_265, 0 {pack_format = #tpu.pack_format<interleaved>} : vector<32xbf16> -> vector<16xf32>
          %parallel_loop3A_267 = tpu.unpack_subelements %parallel_loop3A_265, 1 {pack_format = #tpu.pack_format<interleaved>} : vector<32xbf16> -> vector<16xf32>
          %parallel_loop3A_268 = arith.addf %parallel_loop3A_266, %parallel_loop3A_267 : vector<16xf32>
          %parallel_loop3A_269 = arith.addf %parallel_loop3A_256, %parallel_loop3A_268 : vector<16xf32>
          %parallel_loop3A_270 = arith.constant true
          %parallel_loop3A_271 = vector.broadcast %parallel_loop3A_270 : i1 to vector<16xi1>
          %parallel_loop3A_272 = tpu.scan <sum>, %parallel_loop3A_269 masked %parallel_loop3A_271 : vector<16xf32>, vector<16xi1> -> vector<16xf32>
          %parallel_loop3A_273 = arith.constant 128 : i32
          %parallel_loop3A_274 = arith.muli %add3A_183, %parallel_loop3A_273 : i32
          %parallel_loop3A_275 = arith.addi %parallel_loop3A_274, %parallel_loop3A_218 : i32
          %parallel_loop3A_276 = arith.constant 15 : i32
          %parallel_loop3A_277 = vector.broadcast %parallel_loop3A_276 : i32 to vector<16xi32>
          %parallel_loop3A_278 = arith.cmpi eq, %iota3A, %parallel_loop3A_277 : vector<16xi32>
          %parallel_loop3A_279 = arith.index_cast %parallel_loop3A_275 : i32 to index
          %parallel_loop3A_280 = tpu.vector_load %arg16[%parallel_loop3A_279] masked %parallel_loop3A_278 {strides = array<i32>} : memref<10128xf32, #tpu.memory_space<vmem>>, vector<16xf32>, vector<16xi1>
          tpu.vector_store %arg16[%parallel_loop3A_279], %parallel_loop3A_272 masked %parallel_loop3A_278 {strides = array<i32>} : memref<10128xf32, #tpu.memory_space<vmem>>, vector<16xf32>, vector<16xi1>
        } {sc.loop_unroll_factor = 8 : i64, sc.parallel_access}
      } else {
      }
      %while3A_196 = arith.constant 0 : i32
      scf.yield %while3A_196 : i32
    }
    %parallel_loop3A = arith.constant 0 : i32
    %parallel_loop3A_118 = arith.constant 624 : i32
    %parallel_loop3A_119 = arith.constant 1 : i32
    scf.for %parallel_loop3A_130 = %parallel_loop3A to %parallel_loop3A_118 step %parallel_loop3A_119  : i32 {
      %parallel_loop3A_131 = arith.constant 16 : i32
      %parallel_loop3A_132 = arith.muli %parallel_loop3A_130, %parallel_loop3A_131 : i32
      %parallel_loop3A_133 = arith.index_cast %parallel_loop3A_132 : i32 to index
      %parallel_loop3A_134 = tpu.vector_load %arg16[%parallel_loop3A_133] {strides = array<i32>} : memref<10128xf32, #tpu.memory_space<vmem>>, vector<16xf32>,
      %parallel_loop3A_135 = arith.constant 0.000000e+00 : f32
      %parallel_loop3A_136 = vector.broadcast %parallel_loop3A_135 : f32 to vector<16xf32>
      %parallel_loop3A_137 = arith.subf %parallel_loop3A_136, %parallel_loop3A_134 : vector<16xf32>
      %parallel_loop3A_138 = math.exp %parallel_loop3A_137 : vector<16xf32>
      %parallel_loop3A_139 = arith.constant 1.000000e+00 : f32
      %parallel_loop3A_140 = vector.broadcast %parallel_loop3A_139 : f32 to vector<16xf32>
      %parallel_loop3A_141 = arith.addf %parallel_loop3A_140, %parallel_loop3A_138 : vector<16xf32>
      %parallel_loop3A_142 = arith.constant 1.000000e+00 : f32
      %parallel_loop3A_143 = vector.broadcast %parallel_loop3A_142 : f32 to vector<16xf32>
      %parallel_loop3A_144 = arith.divf %parallel_loop3A_143, %parallel_loop3A_141 : vector<16xf32>
      %parallel_loop3A_145 = arith.constant 16 : i32
      %parallel_loop3A_146 = arith.muli %parallel_loop3A_130, %parallel_loop3A_145 : i32
      %parallel_loop3A_147 = arith.index_cast %parallel_loop3A_146 : i32 to index
      %parallel_loop3A_148 = tpu.vector_load %arg16[%parallel_loop3A_147] {strides = array<i32>} : memref<10128xf32, #tpu.memory_space<vmem>>, vector<16xf32>,
      tpu.vector_store %arg16[%parallel_loop3A_147], %parallel_loop3A_144 {strides = array<i32>} : memref<10128xf32, #tpu.memory_space<vmem>>, vector<16xf32>,
    } {sc.loop_unroll_factor = 8 : i64, sc.parallel_access}
    %eq3A_120 = arith.constant 1 : i32
    %eq3A_121 = arith.cmpi eq, %convert_element_type3A, %eq3A_120 : i32
    %convert_element_type3A_122 = arith.extui %eq3A_121 : i1 to i32
    %cond3A_123 = arith.constant 0 : i32
    %cond3A_124 = arith.cmpi ne, %convert_element_type3A_122, %cond3A_123 : i32
    scf.if %cond3A_124 {
      %parallel_loop3A_130 = arith.constant 624 : i32
      %parallel_loop3A_131 = arith.constant 632 : i32
      %parallel_loop3A_132 = arith.constant 1 : i32
      scf.for %parallel_loop3A_133 = %parallel_loop3A_130 to %parallel_loop3A_131 step %parallel_loop3A_132  : i32 {
        %parallel_loop3A_134 = arith.constant 16 : i32
        %parallel_loop3A_135 = arith.muli %parallel_loop3A_133, %parallel_loop3A_134 : i32
        %parallel_loop3A_136 = arith.index_cast %parallel_loop3A_135 : i32 to index
        %parallel_loop3A_137 = tpu.vector_load %arg16[%parallel_loop3A_136] {strides = array<i32>} : memref<10128xf32, #tpu.memory_space<vmem>>, vector<16xf32>,
        %parallel_loop3A_138 = arith.constant 0.000000e+00 : f32
        %parallel_loop3A_139 = vector.broadcast %parallel_loop3A_138 : f32 to vector<16xf32>
        %parallel_loop3A_140 = arith.subf %parallel_loop3A_139, %parallel_loop3A_137 : vector<16xf32>
        %parallel_loop3A_141 = math.exp %parallel_loop3A_140 : vector<16xf32>
        %parallel_loop3A_142 = arith.constant 1.000000e+00 : f32
        %parallel_loop3A_143 = vector.broadcast %parallel_loop3A_142 : f32 to vector<16xf32>
        %parallel_loop3A_144 = arith.addf %parallel_loop3A_143, %parallel_loop3A_141 : vector<16xf32>
        %parallel_loop3A_145 = arith.constant 1.000000e+00 : f32
        %parallel_loop3A_146 = vector.broadcast %parallel_loop3A_145 : f32 to vector<16xf32>
        %parallel_loop3A_147 = arith.divf %parallel_loop3A_146, %parallel_loop3A_144 : vector<16xf32>
        %parallel_loop3A_148 = arith.constant 16 : i32
        %parallel_loop3A_149 = arith.muli %parallel_loop3A_133, %parallel_loop3A_148 : i32
        %parallel_loop3A_150 = arith.index_cast %parallel_loop3A_149 : i32 to index
        %parallel_loop3A_151 = tpu.vector_load %arg16[%parallel_loop3A_150] {strides = array<i32>} : memref<10128xf32, #tpu.memory_space<vmem>>, vector<16xf32>,
        tpu.vector_store %arg16[%parallel_loop3A_150], %parallel_loop3A_147 {strides = array<i32>} : memref<10128xf32, #tpu.memory_space<vmem>>, vector<16xf32>,
      } {sc.loop_unroll_factor = 8 : i64, sc.parallel_access}
    } else {
    }
    "tpu.region"() ({
      %run_scoped3A = tpu.sem_alloc : memref<!tpu.dma_semaphore, #tpu.memory_space<semaphore_mem>>
      %dma_start3A_130 = arith.constant 0 : i32
      %dma_start3A_131 = tpu.memref_slice %arg16[%dma_start3A_130] : memref<10128xf32, #tpu.memory_space<vmem>> -> memref<9984xf32, #tpu.memory_space<vmem>>
      %dma_start3A_132 = tpu.memref_slice %arg4[%mul3A_9] : memref<320000xf32, #tpu.memory_space<hbm>> -> memref<9984xf32, #tpu.memory_space<hbm>>
      %dma_start3A_133 = tpu.memref_slice %arg4[%mul3A_9] : memref<320000xf32, #tpu.memory_space<hbm>> -> memref<9984xf32, #tpu.memory_space<hbm>>
      %dma_start3A_134 = arith.constant 0 : i32
      %dma_start3A_135 = tpu.memref_slice %arg16[%dma_start3A_134] : memref<10128xf32, #tpu.memory_space<vmem>> -> memref<9984xf32, #tpu.memory_space<vmem>>
      tpu.enqueue_dma source(%dma_start3A_135 : memref<9984xf32, #tpu.memory_space<vmem>>) target(%dma_start3A_133 : memref<9984xf32, #tpu.memory_space<hbm>>) target_semaphore(%run_scoped3A : memref<!tpu.dma_semaphore, #tpu.memory_space<semaphore_mem>>)
      %dma_wait3A_136 = arith.constant 0 : i32
      %dma_wait3A_137 = tpu.memref_slice %arg16[%dma_wait3A_136] : memref<10128xf32, #tpu.memory_space<vmem>> -> memref<9984xf32, #tpu.memory_space<vmem>>
      %dma_wait3A_138 = tpu.memref_slice %arg4[%mul3A_9] : memref<320000xf32, #tpu.memory_space<hbm>> -> memref<9984xf32, #tpu.memory_space<hbm>>
      %dma_wait3A_139 = tpu.memref_slice %arg4[%mul3A_9] : memref<320000xf32, #tpu.memory_space<hbm>> -> memref<9984xf32, #tpu.memory_space<hbm>>
      %dma_wait3A_140 = arith.constant 0 : i32
      %dma_wait3A_141 = tpu.memref_slice %arg16[%dma_wait3A_140] : memref<10128xf32, #tpu.memory_space<vmem>> -> memref<9984xf32, #tpu.memory_space<vmem>>
      tpu.wait_dma2 semaphore(%run_scoped3A : memref<!tpu.dma_semaphore, #tpu.memory_space<semaphore_mem>>) src(%dma_wait3A_141 : memref<9984xf32, #tpu.memory_space<vmem>>) dst(%dma_wait3A_139 : memref<9984xf32, #tpu.memory_space<hbm>>)
      tpu.yield
    }) : () -> ()
    %eq3A_125 = arith.constant 1 : i32
    %eq3A_126 = arith.cmpi eq, %convert_element_type3A, %eq3A_125 : i32
    %convert_element_type3A_127 = arith.extui %eq3A_126 : i1 to i32
    %cond3A_128 = arith.constant 0 : i32
    %cond3A_129 = arith.cmpi ne, %convert_element_type3A_127, %cond3A_128 : i32
    scf.if %cond3A_129 {
      %add3A_130 = arith.constant 9984 : i32
      %add3A_131 = arith.addi %mul3A_9, %add3A_130 : i32
      "tpu.region"() ({
        %run_scoped3A = tpu.sem_alloc : memref<!tpu.dma_semaphore, #tpu.memory_space<semaphore_mem>>
        %dma_start3A_132 = arith.constant 9984 : i32
        %dma_start3A_133 = tpu.memref_slice %arg16[%dma_start3A_132] : memref<10128xf32, #tpu.memory_space<vmem>> -> memref<128xf32, #tpu.memory_space<vmem>>
        %dma_start3A_134 = tpu.memref_slice %arg4[%add3A_131] : memref<320000xf32, #tpu.memory_space<hbm>> -> memref<128xf32, #tpu.memory_space<hbm>>
        %dma_start3A_135 = tpu.memref_slice %arg4[%add3A_131] : memref<320000xf32, #tpu.memory_space<hbm>> -> memref<128xf32, #tpu.memory_space<hbm>>
        %dma_start3A_136 = arith.constant 9984 : i32
        %dma_start3A_137 = tpu.memref_slice %arg16[%dma_start3A_136] : memref<10128xf32, #tpu.memory_space<vmem>> -> memref<128xf32, #tpu.memory_space<vmem>>
        tpu.enqueue_dma source(%dma_start3A_137 : memref<128xf32, #tpu.memory_space<vmem>>) target(%dma_start3A_135 : memref<128xf32, #tpu.memory_space<hbm>>) target_semaphore(%run_scoped3A : memref<!tpu.dma_semaphore, #tpu.memory_space<semaphore_mem>>)
        %dma_wait3A_138 = arith.constant 9984 : i32
        %dma_wait3A_139 = tpu.memref_slice %arg16[%dma_wait3A_138] : memref<10128xf32, #tpu.memory_space<vmem>> -> memref<128xf32, #tpu.memory_space<vmem>>
        %dma_wait3A_140 = tpu.memref_slice %arg4[%add3A_131] : memref<320000xf32, #tpu.memory_space<hbm>> -> memref<128xf32, #tpu.memory_space<hbm>>
        %dma_wait3A_141 = tpu.memref_slice %arg4[%add3A_131] : memref<320000xf32, #tpu.memory_space<hbm>> -> memref<128xf32, #tpu.memory_space<hbm>>
        %dma_wait3A_142 = arith.constant 9984 : i32
        %dma_wait3A_143 = tpu.memref_slice %arg16[%dma_wait3A_142] : memref<10128xf32, #tpu.memory_space<vmem>> -> memref<128xf32, #tpu.memory_space<vmem>>
        tpu.wait_dma2 semaphore(%run_scoped3A : memref<!tpu.dma_semaphore, #tpu.memory_space<semaphore_mem>>) src(%dma_wait3A_143 : memref<128xf32, #tpu.memory_space<vmem>>) dst(%dma_wait3A_141 : memref<128xf32, #tpu.memory_space<hbm>>)
        tpu.yield
      }) : () -> ()
    } else {
    }
    return
  }
}

</mosaic_0001>

<sc_bundles>
// kernel: _gae_sc.3.cloned.1.call-start
scs
__scs_entry_jumppad:
0x0: {  	(pc) =	sbr.rel $0x88, $3  }
0x1: {  	(tag) =	ssettag $0x0;
	lr =	simm.s32 $0x1  }
0x2: {  	[smem:$0x3F9F] =	sst lr;
	_ =	strace $0xD0000000  }
0x3: {  	_ = 	snop  }
0x4: {  	_ = 	snop  }
0x5: {  	_ = 	snop  }
0x6: {  	_ = 	snop  }
0x7: {  	_ = 	snop  }
__scs_overlays_trampoline_lowered:
0x8: {  	[smem:$0x3FAE] =	sst s0  }
0x9: {  	[smem:$0x3FAF] =	sst s1  }
0xa: {  	[smem:$0x3FB0] =	sst s2  }
0xb: {  	[smem:$0x3FB1] =	sst s3  }
0xc: {  	[smem:$0x3FB2] =	sst s4  }
0xd: {  	[smem:$0x3FB3] =	sst s5  }
0xe: {  	[smem:$0x3FB4] =	sst s6  }
0xf: {  	[smem:$0x3FB5] =	sst s7  }
0x10: {  	[smem:$0x3FB6] =	sst s8  }
0x11: {  	[smem:$0x3FB7] =	sst s9;
	s0 =	simm.s32 @!p0 $0x0  }
0x12: {  	s1 =	sld [smem:$0x3F9D];
	s0 =	simm.s32 @p0 $0x1  }
0x13: {  	[smem:$0x3FB8] =	sst s0;
	s0 =	simm.s32 @!p1 $0x0  }
0x14: {  	s2 =	sld [smem:$0x3F9C];
	s0 =	simm.s32 @p1 $0x1  }
0x15: {  	[smem:$0x3FB9] =	sst s0;
	s0 =	simm.s32 @!p2 $0x0  }
0x16: {  	s3 =	sld [smem:$0x3FDB];
	s0 =	simm.s32 @p2 $0x1  }
0x17: {  	s4 =	simm.s32 $0x1BF5;
	[smem:$0x3FBB] =	sst s0  }
0x18: {  	s0 =	sld [smem:$0x3F9E];
	_ =	swait.ge [sflag:s4], $0x0  }
0x19: {  	s7 =	sld [smem:$0x3F9F]  }
0x1a: {  	s8 =	sadd.s32 $0xFFFFE003, lr  }
0x1b: {  	s9 =	sadd.s32 $0xFFFFFEF7, lr;
	s5 =	simm.s32 $0xFFFFFFFF;
	p2 =	slt.u32 s8, $0xFFFFF086  }
0x1c: {  	p1 =	slt.u32 s9, $0xF7A;
	s5 =	simm.s32 @!p2 $0x0  }
0x1d: {  	s5 =	simm.s32 @p1 $0x1;
	p0 =	seq.s32 s7, s2  }
0x1e: {  	s7 =	smul.u32 @!p0 $0xF7A, s2;
	p2 =	seq.s32 @!p0 s5, $0x0  }
0x1f: {  	s9 =	smul.u32 $0xF7A, s1;
	s8 =	simm.s32 @!p0 $0x1BF5;
	p2 =	por !p2, p0  }
0x20: {  	[sflag:s8] =	ssyncset.s32 @!p0 $0xFFFFF086;
	s6 =	sadd.s32 @!p0 s3, s7;
	s7 =	simm.s32 @!p0 $0x108  }
0x21: {  	s3 =	sadd.s32 s3, s9;
	s6 =	sadd.s32 @!p0 $0x88, s6;
	s7 =	simm.s32 @p2 $0x1082  }
0x22: {  	[simem:s7], [sflag:s8] =	dma.local @!p0 [hbm:s6], $0xF7A  }
0x23: {  	s9 =	sor.u32 $0xD0000000, s2;
	s6 =	simm.s32 $0x108;
	_ =	swait.ge @!p0 [sflag:s8], $0x0  }
0x24: {  	s3 =	sadd.s32 $0x88, s3;
	s6 =	simm.s32 @!p1 $0x1082;
	[sflag:s4] =	ssyncset.s32 $0xFFFFF086  }
0x25: {  	[simem:s6], [sflag:s4] =	dma.local [hbm:s3], $0xF7A  }
0x26: {  	[smem:$0x3F9F] =	sst s1;
	(tag) =	ssettag s2;
	_ =	strace s9  }
0x27: {  	s1 =	sld [smem:$0x3FAF]  }
0x28: {  	s2 =	sld [smem:$0x3FB0]  }
0x29: {  	s4 =	sld [smem:$0x3FB2]  }
0x2a: {  	p0 =	seq.s32 s5, $0x0;
	s5 =	sld [smem:$0x3FB3]  }
0x2b: {  	s6 =	sld [smem:$0x3FB4]  }
0x2c: {  	s7 =	sld [smem:$0x3FB5]  }
0x2d: {  	s3 =	simm.s32 $0x108;
	s8 =	sld [smem:$0x3FB6]  }
0x2e: {  	s3 =	simm.s32 @!p0 $0x1082;
	s9 =	sld [smem:$0x3FB7]  }
0x2f: {  	lr =	sadd.s32 s0, s3;
	s0 =	sld [smem:$0x3FAE]  }
0x30: {  	s3 =	sld [smem:$0x3FB1]  }
0x31: {  	[smem:$0x3FBA] =	sst s10  }
0x32: {  	s10 =	sld [smem:$0x3FB8];
	_ =	sdelay $0x3  }
0x33: {  	p0 =	seq.s32 s10, $0x1;
	s10 =	sld [smem:$0x3FBA];
	_ =	sdelay $0x3  }
0x34: {  	[smem:$0x3FBA] =	sst s10  }
0x35: {  	s10 =	sld [smem:$0x3FB9];
	_ =	sdelay $0x3  }
0x36: {  	p1 =	seq.s32 s10, $0x1;
	s10 =	sld [smem:$0x3FBA];
	_ =	sdelay $0x3  }
0x37: {  	[smem:$0x3FBA] =	sst s10  }
0x38: {  	s10 =	sld [smem:$0x3FBB]  }
0x39: {  	_ = 	snop;
	(pc) =	sbr.ind lr, $3  }
0x3a: {  	_ = 	snop  }
0x3b: {  	_ = 	snop  }
0x3c: {  	p2 =	seq.s32 s10, $0x1;
	s10 =	sld [smem:$0x3FBA]  }
0x3d: {  	_ =	shalt  }
0x3e: {  	_ =	shalt  }
0x3f: {  	_ =	shalt  }
0x40: {  	_ =	shalt  }
0x41: {  	_ =	shalt  }
0x42: {  	_ =	shalt  }
0x43: {  	_ =	shalt  }
0x44: {  	_ =	shalt  }
0x45: {  	_ =	shalt  }
0x46: {  	_ =	shalt  }
0x47: {  	_ =	shalt  }
0x48: {  	_ =	shalt  }
0x49: {  	_ =	shalt  }
0x4a: {  	_ =	shalt  }
0x4b: {  	_ =	shalt  }
0x4c: {  	_ =	shalt  }
0x4d: {  	_ =	shalt  }
0x4e: {  	_ =	shalt  }
0x4f: {  	_ =	shalt  }
0x50: {  	_ =	shalt  }
0x51: {  	_ =	shalt  }
0x52: {  	_ =	shalt  }
0x53: {  	_ =	shalt  }
0x54: {  	_ =	shalt  }
0x55: {  	_ =	shalt  }
0x56: {  	_ =	shalt  }
0x57: {  	_ =	shalt  }
0x58: {  	_ =	shalt  }
0x59: {  	_ =	shalt  }
0x5a: {  	_ =	shalt  }
0x5b: {  	_ =	shalt  }
0x5c: {  	_ =	shalt  }
0x5d: {  	_ =	shalt  }
0x5e: {  	_ =	shalt  }
0x5f: {  	_ =	shalt  }
0x60: {  	_ =	shalt  }
0x61: {  	_ =	shalt  }
0x62: {  	_ =	shalt  }
0x63: {  	_ =	shalt  }
0x64: {  	_ =	shalt  }
0x65: {  	_ =	shalt  }
0x66: {  	_ =	shalt  }
0x67: {  	_ =	shalt  }
0x68: {  	_ =	shalt  }
0x69: {  	_ =	shalt  }
0x6a: {  	_ =	shalt  }
0x6b: {  	_ =	shalt  }
0x6c: {  	_ =	shalt  }
0x6d: {  	_ =	shalt  }
0x6e: {  	_ =	shalt  }
0x6f: {  	_ =	shalt  }
0x70: {  	_ =	shalt  }
0x71: {  	_ =	shalt  }
0x72: {  	_ =	shalt  }
0x73: {  	_ =	shalt  }
0x74: {  	_ =	shalt  }
0x75: {  	_ =	shalt  }
0x76: {  	_ =	shalt  }
0x77: {  	_ =	shalt  }
0x78: {  	_ =	shalt  }
0x79: {  	_ =	shalt  }
0x7a: {  	_ =	shalt  }
0x7b: {  	_ =	shalt  }
0x7c: {  	_ =	shalt  }
0x7d: {  	_ =	shalt  }
0x7e: {  	_ =	shalt  }
0x7f: {  	_ =	shalt  }
0x80: {  	_ =	shalt  }
0x81: {  	_ =	shalt  }
0x82: {  	_ =	shalt  }
0x83: {  	_ =	shalt  }
0x84: {  	_ =	shalt  }
0x85: {  	_ =	shalt  }
0x86: {  	_ =	shalt  }
0x87: {  	_ =	shalt  }
.Lfunc_end0:
.L_simem_size_0:
called_computation_lowered:
.L_overlay_start_0:
0x88: {  	s2 =	sld [smem:$0x3FD9]  }
0x89: {  	s3 =	sld [smem:$0x3FFE];
	_ =	sdelay $0x1  }
0x8a: {  	s1 =	srdreg.scid  }
0x8b: {  	s0 =	sand.u32 $0x1, s1  }
0x8c: {  	s17 =	sshll.u32 s0, $0xA;
	s2 =	sadd.s32 s3, s2  }
0x8d: {  	s2 =	sadd.s32 s2, s17  }
0x8e: {  	[smem:$0x3FC6] =	sst s2  }
0x8f: {  	_ = 	snop  }
0x90: {  	s2 =	sld [smem:$0x3FC9]  }
0x91: {  	s18 =	sld [smem:$0x3FD0];
	(tm) =	ssettm $0x1  }
0x92: {  	s4 =	sld [smem:$0x3FFB];
	_ =	sdelay $0x3  }
0x93: {  	_ =	strace s4  }
0x94: {  	s4 =	sld [smem:$0x3FFC];
	_ =	sdelay $0x3  }
0x95: {  	_ =	strace s4  }
0x96: {  	s4 =	sld [smem:$0x3FFD];
	_ =	sdelay $0x3  }
0x97: {  	_ =	strace s4  }
0x98: {  	_ =	strace $0x8FFFFFFF  }
0x99: {  	s19 =	sld [smem:$0x3FDB];
	_ =	sdelay $0x1  }
0x9a: {  	s5 =	simm.s32 $_scs_section_size  }
0x9b: {  	s6 =	simm.s32 $_size__tile_overlayer_lowered;
	s7 =	simm.s32 $_tile_overlayer_lowered  }
0x9c: {  	s22 =	simm.s32 $0x1BFF;
	s21 =	sshll.u32 s7, $0x1;
	s4 =	sadd.s32 s5, s19  }
0x9d: {  	s8 =	simm.s32 $0x0;
	s20 =	sshll.u32 s6, $0x1;
	s6 =	sadd.s32 s21, s4  }
0x9e: {  	[timem:s8], [sflag:s22] =	dma.local [hbm:s6], s20  }
0x9f: {  	_ =	swait.ge [sflag:s22], s20  }
0xa0: {  	s5 =	ssub.s32 $0x0, s20;
	[sflag:s22] =	ssyncset.done $0x0  }
0xa1: {  	[sflag:s22] =	ssyncadd.s32 s5;
	_ =	sdelay $0x1  }
0xa2: {  	s23 =	simm.s32 $0x1B8B  }
0xa3: {  	_ =	swait.ge [sflag:s23], $0x1  }
0xa4: {  	[sflag:s23] =	ssyncset.done $0x0  }
0xa5: {  	s25 =	simm.s32 $0x1B8E;
	s24 =	sld [smem:$0x3FFE];
	[sflag:s23] =	ssyncadd.s32 $0xFFFFFFFF  }
0xa6: {  	s26 =	simm.s32 $execute0_lowered;
	[smem:$0x3FD2] =	sst s25  }
0xa7: {  	s6 =	sshll.u32 s26, $0x1;
	_ =	strace $0x80000046;
	[dreg:$0x1] =	wrdreg $0xFFFFFFFF  }
0xa8: {  	s28 =	simm.s32 $_size_execute0_lowered;
	s4 =	sadd.s32 s4, s6;
	[dreg:$0x0] =	wrdreg $0x0  }
0xa9: {  	s6 =	sshll.u32 s28, $0x1;
	[dreg:$0x2] =	wrdreg s4  }
0xaa: {  	[dreg:$0x3] =	wrdreg s6  }
0xab: {  	[dreg:$0x4] =	wrdreg $0xC0  }
0xac: {  	_ =	task [dreg:s8], $0x5FFFF  }
0xad: {  	[dreg:$0x1] =	wrdreg $0xFFFFFFFF  }
0xae: {  	[dreg:$0x0] =	wrdreg $0x60  }
0xaf: {  	[dreg:$0x2] =	wrdreg s2  }
0xb0: {  	[dreg:$0x3] =	wrdreg s24  }
0xb1: {  	[dreg:$0x4] =	wrdreg s18  }
0xb2: {  	[dreg:$0x5] =	wrdreg $0x9  }
0xb3: {  	_ =	task.clear_ibuf [dreg:s8], $0x6FFFF;
	_ =	strace $0x90000046  }
0xb4: {  	s29 =	simm.s32 $0x9;
	_ =	strace $0x80000048  }
0xb5: {  	_ =	swait.ge [sflag:s29], $0x1  }
0xb6: {  	[sflag:s29] =	ssyncadd.s32 $0xFFFFFFFF  }
0xb7: {  	_ =	strace $0x90000048  }
0xb8: {  	_ =	sfence  }
0xb9: {  	s30 =	sld [smem:$0x0];
	_ =	sdelay $0x2  }
0xba: {  	s31 =	sshll.u32 s1, $0xD;
	s1 =	sshrl.u32 s1, $0x2  }
0xbb: {  	s3 =	sand.u32 $0x4000, s31;
	s1 =	sadd.s32 s1, s30  }
0xbc: {  	s0 =	sor.u32 s3, s0;
	s1 =	sshll.u32 s1, $0x11  }
0xbd: {  	s0 =	sor.u32 s1, s0  }
0xbe: {  	s0 =	sadd.s32 $0x8F2B, s0  }
0xbf: {  	[sflag:s0] =	ssyncadd.remote.s32 $0x1  }
0xc0: {  	_ =	sfence.sel $0xFFFF  }
0xc1: {  	[dreg:$0x0] =	wrdreg $0xFFFFFFFF;
	(pc) =	sbr.abs _section_cstart, $3  }
0xc2: {  	[dreg:$0x1] =	wrdreg $0xFFFFFFFF  }
0xc3: {  	_ =	task.clear_ibuf [dreg:s8], $0x2FFFF;
	_ =	strace $0x9FFFFFFF  }
0xc4: {  	(tm) =	ssettm $0x7FFFFFFF  }
0xc5: {  	_ =	shalt  }
tec
execute0_lowered:
.L_overlay_start_1:
0x0: {  	(tag) =	ssettag $0x1  }
0x1: {  	s1 =	rddreg [dreg:$0x0]  }
0x2: {  	s0 =	rddreg [dreg:$0x1]  }
0x3: {  	s2 =	rddreg [dreg:$0x2]  }
0x4: {  	s3 =	simm.s32 $0x0;
	s4 =	srdreg.scid;
	s11 =	stileid.u32  }
0x5: {  	s14 =	simm.s32 $0x2780;
	s15 =	simm.s32 $0x17690;
	s16 =	simm.s32 $0xB  }
0x6: {  	s17 =	simm.s32 $0x1B510;
	s18 =	simm.s32 $0x9;
	s19 =	simm.s32 $0xA  }
0x7: {  	s20 =	simm.s32 $0x80;
	s31 =	simm.s32 $0x1;
	s21 =	simm.s32 $0x6  }
0x8: {  	s22 =	simm.s32 $0x3;
	s28 =	simm.s32 $0x0;
	[smem:$0x7FF] =	sst s3  }
0x9: {  	s4 =	sand.u32 $0x1, s4;
	s5 =	sshll.u32 s11, $0x1;
	s9 =	sadd.s32 $0x800, s0  }
0xa: {  	p0 =	slt.u32 s11, $0x2;
	s6 =	smul.u32 $0x13880, s4;
	s5 =	sor.u32 s4, s5  }
0xb: {  	_ =	strace $0x80000047;
	s4 =	ssub.s32 $0x2, s4;
	s7 =	smul.u32 $0x4E, s5  }
0xc: {  	s8 =	sshrl.u32 s4, $0x1;
	s5 =	smin.u32 s5, $0x4;
	s6 =	sadd.s32 s6, s0  }
0xd: {  	s10 =	ssub.s32 s4, s8;
	s4 =	simm.s32 $0x4F;
	s0 =	sadd.s32 $0xA440, s0  }
0xe: {  	s5 =	sadd.s32 s5, s7;
	s4 =	simm.s32 @!p0 $0x4E;
	s7 =	smul.u32 $0x271, s11  }
0xf: {  	s8 =	sadd.s32 $0x14200, s6;
	s30 =	smax.u32 s10, $0x1;
	s5 =	sshll.u32 s5, $0x4  }
0x10: {  	p0 =	sgt.u32 s11, $0x1;
	[dreg:$0xa] =	wrdreg s30;
	s23 =	sadd.s32 s9, s5  }
0x11: {  	s24 =	sadd.s32 s5, s0;
	s25 =	sadd.s32 $0x4E0, s5;
	[dreg:$0x4] =	wrdreg s23  }
.Ltmp0:
0x12: {  	s26 =	sadd.s32 s2, s5;
	[dreg:$0x5] =	wrdreg s24;
	(pc) =	sbr.rel .LBB2_1-.Ltmp0, $4  }
0x13: {  	s9 =	sadd.s32 s9, s25;
	s0 =	sadd.s32 s25, s0;
	[dreg:$0x8] =	wrdreg s26  }
0x14: {  	s29 =	sadd.s32 s2, s25;
	s2 =	simm.s32 $0x2;
	[dreg:$0x6] =	wrdreg s9  }
0x15: {  	s23 =	simm.s32 $0x7;
	s24 =	simm.s32 $0x4;
	[dreg:$0x7] =	wrdreg s0  }
0x16: {  	vm0 =	vcmask $0x3F3C;
	s25 =	simm.s32 $0x8;
	[dreg:$0x9] =	wrdreg s29;
	s0 =	simm.s32 $0x5  }
.LBB2_23:
0x17: {  	s5 =	rddreg [dreg:$0x8];
	s6 =	simm.s32 $0x14F00  }
0x18: {  	[hbm4b:s5+s3] =	stream.linear.scatter [tilespmem:s6], [sflag:$0xB], $0x2700, $0x38;
	[tilespmem:$0x1D450] =	vst v63  }
0x19: {  	_ =	swait.ge [sflag:s16], $0x2700  }
0x1a: {  	[sflag:s16] =	ssyncset.done $0x0  }
0x1b: {  	[sflag:s16] =	ssyncadd.s32 $0xFFFFD900  }
.LBB2_24:
0x1c: {  	s28 =	sadd.s32 $0x1, s28;
	s5 =	rddreg [dreg:$0xa]  }
0x1d: {  	p1 =	sne.s32 s28, s5  }
.Ltmp1:
0x1e: {  	_ = 	snop;
	(pc) =	sbr.rel @!p1 .LBB2_25-.Ltmp1, $1  }
0x1f: {  	_ =	sdelay $0x3  }
.LBB2_1:
0x20: {  	s5 =	rddreg [dreg:$0x4]  }
0x21: {  	[tilespmem:s3], [sflag:$0x9] =	stream.linear.gather [hbm4b:s5+s3], $0x2700, $0x38;
	[tilespmem:$0x1D450] =	vst v63  }
0x22: {  	s30 =	rddreg [dreg:$0x5];
	s5 =	simm.s32 $0x0  }
0x23: {  	[tilespmem:s14], [sflag:$0xA] =	stream.linear.gather [hbm4b:s30+s3], $0x2700, $0x38;
	[tilespmem:$0x1D450] =	vst v63  }
.LBB2_2:
0x24: {  	s6 =	smul.u32 $0x7D, s5;
	_ =	sdelay $0x1  }
0x25: {  	s6 =	sadd.s32 s7, s6  }
0x26: {  	s9 =	sshll.u32 s6, $0x4  }
0x27: {  	s9 =	sadd.s32 s1, s9  }
0x28: {  	[tilespmem:s15], [sflag:$0xB] =	stream.linear.gather [hbm4b:s9+s3], $0x3E80, $0x38;
	[tilespmem:$0x1D450] =	vst v63  }
0x29: {  	_ =	swait.ge [sflag:s16], $0x3E80  }
0x2a: {  	[sflag:s16] =	ssyncset.done $0x0  }
0x2b: {  	s9 =	simm.s32 $0x17790;
	[sflag:s16] =	ssyncadd.s32 $0xFFFFC180  }
0x2c: {  	v0 =	vld [tilespmem:s9+$0x80]  }
0x2d: {  	v1 =	vld [tilespmem:s9+$0x90];
	_ =	sdelay $0x2  }
0x2e: {  	v2 =	vld [tilespmem:s9+$0xFFFFFF80]  }
0x2f: {  	v3 =	vld [tilespmem:s9+$0xFFFFFF90]  }
0x30: {  	s10 =	simm.s32 $0x1B590;
	v4 =	vld [tilespmem:s9+$0xFFFFFF10];
	v0 =	vpack.i.f32.bf16 v1, v0  }
0x31: {  	v1 =	vld [tilespmem:s9+$0xFFFFFF00];
	[tilespmem:s10+$0x40] =	vst v0  }
0x32: {  	v0 =	vld [tilespmem:s9+$0xA0]  }
0x33: {  	v5 =	vld [tilespmem:s9+$0xB0]  }
0x34: {  	v6 =	vld [tilespmem:s9+$0x0];
	v2 =	vpack.i.f32.bf16 v3, v2  }
0x35: {  	v3 =	vld [tilespmem:s9+$0x10];
	[tilespmem:s10+$0xFFFFFFC0] =	vst v2  }
0x36: {  	v2 =	vld [tilespmem:s9+$0xFFFFFFA0];
	v1 =	vpack.i.f32.bf16 v4, v1  }
0x37: {  	v4 =	vld [tilespmem:s9+$0xFFFFFFB0];
	[tilespmem:s10+$0xFFFFFF80] =	vst v1  }
0x38: {  	v1 =	vld [tilespmem:s9+$0xFFFFFF20];
	v0 =	vpack.i.f32.bf16 v5, v0  }
0x39: {  	v5 =	vld [tilespmem:s9+$0xFFFFFF30];
	[tilespmem:s10+$0x50] =	vst v0  }
0x3a: {  	v0 =	vpack.i.f32.bf16 v3, v6;
	v3 =	vld [tilespmem:s9+$0xC0]  }
0x3b: {  	[tilespmem:s10+$0x0] =	vst v0;
	v0 =	vld [tilespmem:s9+$0xD0]  }
0x3c: {  	v6 =	vld [tilespmem:s9+$0x20];
	v2 =	vpack.i.f32.bf16 v4, v2  }
0x3d: {  	[tilespmem:s10+$0xFFFFFFD0] =	vst v2;
	v2 =	vld [tilespmem:s9+$0x30]  }
0x3e: {  	v4 =	vld [tilespmem:s9+$0xFFFFFFC0];
	v1 =	vpack.i.f32.bf16 v5, v1  }
0x3f: {  	v5 =	vld [tilespmem:s9+$0xFFFFFFD0];
	[tilespmem:s10+$0xFFFFFF90] =	vst v1  }
0x40: {  	v1 =	vld [tilespmem:s9+$0xFFFFFF40];
	v0 =	vpack.i.f32.bf16 v0, v3  }
0x41: {  	v7 =	vld [tilespmem:s9+$0xFFFFFF50];
	[tilespmem:s10+$0x60] =	vst v0  }
0x42: {  	v0 =	vpack.i.f32.bf16 v2, v6;
	v6 =	vld [tilespmem:s9+$0xE0]  }
0x43: {  	v8 =	vld [tilespmem:s9+$0xF0];
	[tilespmem:s10+$0x10] =	vst v0  }
0x44: {  	v2 =	vpack.i.f32.bf16 v5, v4;
	v0 =	vld [tilespmem:s9+$0x40]  }
0x45: {  	[tilespmem:s10+$0xFFFFFFE0] =	vst v2;
	v3 =	vld [tilespmem:s9+$0x50]  }
0x46: {  	v1 =	vpack.i.f32.bf16 v7, v1;
	v2 =	vld [tilespmem:s9+$0xFFFFFFE0]  }
0x47: {  	v4 =	vld [tilespmem:s9+$0xFFFFFFF0];
	[tilespmem:s10+$0xFFFFFFA0] =	vst v1  }
0x48: {  	v1 =	vld [tilespmem:s9+$0xFFFFFF60];
	v6 =	vpack.i.f32.bf16 v8, v6  }
0x49: {  	s12 =	simm.s32 $0x0;
	s13 =	simm.s32 $0x17990;
	s11 =	simm.s32 $0x1B590;
	v5 =	vld [tilespmem:s9+$0xFFFFFF70];
	[tilespmem:s10+$0x70] =	vst v6  }
.LBB2_3:
0x4a: {  	v6 =	vld [tilespmem:s13+$0x80];
	v0 =	vpack.i.f32.bf16 v3, v0  }
0x4b: {  	v3 =	vld [tilespmem:s13+$0x90];
	[tilespmem:s10+$0x20] =	vst v0  }
0x4c: {  	v0 =	vld [tilespmem:s13+$0xFFFFFF10];
	v2 =	vpack.i.f32.bf16 v4, v2  }
0x4d: {  	v4 =	vld [tilespmem:s13+$0xFFFFFF80];
	[tilespmem:s10+$0xFFFFFFF0] =	vst v2  }
0x4e: {  	s12 =	sadd.s32 $0x4, s12;
	v2 =	vld [tilespmem:s13+$0xFFFFFF90];
	v1 =	vpack.i.f32.bf16 v5, v1  }
0x4f: {  	p1 =	slt.u32 s12, $0x78;
	v5 =	vld [tilespmem:s13+$0x0];
	[tilespmem:s10+$0xFFFFFFB0] =	vst v1  }
0x50: {  	s10 =	sadd.s32 $0x100, s10;
	v1 =	vld [tilespmem:s13+$0x10];
	v3 =	vpack.i.f32.bf16 v3, v6  }
0x51: {  	v6 =	vld [tilespmem:s13+$0xFFFFFF00];
	[tilespmem:s10+$0x40] =	vst v3  }
0x52: {  	v3 =	vld [tilespmem:s13+$0xA0]  }
0x53: {  	v2 =	vpack.i.f32.bf16 v2, v4;
	v4 =	vld [tilespmem:s13+$0xB0]  }
0x54: {  	[tilespmem:s10+$0xFFFFFFC0] =	vst v2;
	v2 =	vld [tilespmem:s9+$0x60]  }
0x55: {  	v7 =	vld [tilespmem:s13+$0xFFFFFFA0];
	v1 =	vpack.i.f32.bf16 v1, v5  }
0x56: {  	v0 =	vpack.i.f32.bf16 v0, v6;
	v5 =	vld [tilespmem:s13+$0xFFFFFFB0];
	[tilespmem:s10+$0x0] =	vst v1  }
0x57: {  	[tilespmem:s10+$0xFFFFFF80] =	vst v0;
	v0 =	vld [tilespmem:s13+$0x20]  }
0x58: {  	v1 =	vld [tilespmem:s13+$0xFFFFFF20];
	v3 =	vpack.i.f32.bf16 v4, v3  }
0x59: {  	v4 =	vld [tilespmem:s13+$0xFFFFFF30];
	[tilespmem:s10+$0x50] =	vst v3  }
0x5a: {  	v3 =	vld [tilespmem:s13+$0xC0]  }
0x5b: {  	v5 =	vpack.i.f32.bf16 v5, v7;
	v6 =	vld [tilespmem:s13+$0xD0]  }
0x5c: {  	[tilespmem:s10+$0xFFFFFFD0] =	vst v5;
	v5 =	vld [tilespmem:s13+$0x30]  }
0x5d: {  	v7 =	vld [tilespmem:s13+$0xFFFFFFC0]  }
0x5e: {  	v1 =	vpack.i.f32.bf16 v4, v1;
	v4 =	vld [tilespmem:s13+$0xFFFFFFD0]  }
0x5f: {  	[tilespmem:s10+$0xFFFFFF90] =	vst v1;
	v1 =	vld [tilespmem:s9+$0x70];
	s9 =	smov.u32 s13  }
0x60: {  	v8 =	vld [tilespmem:s13+$0xFFFFFF40];
	v3 =	vpack.i.f32.bf16 v6, v3  }
0x61: {  	v6 =	vld [tilespmem:s13+$0xFFFFFF50];
	v0 =	vpack.i.f32.bf16 v5, v0;
	[tilespmem:s10+$0x60] =	vst v3  }
0x62: {  	[tilespmem:s10+$0x10] =	vst v0;
	v5 =	vld [tilespmem:s13+$0xE0]  }
0x63: {  	v0 =	vpack.i.f32.bf16 v4, v7;
	v7 =	vld [tilespmem:s13+$0xF0]  }
0x64: {  	[tilespmem:s10+$0xFFFFFFE0] =	vst v0;
	v0 =	vld [tilespmem:s13+$0x40];
	v1 =	vpack.i.f32.bf16 v1, v2  }
.Ltmp2:
0x65: {  	v3 =	vld [tilespmem:s13+$0x50];
	[tilespmem:s11+$0x30] =	vst v1;
	s11 =	smov.u32 s10;
	(pc) =	sbr.rel @p1 .LBB2_3-.Ltmp2, $4  }
0x66: {  	v1 =	vpack.i.f32.bf16 v6, v8;
	v2 =	vld [tilespmem:s13+$0xFFFFFFE0]  }
0x67: {  	[tilespmem:s10+$0xFFFFFFA0] =	vst v1;
	v4 =	vld [tilespmem:s13+$0xFFFFFFF0]  }
0x68: {  	v1 =	vld [tilespmem:s13+$0xFFFFFF60];
	v6 =	vpack.i.f32.bf16 v7, v5  }
0x69: {  	s13 =	sadd.s32 $0x200, s13;
	v5 =	vld [tilespmem:s9+$0xFFFFFF70];
	[tilespmem:s10+$0x70] =	vst v6  }
0x6a: {  	v0 =	vpack.i.f32.bf16 v3, v0  }
0x6b: {  	[tilespmem:s10+$0x20] =	vst v0  }
0x6c: {  	v0 =	vld [tilespmem:s9+$0x60]  }
0x6d: {  	v57 =	vld [tilespmem:s9+$0x70];
	_ =	sdelay $0x2  }
0x6e: {  	v2 =	vpack.i.f32.bf16 v4, v2  }
0x6f: {  	[tilespmem:s10+$0xFFFFFFF0] =	vst v2;
	v1 =	vpack.i.f32.bf16 v5, v1  }
0x70: {  	[tilespmem:s10+$0xFFFFFFB0] =	vst v1;
	v0 =	vpack.i.f32.bf16 v57, v0  }
0x71: {  	[tilespmem:s11+$0x30] =	vst v0  }
0x72: {  	v0 =	vld [tilespmem:$0x1B490]  }
0x73: {  	v1 =	vld [tilespmem:$0x1B4A0]  }
0x74: {  	v2 =	vld [tilespmem:$0x1B4B0]  }
0x75: {  	v58 =	vld [tilespmem:$0x1B4C0]  }
0x76: {  	v59 =	vld [tilespmem:$0x1B4D0]  }
0x77: {  	v60 =	vld [tilespmem:$0x1B4E0]  }
0x78: {  	v6 =	vld [tilespmem:$0x1B4F0]  }
0x79: {  	v7 =	vld [tilespmem:$0x1B500];
	_ =	sdelay $0x1  }
0x7a: {  	v0 =	vpack.i.f32.bf16 v1, v0  }
0x7b: {  	v61 =	vpack.i.f32.bf16 v58, v2;
	[tilespmem:$0x1D410] =	vst v0  }
0x7c: {  	s5 =	sadd.s32 $0x1, s5;
	v62 =	vpack.i.f32.bf16 v60, v59;
	[tilespmem:$0x1D420] =	vst v61  }
0x7d: {  	s6 =	sshll.u32 s6, $0x3;
	p1 =	sne.s32 s5, $0x5;
	v63 =	vpack.i.f32.bf16 v7, v6;
	[tilespmem:$0x1D430] =	vst v62  }
.Ltmp3:
0x7e: {  	s6 =	sadd.s32 s6, s8;
	[tilespmem:$0x1D440] =	vst v63;
	(pc) =	sbr.rel @p1 .LBB2_2-.Ltmp3, $4  }
0x7f: {  	[hbm4b:s6+s3] =	stream.linear.scatter [tilespmem:s17], [sflag:$0xB], $0x1F40, $0x38;
	[tilespmem:$0x1D450] =	vst v63  }
0x80: {  	_ =	swait.ge [sflag:s16], $0x1F40  }
0x81: {  	[sflag:s16] =	ssyncset.done $0x0  }
0x82: {  	[sflag:s16] =	ssyncadd.s32 $0xFFFFE0C0  }
0x83: {  	[bflag:$0x0] =	sbarrier.arrive $0xFFFF  }
0x84: {  	_ =	swait.ge [sflag:s18], $0x2700  }
0x85: {  	[sflag:s18] =	ssyncset.done $0x0  }
0x86: {  	[sflag:s18] =	ssyncadd.s32 $0xFFFFD900  }
0x87: {  	_ =	swait.ge [sflag:s19], $0x2700  }
0x88: {  	s5 =	simm.s32 @!p0 $0x0;
	[sflag:s19] =	ssyncset.done $0x0  }
0x89: {  	s6 =	simm.s32 @!p0 $0x2700;
	s9 =	rddreg [dreg:$0x6];
	[sflag:s19] =	ssyncadd.s32 $0xFFFFD900  }
0x8a: {  	[tilespmem:s6], [sflag:$0xB] =	stream.linear.gather @!p0 [hbm4b:s9+s5], $0x80, $0x38;
	[tilespmem:$0x1D450] =	vst v63  }
0x8b: {  	s6 =	simm.s32 @!p0 $0xB  }
0x8c: {  	_ =	swait.ge @!p0 [sflag:s6], $0x80  }
0x8d: {  	[sflag:s6] =	ssyncset.done @!p0 $0x0  }
0x8e: {  	s9 =	simm.s32 @!p0 $0x4E80;
	s10 =	rddreg [dreg:$0x7];
	[sflag:s6] =	ssyncadd.s32 @!p0 $0xFFFFFF80  }
0x8f: {  	[tilespmem:s9], [sflag:$0xB] =	stream.linear.gather @!p0 [hbm4b:s10+s5], $0x80, $0x38;
	[tilespmem:$0x1D450] =	vst v63  }
0x90: {  	_ =	swait.ge @!p0 [sflag:s6], $0x80  }
0x91: {  	[sflag:s6] =	ssyncset.done @!p0 $0x0  }
0x92: {  	s29 =	simm.s32 $0x0;
	[sflag:s6] =	ssyncadd.s32 @!p0 $0xFFFFFF80;
	s6 =	simm.s32 $0x4F00  }
0x93: {  	[tilespmem:s6], [sflag:$0x1] =	stream.indirect.gather [hbm4b:s8+s20], $0x40, s29, s20, $0xb8;
	[tilespmem:$0x1D450] =	vst v63  }
0x94: {  	s9 =	simm.s32 $0xCF00  }
0x95: {  	[tilespmem:s9], [sflag:$0x5] =	stream.indirect.gather [hbm4b:s8+s20], $0x40, s14, s20, $0xb8;
	[tilespmem:$0x1D450] =	vst v63  }
0x96: {  	s10 =	simm.s32 $0x6F00  }
0x97: {  	[tilespmem:s10], [sflag:$0x2] =	stream.indirect.gather [hbm4b:s8+s20], $0x40, s20, s20, $0xb8;
	[tilespmem:$0x1D450] =	vst v63  }
0x98: {  	s11 =	simm.s32 $0x2800;
	s12 =	simm.s32 $0xEF00  }
0x99: {  	[tilespmem:s12], [sflag:$0x6] =	stream.indirect.gather [hbm4b:s8+s20], $0x40, s11, s20, $0xb8;
	[tilespmem:$0x1D450] =	vst v63  }
.Ltmp4:
0x9a: {  	s13 =	simm.s32 $0x100;
	s14 =	simm.s32 $0x8F00;
	(pc) =	sbr.rel .LBB2_6-.Ltmp4, $4  }
0x9b: {  	[tilespmem:s14], [sflag:$0x3] =	stream.indirect.gather [hbm4b:s8+s20], $0x40, s13, s20, $0xb8;
	[tilespmem:$0x1D450] =	vst v63  }
0x9c: {  	s26 =	simm.s32 $0x2880;
	s30 =	simm.s32 $0x10F00;
	s10 =	simm.s32 $0x14F07  }
0x9d: {  	[tilespmem:s30], [sflag:$0x7] =	stream.indirect.gather [hbm4b:s8+s20], $0x40, s26, s20, $0xb8;
	[tilespmem:$0x1D450] =	vst v63  }
0x9e: {  	s12 =	simm.s32 $0x15007;
	s14 =	simm.s32 $0x15087;
	s26 =	simm.s32 $0x14F87  }
.LBB2_18:
0x9f: {  	s29 =	sadd.s32 $0x1, s29  }
0xa0: {  	p1 =	sne.s32 s29, $0x14  }
.Ltmp5:
0xa1: {  	_ = 	snop;
	(pc) =	sbr.rel @!p1 .LBB2_19-.Ltmp5, $3  }
0xa2: {  	_ =	sdelay $0x1  }
0xa3: {  	s10 =	sadd.s32 $0x200, s10  }
0xa4: {  	s26 =	sadd.s32 $0x200, s26;
	s12 =	sadd.s32 $0x200, s12;
	s14 =	sadd.s32 $0x200, s14  }
.LBB2_6:
0xa5: {  	s5 =	sshllo.u32 s29, $0x2  }
0xa6: {  	p1 =	sge.u32 s5, s4  }
0xa7: {  	s5 =	sshll.u32 @!p1 s5, $0x7;
	s6 =	simm.s32 @!p1 $0x80;
	s9 =	simm.s32 @!p1 $0xAF00  }
0xa8: {  	[tilespmem:s9], [sflag:$0x4] =	stream.indirect.gather @!p1 [hbm4b:s8+s6], $0x40, s5, s6, $0xb8;
	[tilespmem:$0x1D450] =	vst v63  }
0xa9: {  	s5 =	sadd.s32 @!p1 $0x2780, s5;
	s9 =	simm.s32 @!p1 $0x12F00  }
0xaa: {  	[tilespmem:s9], [sflag:$0x8] =	stream.indirect.gather @!p1 [hbm4b:s8+s6], $0x40, s5, s6, $0xb8;
	[tilespmem:$0x1D450] =	vst v63  }
0xab: {  	_ =	swait.ge [sflag:s31], $0x2000  }
0xac: {  	[sflag:s31] =	ssyncset.done $0x0  }
0xad: {  	[sflag:s31] =	ssyncadd.s32 $0xFFFFE000  }
0xae: {  	_ =	swait.ge [sflag:s0], $0x2000  }
0xaf: {  	[sflag:s0] =	ssyncset.done $0x0  }
0xb0: {  	s13 =	simm.s32 $0x5000;
	[sflag:s0] =	ssyncadd.s32 $0xFFFFE000  }
0xb1: {  	v0 =	vld [tilespmem:s13+$0xE0]  }
0xb2: {  	s6 =	simm.s32 $0xD000;
	v1 =	vld [tilespmem:s13+$0xC0]  }
0xb3: {  	v2 =	vld [tilespmem:s6+$0xC0]  }
0xb4: {  	v3 =	vld [tilespmem:s13+$0xD0]  }
0xb5: {  	v4 =	vld [tilespmem:s6+$0xD0]  }
0xb6: {  	v5 =	vld [tilespmem:s6+$0xE0]  }
0xb7: {  	v6 =	vld [tilespmem:s6+$0xFFFFFF00]  }
0xb8: {  	v7 =	vld [tilespmem:s13+$0xF0]  }
0xb9: {  	v8 =	vld [tilespmem:s6+$0xF0]  }
0xba: {  	v9 =	vld [tilespmem:s13+$0xFFFFFF10]  }
0xbb: {  	v10 =	vld [tilespmem:s6+$0xFFFFFF10]  }
0xbc: {  	v11 =	vld [tilespmem:s13+$0xFFFFFF40]  }
0xbd: {  	v12 =	vld [tilespmem:s6+$0xFFFFFF40]  }
0xbe: {  	v13 =	vld [tilespmem:s13+$0xFFFFFF50]  }
0xbf: {  	v14 =	vld [tilespmem:s6+$0xFFFFFF50]  }
0xc0: {  	v15 =	vld [tilespmem:s13+$0xFFFFFF80]  }
0xc1: {  	v18 =	vld [tilespmem:s13+$0xFFFFFFC0];
	v1 =	vmul.bf16 v2, v1  }
0xc2: {  	v20 =	vld [tilespmem:s6+$0x10];
	v3 =	vmul.bf16 v4, v3  }
0xc3: {  	v59 =	vld [tilespmem:s13+$0xFFFFFF00];
	v0 =	vmul.bf16 v5, v0;
	v16 =	vunpack.i.u.bf16.f32 v1  }
0xc4: {  	v2 =	vld [tilespmem:s6+$0xFFFFFF80];
	v1 =	vunpack.i.l.bf16.f32 v1;
	v17 =	vunpack.i.u.bf16.f32 v3;
	v3 =	vunpack.i.l.bf16.f32 v3  }
0xc5: {  	v57 =	vld [tilespmem:s13+$0x90];
	v1 =	vadd.f32 v1, v16;
	v3 =	vadd.f32 v3, v17  }
0xc6: {  	v4 =	vld [tilespmem:s13+$0xFFFFFF90];
	v7 =	vmul.bf16 v8, v7;
	v17 =	vunpack.i.u.bf16.f32 v0;
	v0 =	vunpack.i.l.bf16.f32 v0  }
0xc7: {  	v11 =	vmul.bf16 v12, v11;
	v16 =	vld [tilespmem:s6+$0xFFFFFFC0];
	v0 =	vadd.f32 v0, v17;
	v1 =	vadd.f32 v3, v1  }
0xc8: {  	v5 =	vld [tilespmem:s6+$0xFFFFFF90];
	v6 =	vmul.bf16 v6, v59;
	v3 =	vmul.bf16 v10, v9;
	v10 =	vunpack.i.u.bf16.f32 v7  }
0xc9: {  	v8 =	vld [tilespmem:s13+$0xFFFFFFD0];
	v7 =	vunpack.i.l.bf16.f32 v7;
	v2 =	vmul.bf16 v2, v15;
	v0 =	vadd.f32 v0, v1  }
0xca: {  	v17 =	vld [tilespmem:s13+$0x10];
	v1 =	vadd.f32 v7, v10;
	v7 =	vmul.bf16 v14, v13;
	v13 =	vunpack.i.u.bf16.f32 v3  }
0xcb: {  	v9 =	vld [tilespmem:s6+$0xFFFFFFD0];
	v3 =	vunpack.i.l.bf16.f32 v3;
	v14 =	vunpack.i.u.bf16.f32 v11;
	v11 =	vunpack.i.l.bf16.f32 v11  }
0xcc: {  	v12 =	vld [tilespmem:s13+$0x0];
	v11 =	vadd.f32 v11, v14;
	v3 =	vadd.f32 v3, v13;
	v15 =	vmul.bf16 v16, v18  }
0xcd: {  	v10 =	vld [tilespmem:s6+$0x0];
	v19 =	vunpack.i.u.bf16.f32 v7;
	v7 =	vunpack.i.l.bf16.f32 v7;
	v0 =	vadd.f32 v1, v0  }
0xce: {  	v14 =	vld [tilespmem:s13+$0x40];
	v1 =	vmul.bf16 v5, v4;
	v5 =	vunpack.i.u.bf16.f32 v2;
	v2 =	vunpack.i.l.bf16.f32 v2  }
0xcf: {  	v16 =	vld [tilespmem:s6+$0x50];
	v17 =	vmul.bf16 v20, v17;
	v7 =	vadd.f32 v7, v19;
	v2 =	vadd.f32 v2, v5  }
0xd0: {  	v4 =	vld [tilespmem:s6+$0x40];
	v5 =	vmul.bf16 v9, v8;
	v9 =	vunpack.i.u.bf16.f32 v15;
	v13 =	vunpack.i.u.bf16.f32 v1  }
0xd1: {  	v8 =	vld [tilespmem:s13+$0x80];
	v1 =	vunpack.i.l.bf16.f32 v1;
	v58 =	vunpack.i.u.bf16.f32 v17;
	v7 =	vadd.f32 v7, v11  }
0xd2: {  	v11 =	vld [tilespmem:s13+$0x50];
	v1 =	vadd.f32 v1, v13;
	v13 =	vunpack.i.l.bf16.f32 v15;
	v10 =	vmul.bf16 v10, v12  }
0xd3: {  	v12 =	vld [tilespmem:s6+$0x80];
	v15 =	vunpack.i.u.bf16.f32 v5;
	v5 =	vunpack.i.l.bf16.f32 v5;
	v9 =	vadd.f32 v13, v9  }
0xd4: {  	v5 =	vadd.f32 v5, v15;
	v15 =	vld [tilespmem:s6+$0x90];
	v13 =	vunpack.i.u.bf16.f32 v10;
	v10 =	vunpack.i.l.bf16.f32 v10  }
0xd5: {  	v17 =	vunpack.i.l.bf16.f32 v17;
	v4 =	vmul.bf16 v4, v14;
	v14 =	vld [tilespmem:s13+$0xFFFFFF20];
	v10 =	vadd.f32 v10, v13  }
0xd6: {  	v61 =	vunpack.i.u.bf16.f32 v6;
	v13 =	vadd.f32 v17, v58;
	v5 =	vadd.f32 v5, v9;
	v9 =	vld [tilespmem:s6+$0xFFFFFF20]  }
0xd7: {  	v6 =	vunpack.i.l.bf16.f32 v6;
	v2 =	vadd.f32 v1, v2;
	v17 =	vld [tilespmem:s6+$0xFFFFFFA0];
	v1 =	vmul.bf16 v16, v11  }
0xd8: {  	v11 =	vunpack.i.u.bf16.f32 v4;
	v4 =	vunpack.i.l.bf16.f32 v4;
	v10 =	vadd.f32 v13, v10;
	v13 =	vld [tilespmem:s13+$0xFFFFFF60]  }
0xd9: {  	v6 =	vadd.f32 v6, v61;
	v8 =	vmul.bf16 v12, v8;
	v12 =	vld [tilespmem:s6+$0xFFFFFF60];
	v4 =	vadd.f32 v4, v11  }
0xda: {  	v11 =	vmul.bf16 v15, v57;
	v15 =	vld [tilespmem:s13+$0xFFFFFFA0];
	v16 =	vunpack.i.u.bf16.f32 v1;
	v1 =	vunpack.i.l.bf16.f32 v1  }
0xdb: {  	v60 =	vld [tilespmem:s13+$0xFFFFFFE0];
	v3 =	vadd.f32 v3, v6;
	v1 =	vadd.f32 v1, v16  }
0xdc: {  	v6 =	vld [tilespmem:s13+$0x60];
	v16 =	vunpack.i.u.bf16.f32 v8;
	v8 =	vunpack.i.l.bf16.f32 v8;
	v9 =	vmul.bf16 v9, v14  }
0xdd: {  	v14 =	vld [tilespmem:s6+$0xFFFFFFE0];
	v8 =	vadd.f32 v8, v16;
	v16 =	vunpack.i.u.bf16.f32 v11;
	v11 =	vunpack.i.l.bf16.f32 v11  }
0xde: {  	v11 =	vadd.f32 v11, v16;
	v16 =	vld [tilespmem:s13+$0x20];
	v62 =	vadd.f32 v1, v4;
	v4 =	vmul.bf16 v12, v13  }
0xdf: {  	v1 =	vunpack.i.u.bf16.f32 v9;
	v12 =	vld [tilespmem:s6+$0x20];
	v9 =	vunpack.i.l.bf16.f32 v9;
	v13 =	vmul.bf16 v17, v15  }
0xe0: {  	v15 =	vld [tilespmem:s6+$0x60];
	v11 =	vadd.f32 v11, v8;
	v8 =	vunpack.i.u.bf16.f32 v4;
	v4 =	vunpack.i.l.bf16.f32 v4  }
0xe1: {  	v1 =	vadd.f32 v9, v1;
	v17 =	vld [tilespmem:s6+$0xA0];
	v4 =	vadd.f32 v4, v8  }
0xe2: {  	v8 =	vld [tilespmem:s13+$0xA0];
	v9 =	vunpack.i.u.bf16.f32 v13;
	v13 =	vunpack.i.l.bf16.f32 v13;
	v14 =	vmul.bf16 v14, v60  }
0xe3: {  	v63 =	vadd.f32 v1, v3;
	v3 =	vadd.f32 v13, v9;
	v9 =	vld [tilespmem:s13+$0xFFFFFF30]  }
0xe4: {  	v13 =	vunpack.i.u.bf16.f32 v14;
	v14 =	vunpack.i.l.bf16.f32 v14;
	v12 =	vmul.bf16 v12, v16;
	v16 =	vld [tilespmem:s6+$0xFFFFFF30]  }
0xe5: {  	(xrf2) =	vadd.scan.msk.f32 $0xffff, v0;
	v1 =	vadd.f32 v4, v7;
	v7 =	vld [tilespmem:s13+$0xFFFFFF70];
	v0 =	vadd.f32 v14, v13  }
0xe6: {  	v6 =	vmul.bf16 v15, v6;
	v13 =	vld [tilespmem:s6+$0xFFFFFF70];
	v4 =	vunpack.i.u.bf16.f32 v12;
	v12 =	vunpack.i.l.bf16.f32 v12  }
0xe7: {  	v2 =	vadd.f32 v3, v2;
	v14 =	vld [tilespmem:s6+$0xFFFFFFB0];
	v3 =	vadd.f32 v12, v4;
	v8 =	vmul.bf16 v17, v8  }
0xe8: {  	v12 =	vld [tilespmem:s13+$0xFFFFFFB0];
	v4 =	vunpack.i.u.bf16.f32 v6;
	v6 =	vunpack.i.l.bf16.f32 v6;
	v0 =	vadd.f32 v0, v5  }
0xe9: {  	v15 =	vld [tilespmem:s13+$0xFFFFFFF0];
	v5 =	vadd.f32 v6, v4;
	v6 =	vunpack.i.u.bf16.f32 v8;
	v8 =	vunpack.i.l.bf16.f32 v8  }
0xea: {  	v9 =	vmul.bf16 v16, v9;
	v16 =	vld [tilespmem:s6+$0xFFFFFFF0];
	v4 =	vadd.f32 v3, v10;
	v3 =	vadd.f32 v8, v6  }
0xeb: {  	v6 =	vld [tilespmem:s13+$0x30];
	v13 =	vmul.bf16 v13, v7;
	v5 =	vadd.f32 v5, v62  }
0xec: {  	v8 =	vld [tilespmem:s6+$0x30];
	v10 =	vunpack.i.u.bf16.f32 v9;
	v9 =	vunpack.i.l.bf16.f32 v9;
	v3 =	vadd.f32 v3, v11  }
0xed: {  	v7 =	vld [tilespmem:s13+$0x70];
	v11 =	vmul.bf16 v14, v12;
	v12 =	vunpack.i.u.bf16.f32 v13;
	v13 =	vunpack.i.l.bf16.f32 v13  }
0xee: {  	v14 =	vadd.f32 v9, v10;
	v10 =	vld [tilespmem:s6+$0x70];
	v12 =	vadd.f32 v13, v12  }
0xef: {  	s11 =	simm.s32 $0x0;
	s30 =	smov.u32 s10;
	v17, _, _ =	vpop (xrf2);
	v9 =	vld [tilespmem:s13+$0xB0];
	v13 =	vunpack.i.u.bf16.f32 v11;
	v11 =	vunpack.i.l.bf16.f32 v11;
	v15 =	vmul.bf16 v16, v15  }
0xf0: {  	s5 =	sshll.u32 s29, $0x2;
	s9 =	smov.u32 s10;
	[tilespmem:s10+$0x0] =	vst.msk vm0, v17;
	s13 =	simm.s32 $0x5200;
	v14 =	vadd.f32 v14, v63;
	v13 =	vadd.f32 v11, v13;
	v11 =	vld [tilespmem:s6+$0xB0]  }
.LBB2_7:
0xf1: {  	v16 =	vld [tilespmem:s13+$0xE0];
	v17 =	vunpack.i.u.bf16.f32 v15;
	v15 =	vunpack.i.l.bf16.f32 v15;
	v6 =	vmul.bf16 v8, v6  }
0xf2: {  	v1 =	vadd.f32 v12, v1;
	s6 =	sadd.s32 $0x200, s6;
	v8 =	vld [tilespmem:s13+$0xC0];
	v12 =	vadd.f32 v15, v17;
	(xrf2) =	vadd.scan.msk.f32 $0xffff, v14  }
0xf3: {  	v14 =	vld [tilespmem:s6+$0xC0];
	v15 =	vunpack.i.u.bf16.f32 v6;
	v6 =	vunpack.i.l.bf16.f32 v6;
	v7 =	vmul.bf16 v10, v7  }
0xf4: {  	v2 =	vadd.f32 v13, v2;
	v10 =	vld [tilespmem:s13+$0xD0];
	v6 =	vadd.f32 v6, v15  }
0xf5: {  	s11 =	sadd.s32 $0x8, s11;
	v13 =	vld [tilespmem:s6+$0xD0];
	v15 =	vunpack.i.u.bf16.f32 v7;
	v7 =	vunpack.i.l.bf16.f32 v7;
	v9 =	vmul.bf16 v11, v9;
	(xrf2) =	vadd.scan.msk.f32 $0xffff, v1  }
0xf6: {  	p2 =	slt.u32 s11, $0x78;
	v11 =	vadd.f32 v12, v0;
	v1 =	vld [tilespmem:s6+$0xE0];
	v7 =	vadd.f32 v7, v15  }
0xf7: {  	v4 =	vadd.f32 v6, v4;
	v0 =	vld [tilespmem:s6+$0xFFFFFF00];
	v6 =	vunpack.i.u.bf16.f32 v9;
	v9 =	vunpack.i.l.bf16.f32 v9  }
0xf8: {  	v12 =	vld [tilespmem:s13+$0xF0];
	v5 =	vadd.f32 v7, v5;
	v6 =	vadd.f32 v9, v6;
	(xrf2) =	vadd.scan.msk.f32 $0xffff, v2  }
0xf9: {  	v2 =	vmul.bf16 v14, v8;
	v7 =	vld [tilespmem:s6+$0xF0]  }
0xfa: {  	v8 =	vld [tilespmem:s13+$0xFFFFFF10];
	v9 =	vmul.bf16 v13, v10;
	v3 =	vadd.f32 v6, v3  }
0xfb: {  	v10 =	vunpack.i.u.bf16.f32 v2;
	v6 =	vld [tilespmem:s6+$0xFFFFFF10];
	v1 =	vmul.bf16 v1, v16;
	(xrf2) =	vadd.scan.msk.f32 $0xffff, v11  }
0xfc: {  	v2 =	vunpack.i.l.bf16.f32 v2;
	v11 =	vld [tilespmem:s13+$0xFFFFFF40];
	v13 =	vunpack.i.u.bf16.f32 v9;
	v9 =	vunpack.i.l.bf16.f32 v9;
	v14, _, _ =	vpop (xrf2)  }
0xfd: {  	v2 =	vadd.f32 v2, v10;
	v15 =	vld [tilespmem:s6+$0xFFFFFF40];
	v16 =	vadd.f32 v9, v13;
	[tilespmem:s9+$0xFFFFFFF9] =	vst.msk vm0, v14  }
0xfe: {  	v13 =	vunpack.i.u.bf16.f32 v1;
	v1 =	vunpack.i.l.bf16.f32 v1;
	v10 =	vld [tilespmem:s13+$0xFFFFFF50];
	v7 =	vmul.bf16 v7, v12;
	(xrf2) =	vadd.scan.msk.f32 $0xffff, v4  }
0xff: {  	v1 =	vadd.f32 v1, v13;
	v4 =	vld [tilespmem:s6+$0xFFFFFF50];
	v2 =	vadd.f32 v16, v2;
	v9, _, _ =	vpop (xrf2)  }
0x100: {  	v6 =	vmul.bf16 v6, v8;
	v8 =	vld [tilespmem:s13+$0xFFFFFF80];
	v13 =	vunpack.i.u.bf16.f32 v7;
	v7 =	vunpack.i.l.bf16.f32 v7;
	[tilespmem:s9+$0xFFFFFFFA] =	vst.msk vm0, v9  }
0x101: {  	v9 =	vld [tilespmem:s6+$0xFFFFFF80];
	v2 =	vadd.f32 v1, v2;
	v7 =	vadd.f32 v7, v13;
	(xrf2) =	vadd.scan.msk.f32 $0xffff, v5  }
0x102: {  	v1 =	vunpack.i.u.bf16.f32 v6;
	v5 =	vunpack.i.l.bf16.f32 v6;
	v6 =	vmul.bf16 v15, v11;
	v11 =	vld [tilespmem:s13+$0xFFFFFF90];
	v12, _, _ =	vpop (xrf2)  }
0x103: {  	v1 =	vadd.f32 v5, v1;
	v5 =	vld [tilespmem:s6+$0xFFFFFF90];
	v13 =	vadd.f32 v7, v2;
	[tilespmem:s9+$0xFFFFFFFB] =	vst.msk vm0, v12  }
0x104: {  	v7 =	vunpack.i.u.bf16.f32 v6;
	v6 =	vunpack.i.l.bf16.f32 v6;
	v4 =	vmul.bf16 v4, v10;
	v10 =	vld [tilespmem:s13+$0xFFFFFFC0]  }
0x105: {  	v6 =	vadd.f32 v6, v7;
	v7 =	vld [tilespmem:s6+$0xFFFFFFC0];
	(xrf2) =	vadd.scan.msk.f32 $0xffff, v13;
	v2, _, _ =	vpop (xrf2)  }
0x106: {  	v12 =	vunpack.i.u.bf16.f32 v4;
	v4 =	vunpack.i.l.bf16.f32 v4;
	v8 =	vmul.bf16 v9, v8;
	v9 =	vld [tilespmem:s13+$0xFFFFFFD0];
	[tilespmem:s9+$0xFFFFFFFC] =	vst.msk vm0, v2  }
0x107: {  	v2 =	vadd.f32 v4, v12;
	v4 =	vld [tilespmem:s6+$0xFFFFFFD0]  }
0x108: {  	v12 =	vunpack.i.u.bf16.f32 v8;
	v8 =	vunpack.i.l.bf16.f32 v8;
	v5 =	vmul.bf16 v5, v11;
	v11 =	vld [tilespmem:s13+$0x0];
	v13, _, _ =	vpop (xrf2);
	(xrf2) =	vadd.scan.msk.f32 $0xffff, v3  }
0x109: {  	v2 =	vadd.f32 v2, v6;
	v3 =	vadd.f32 v8, v12;
	v6 =	vld [tilespmem:s6+$0x0];
	[tilespmem:s9+$0xFFFFFFFD] =	vst.msk vm0, v13  }
0x10a: {  	v8 =	vunpack.i.u.bf16.f32 v5;
	v5 =	vunpack.i.l.bf16.f32 v5;
	v7 =	vmul.bf16 v7, v10;
	v10 =	vld [tilespmem:s13+$0x10]  }
0x10b: {  	v5 =	vadd.f32 v5, v8;
	v8 =	vld [tilespmem:s6+$0x10];
	v12, _, _ =	vpop (xrf2)  }
0x10c: {  	v13 =	vunpack.i.u.bf16.f32 v7;
	v7 =	vunpack.i.l.bf16.f32 v7;
	v4 =	vmul.bf16 v4, v9;
	v9 =	vld [tilespmem:s13+$0x40];
	[tilespmem:s9+$0xFFFFFFFE] =	vst.msk vm0, v12  }
0x10d: {  	v3 =	vadd.f32 v5, v3;
	v5 =	vadd.f32 v7, v13;
	v7 =	vld [tilespmem:s6+$0x40]  }
0x10e: {  	v12 =	vunpack.i.u.bf16.f32 v4;
	v4 =	vunpack.i.l.bf16.f32 v4;
	v6 =	vmul.bf16 v6, v11;
	v11 =	vld [tilespmem:s13+$0x50]  }
0x10f: {  	s9 =	sadd.s32 $0x8, s9;
	v4 =	vadd.f32 v4, v12;
	v12 =	vld [tilespmem:s6+$0x50];
	v13, _, _ =	vpop (xrf2)  }
0x110: {  	v15 =	vunpack.i.u.bf16.f32 v6;
	v6 =	vunpack.i.l.bf16.f32 v6;
	v8 =	vmul.bf16 v8, v10;
	v10 =	vld [tilespmem:s13+$0x80];
	[tilespmem:s9+$0x0] =	vst.msk vm0, v13  }
0x111: {  	v4 =	vadd.f32 v4, v5;
	v5 =	vadd.f32 v6, v15;
	v6 =	vld [tilespmem:s6+$0x80]  }
0x112: {  	v13 =	vunpack.i.u.bf16.f32 v8;
	v8 =	vunpack.i.l.bf16.f32 v8;
	v7 =	vmul.bf16 v7, v9;
	v9 =	vld [tilespmem:s13+$0x90];
	v14, _, _ =	vpop (xrf2)  }
0x113: {  	v8 =	vadd.f32 v8, v13;
	v13 =	vld [tilespmem:s6+$0x90];
	[tilespmem:s30+$0xFFFFFFFF] =	vst.msk vm0, v14;
	s30 =	smov.u32 s9  }
0x114: {  	v14 =	vld [tilespmem:s13+$0xFFFFFF00];
	v15 =	vunpack.i.u.bf16.f32 v7;
	v7 =	vunpack.i.l.bf16.f32 v7;
	v11 =	vmul.bf16 v12, v11  }
0x115: {  	v12 =	vld [tilespmem:s13+$0xFFFFFF20];
	v5 =	vadd.f32 v8, v5;
	v7 =	vadd.f32 v7, v15  }
0x116: {  	v8 =	vld [tilespmem:s6+$0xFFFFFF20];
	v15 =	vunpack.i.u.bf16.f32 v11;
	v11 =	vunpack.i.l.bf16.f32 v11;
	v6 =	vmul.bf16 v6, v10  }
0x117: {  	v10 =	vld [tilespmem:s13+$0xFFFFFF60];
	v11 =	vadd.f32 v11, v15  }
0x118: {  	v15 =	vld [tilespmem:s6+$0xFFFFFF60];
	v16 =	vunpack.i.u.bf16.f32 v6;
	v6 =	vunpack.i.l.bf16.f32 v6;
	v9 =	vmul.bf16 v13, v9  }
0x119: {  	v0 =	vmul.bf16 v0, v14;
	v13 =	vld [tilespmem:s13+$0xFFFFFFA0];
	v7 =	vadd.f32 v11, v7;
	v6 =	vadd.f32 v6, v16  }
0x11a: {  	v11 =	vld [tilespmem:s6+$0xFFFFFFA0];
	v14 =	vunpack.i.u.bf16.f32 v9;
	v9 =	vunpack.i.l.bf16.f32 v9  }
0x11b: {  	v16 =	vunpack.i.u.bf16.f32 v0;
	v0 =	vunpack.i.l.bf16.f32 v0;
	v8 =	vmul.bf16 v8, v12;
	v12 =	vld [tilespmem:s13+$0xFFFFFFE0]  }
0x11c: {  	v9 =	vadd.f32 v9, v14;
	v0 =	vadd.f32 v0, v16;
	v16 =	vld [tilespmem:s6+$0xFFFFFFE0]  }
0x11d: {  	v14 =	vunpack.i.u.bf16.f32 v8;
	v8 =	vunpack.i.l.bf16.f32 v8;
	v10 =	vmul.bf16 v15, v10;
	v15 =	vld [tilespmem:s13+$0x20]  }
0x11e: {  	v9 =	vadd.f32 v9, v6;
	v0 =	vadd.f32 v1, v0;
	v1 =	vld [tilespmem:s6+$0x20]  }
0x11f: {  	v6 =	vunpack.i.u.bf16.f32 v10;
	v10 =	vunpack.i.l.bf16.f32 v10;
	v11 =	vmul.bf16 v11, v13;
	v13 =	vld [tilespmem:s13+$0x60]  }
0x120: {  	v8 =	vadd.f32 v8, v14;
	v6 =	vadd.f32 v10, v6;
	v10 =	vld [tilespmem:s6+$0x60]  }
0x121: {  	v14 =	vunpack.i.u.bf16.f32 v11;
	v11 =	vunpack.i.l.bf16.f32 v11;
	v12 =	vmul.bf16 v16, v12;
	v16 =	vld [tilespmem:s13+$0xA0]  }
0x122: {  	v17 =	vadd.f32 v8, v0;
	v0 =	vadd.f32 v11, v14;
	v8 =	vld [tilespmem:s6+$0xA0]  }
0x123: {  	v11 =	vld [tilespmem:s13+$0xFFFFFF30];
	v14 =	vunpack.i.u.bf16.f32 v12;
	v12 =	vunpack.i.l.bf16.f32 v12;
	v15 =	vmul.bf16 v1, v15  }
0x124: {  	v1 =	vadd.f32 v6, v2;
	v18 =	vld [tilespmem:s6+$0xFFFFFF30];
	v6 =	vadd.f32 v12, v14  }
0x125: {  	v12 =	vld [tilespmem:s13+$0xFFFFFF70];
	v14 =	vunpack.i.u.bf16.f32 v15;
	v15 =	vunpack.i.l.bf16.f32 v15;
	v10 =	vmul.bf16 v10, v13  }
0x126: {  	v2 =	vadd.f32 v0, v3;
	v13 =	vld [tilespmem:s6+$0xFFFFFF70];
	v3 =	vadd.f32 v15, v14  }
0x127: {  	v14 =	vld [tilespmem:s13+$0xFFFFFFB0];
	v15 =	vunpack.i.u.bf16.f32 v10;
	v10 =	vunpack.i.l.bf16.f32 v10;
	v8 =	vmul.bf16 v8, v16  }
0x128: {  	v0 =	vadd.f32 v6, v4;
	v16 =	vld [tilespmem:s6+$0xFFFFFFB0];
	v10 =	vadd.f32 v10, v15  }
0x129: {  	v6 =	vmul.bf16 v18, v11;
	v11 =	vld [tilespmem:s13+$0xFFFFFFF0];
	v15 =	vunpack.i.u.bf16.f32 v8;
	v8 =	vunpack.i.l.bf16.f32 v8  }
0x12a: {  	v4 =	vadd.f32 v3, v5;
	v18 =	vld [tilespmem:s6+$0xFFFFFFF0];
	v3 =	vadd.f32 v8, v15  }
0x12b: {  	v15 =	vunpack.i.u.bf16.f32 v6;
	v19 =	vunpack.i.l.bf16.f32 v6;
	v12 =	vmul.bf16 v13, v12;
	v6 =	vld [tilespmem:s13+$0x30]  }
.Ltmp6:
0x12c: {  	v5 =	vadd.f32 v10, v7;
	v8 =	vld [tilespmem:s6+$0x30];
	v3 =	vadd.f32 v3, v9;
	(pc) =	sbr.rel @p2 .LBB2_7-.Ltmp6, $4  }
0x12d: {  	v9 =	vunpack.i.u.bf16.f32 v12;
	v10 =	vunpack.i.l.bf16.f32 v12;
	v13 =	vmul.bf16 v16, v14;
	v7 =	vld [tilespmem:s13+$0x70]  }
0x12e: {  	v14 =	vadd.f32 v19, v15;
	v12 =	vadd.f32 v10, v9;
	v10 =	vld [tilespmem:s6+$0x70]  }
0x12f: {  	v16 =	vunpack.i.u.bf16.f32 v13;
	v13 =	vunpack.i.l.bf16.f32 v13;
	v15 =	vmul.bf16 v18, v11;
	v9 =	vld [tilespmem:s13+$0xB0]  }
0x130: {  	v14 =	vadd.f32 v14, v17;
	s13 =	sadd.s32 $0x200, s13;
	v13 =	vadd.f32 v13, v16;
	v11 =	vld [tilespmem:s6+$0xB0]  }
0x131: {  	_ = 	snop  }
0x132: {  	v16 =	vunpack.i.u.bf16.f32 v15;
	v15 =	vunpack.i.l.bf16.f32 v15;
	v6 =	vmul.bf16 v8, v6  }
0x133: {  	v1 =	vadd.f32 v12, v1;
	v8 =	vadd.f32 v15, v16  }
0x134: {  	v12 =	vunpack.i.u.bf16.f32 v6;
	v6 =	vunpack.i.l.bf16.f32 v6;
	v7 =	vmul.bf16 v10, v7  }
0x135: {  	v2 =	vadd.f32 v13, v2;
	v6 =	vadd.f32 v6, v12;
	v9 =	vmul.bf16 v11, v9  }
0x136: {  	(xrf2) =	vadd.scan.msk.f32 $0xffff, v14;
	v0 =	vadd.f32 v8, v0;
	v10 =	vunpack.i.u.bf16.f32 v7;
	v7 =	vunpack.i.l.bf16.f32 v7  }
0x137: {  	(xrf2) =	vadd.scan.msk.f32 $0xffff, v1;
	v1 =	vadd.f32 v7, v10;
	v7 =	vunpack.i.u.bf16.f32 v9;
	v8 =	vunpack.i.l.bf16.f32 v9  }
0x138: {  	(xrf2) =	vadd.scan.msk.f32 $0xffff, v2;
	v4 =	vadd.f32 v6, v4;
	v6 =	vadd.f32 v8, v7  }
0x139: {  	(xrf2) =	vadd.scan.msk.f32 $0xffff, v0;
	v1 =	vadd.f32 v1, v5  }
0x13a: {  	(xrf2) =	vadd.scan.msk.f32 $0xffff, v4;
	v0 =	vadd.f32 v6, v3  }
0x13b: {  	(xrf2) =	vadd.scan.msk.f32 $0xffff, v1  }
0x13c: {  	(xrf2) =	vadd.scan.msk.f32 $0xffff, v0;
	_ =	sdelay $0x3  }
0x13d: {  	v0, _, _ =	vpop (xrf2)  }
0x13e: {  	v1, _, _ =	vpop (xrf2);
	[tilespmem:s9+$0xFFFFFFF9] =	vst.msk vm0, v0  }
0x13f: {  	v0, _, _ =	vpop (xrf2);
	[tilespmem:s9+$0xFFFFFFFA] =	vst.msk vm0, v1  }
0x140: {  	[tilespmem:s9+$0xFFFFFFFB] =	vst.msk vm0, v0;
	v0, _, _ =	vpop (xrf2)  }
0x141: {  	[tilespmem:s9+$0xFFFFFFFC] =	vst.msk vm0, v0;
	v0, _, _ =	vpop (xrf2)  }
0x142: {  	s6 =	sadd.s32 $0x4, s5;
	[tilespmem:s9+$0xFFFFFFFD] =	vst.msk vm0, v0;
	v0, _, _ =	vpop (xrf2)  }
0x143: {  	p2 =	sge.u32 s6, s4;
	[tilespmem:s9+$0xFFFFFFFE] =	vst.msk vm0, v0;
	v0, _, _ =	vpop (xrf2)  }
0x144: {  	s6 =	sshll.u32 @!p2 s6, $0x7;
	s11 =	simm.s32 @!p2 $0x4F00;
	s9 =	simm.s32 @!p2 $0x80;
	[tilespmem:s30+$0xFFFFFFFF] =	vst.msk vm0, v0  }
0x145: {  	[tilespmem:s11], [sflag:$0x1] =	stream.indirect.gather @!p2 [hbm4b:s8+s9], $0x40, s6, s9, $0xb8;
	[tilespmem:$0x1D450] =	vst v63  }
0x146: {  	s6 =	sadd.s32 @!p2 $0x2780, s6;
	s11 =	simm.s32 @!p2 $0xCF00  }
0x147: {  	[tilespmem:s11], [sflag:$0x5] =	stream.indirect.gather @!p2 [hbm4b:s8+s9], $0x40, s6, s9, $0xb8;
	[tilespmem:$0x1D450] =	vst v63  }
0x148: {  	_ =	swait.ge [sflag:s2], $0x2000  }
0x149: {  	[sflag:s2] =	ssyncset.done $0x0  }
0x14a: {  	[sflag:s2] =	ssyncadd.s32 $0xFFFFE000  }
0x14b: {  	_ =	swait.ge [sflag:s21], $0x2000  }
0x14c: {  	[sflag:s21] =	ssyncset.done $0x0  }
0x14d: {  	s13 =	simm.s32 $0x7000;
	[sflag:s21] =	ssyncadd.s32 $0xFFFFE000  }
0x14e: {  	v0 =	vld [tilespmem:s13+$0xE0]  }
0x14f: {  	s6 =	simm.s32 $0xF000;
	v1 =	vld [tilespmem:s13+$0xC0]  }
0x150: {  	v2 =	vld [tilespmem:s6+$0xC0]  }
0x151: {  	v3 =	vld [tilespmem:s13+$0xD0]  }
0x152: {  	v4 =	vld [tilespmem:s6+$0xD0]  }
0x153: {  	v5 =	vld [tilespmem:s6+$0xE0]  }
0x154: {  	v6 =	vld [tilespmem:s6+$0xFFFFFF00]  }
0x155: {  	v7 =	vld [tilespmem:s13+$0xF0]  }
0x156: {  	v8 =	vld [tilespmem:s6+$0xF0]  }
0x157: {  	v9 =	vld [tilespmem:s13+$0xFFFFFF10]  }
0x158: {  	v10 =	vld [tilespmem:s6+$0xFFFFFF10]  }
0x159: {  	v11 =	vld [tilespmem:s13+$0xFFFFFF40]  }
0x15a: {  	v12 =	vld [tilespmem:s6+$0xFFFFFF40]  }
0x15b: {  	v13 =	vld [tilespmem:s13+$0xFFFFFF50]  }
0x15c: {  	v14 =	vld [tilespmem:s6+$0xFFFFFF50]  }
0x15d: {  	v15 =	vld [tilespmem:s13+$0xFFFFFF80]  }
0x15e: {  	v18 =	vld [tilespmem:s13+$0xFFFFFFC0];
	v1 =	vmul.bf16 v2, v1  }
0x15f: {  	v20 =	vld [tilespmem:s6+$0x10];
	v3 =	vmul.bf16 v4, v3  }
0x160: {  	v59 =	vld [tilespmem:s13+$0xFFFFFF00];
	v0 =	vmul.bf16 v5, v0;
	v16 =	vunpack.i.u.bf16.f32 v1  }
0x161: {  	v2 =	vld [tilespmem:s6+$0xFFFFFF80];
	v1 =	vunpack.i.l.bf16.f32 v1;
	v17 =	vunpack.i.u.bf16.f32 v3;
	v3 =	vunpack.i.l.bf16.f32 v3  }
0x162: {  	v57 =	vld [tilespmem:s13+$0x90];
	v1 =	vadd.f32 v1, v16;
	v3 =	vadd.f32 v3, v17  }
0x163: {  	v4 =	vld [tilespmem:s13+$0xFFFFFF90];
	v7 =	vmul.bf16 v8, v7;
	v17 =	vunpack.i.u.bf16.f32 v0;
	v0 =	vunpack.i.l.bf16.f32 v0  }
0x164: {  	v11 =	vmul.bf16 v12, v11;
	v16 =	vld [tilespmem:s6+$0xFFFFFFC0];
	v0 =	vadd.f32 v0, v17;
	v1 =	vadd.f32 v3, v1  }
0x165: {  	v5 =	vld [tilespmem:s6+$0xFFFFFF90];
	v6 =	vmul.bf16 v6, v59;
	v3 =	vmul.bf16 v10, v9;
	v10 =	vunpack.i.u.bf16.f32 v7  }
0x166: {  	v8 =	vld [tilespmem:s13+$0xFFFFFFD0];
	v7 =	vunpack.i.l.bf16.f32 v7;
	v2 =	vmul.bf16 v2, v15;
	v0 =	vadd.f32 v0, v1  }
0x167: {  	v17 =	vld [tilespmem:s13+$0x10];
	v1 =	vadd.f32 v7, v10;
	v7 =	vmul.bf16 v14, v13;
	v13 =	vunpack.i.u.bf16.f32 v3  }
0x168: {  	v9 =	vld [tilespmem:s6+$0xFFFFFFD0];
	v3 =	vunpack.i.l.bf16.f32 v3;
	v14 =	vunpack.i.u.bf16.f32 v11;
	v11 =	vunpack.i.l.bf16.f32 v11  }
0x169: {  	v12 =	vld [tilespmem:s13+$0x0];
	v11 =	vadd.f32 v11, v14;
	v3 =	vadd.f32 v3, v13;
	v15 =	vmul.bf16 v16, v18  }
0x16a: {  	v10 =	vld [tilespmem:s6+$0x0];
	v19 =	vunpack.i.u.bf16.f32 v7;
	v7 =	vunpack.i.l.bf16.f32 v7;
	v0 =	vadd.f32 v1, v0  }
0x16b: {  	v14 =	vld [tilespmem:s13+$0x40];
	v1 =	vmul.bf16 v5, v4;
	v5 =	vunpack.i.u.bf16.f32 v2;
	v2 =	vunpack.i.l.bf16.f32 v2  }
0x16c: {  	v16 =	vld [tilespmem:s6+$0x50];
	v17 =	vmul.bf16 v20, v17;
	v7 =	vadd.f32 v7, v19;
	v2 =	vadd.f32 v2, v5  }
0x16d: {  	v4 =	vld [tilespmem:s6+$0x40];
	v5 =	vmul.bf16 v9, v8;
	v9 =	vunpack.i.u.bf16.f32 v15;
	v13 =	vunpack.i.u.bf16.f32 v1  }
0x16e: {  	v8 =	vld [tilespmem:s13+$0x80];
	v1 =	vunpack.i.l.bf16.f32 v1;
	v58 =	vunpack.i.u.bf16.f32 v17;
	v7 =	vadd.f32 v7, v11  }
0x16f: {  	v11 =	vld [tilespmem:s13+$0x50];
	v1 =	vadd.f32 v1, v13;
	v13 =	vunpack.i.l.bf16.f32 v15;
	v10 =	vmul.bf16 v10, v12  }
0x170: {  	v12 =	vld [tilespmem:s6+$0x80];
	v15 =	vunpack.i.u.bf16.f32 v5;
	v5 =	vunpack.i.l.bf16.f32 v5;
	v9 =	vadd.f32 v13, v9  }
0x171: {  	v5 =	vadd.f32 v5, v15;
	v15 =	vld [tilespmem:s6+$0x90];
	v13 =	vunpack.i.u.bf16.f32 v10;
	v10 =	vunpack.i.l.bf16.f32 v10  }
0x172: {  	v17 =	vunpack.i.l.bf16.f32 v17;
	v4 =	vmul.bf16 v4, v14;
	v14 =	vld [tilespmem:s13+$0xFFFFFF20];
	v10 =	vadd.f32 v10, v13  }
0x173: {  	v61 =	vunpack.i.u.bf16.f32 v6;
	v13 =	vadd.f32 v17, v58;
	v5 =	vadd.f32 v5, v9;
	v9 =	vld [tilespmem:s6+$0xFFFFFF20]  }
0x174: {  	v6 =	vunpack.i.l.bf16.f32 v6;
	v2 =	vadd.f32 v1, v2;
	v17 =	vld [tilespmem:s6+$0xFFFFFFA0];
	v1 =	vmul.bf16 v16, v11  }
0x175: {  	v11 =	vunpack.i.u.bf16.f32 v4;
	v4 =	vunpack.i.l.bf16.f32 v4;
	v10 =	vadd.f32 v13, v10;
	v13 =	vld [tilespmem:s13+$0xFFFFFF60]  }
0x176: {  	v6 =	vadd.f32 v6, v61;
	v8 =	vmul.bf16 v12, v8;
	v12 =	vld [tilespmem:s6+$0xFFFFFF60];
	v4 =	vadd.f32 v4, v11  }
0x177: {  	v11 =	vmul.bf16 v15, v57;
	v15 =	vld [tilespmem:s13+$0xFFFFFFA0];
	v16 =	vunpack.i.u.bf16.f32 v1;
	v1 =	vunpack.i.l.bf16.f32 v1  }
0x178: {  	v60 =	vld [tilespmem:s13+$0xFFFFFFE0];
	v3 =	vadd.f32 v3, v6;
	v1 =	vadd.f32 v1, v16  }
0x179: {  	v6 =	vld [tilespmem:s13+$0x60];
	v16 =	vunpack.i.u.bf16.f32 v8;
	v8 =	vunpack.i.l.bf16.f32 v8;
	v9 =	vmul.bf16 v9, v14  }
0x17a: {  	v14 =	vld [tilespmem:s6+$0xFFFFFFE0];
	v8 =	vadd.f32 v8, v16;
	v16 =	vunpack.i.u.bf16.f32 v11;
	v11 =	vunpack.i.l.bf16.f32 v11  }
0x17b: {  	v11 =	vadd.f32 v11, v16;
	v16 =	vld [tilespmem:s13+$0x20];
	v62 =	vadd.f32 v1, v4;
	v4 =	vmul.bf16 v12, v13  }
0x17c: {  	v1 =	vunpack.i.u.bf16.f32 v9;
	v12 =	vld [tilespmem:s6+$0x20];
	v9 =	vunpack.i.l.bf16.f32 v9;
	v13 =	vmul.bf16 v17, v15  }
0x17d: {  	v15 =	vld [tilespmem:s6+$0x60];
	v11 =	vadd.f32 v11, v8;
	v8 =	vunpack.i.u.bf16.f32 v4;
	v4 =	vunpack.i.l.bf16.f32 v4  }
0x17e: {  	v1 =	vadd.f32 v9, v1;
	v17 =	vld [tilespmem:s6+$0xA0];
	v4 =	vadd.f32 v4, v8  }
0x17f: {  	v8 =	vld [tilespmem:s13+$0xA0];
	v9 =	vunpack.i.u.bf16.f32 v13;
	v13 =	vunpack.i.l.bf16.f32 v13;
	v14 =	vmul.bf16 v14, v60  }
0x180: {  	v63 =	vadd.f32 v1, v3;
	v3 =	vadd.f32 v13, v9;
	v9 =	vld [tilespmem:s13+$0xFFFFFF30]  }
0x181: {  	v13 =	vunpack.i.u.bf16.f32 v14;
	v14 =	vunpack.i.l.bf16.f32 v14;
	v12 =	vmul.bf16 v12, v16;
	v16 =	vld [tilespmem:s6+$0xFFFFFF30]  }
0x182: {  	(xrf2) =	vadd.scan.msk.f32 $0xffff, v0;
	v1 =	vadd.f32 v4, v7;
	v7 =	vld [tilespmem:s13+$0xFFFFFF70];
	v0 =	vadd.f32 v14, v13  }
0x183: {  	v6 =	vmul.bf16 v15, v6;
	v13 =	vld [tilespmem:s6+$0xFFFFFF70];
	v4 =	vunpack.i.u.bf16.f32 v12;
	v12 =	vunpack.i.l.bf16.f32 v12  }
0x184: {  	v2 =	vadd.f32 v3, v2;
	v14 =	vld [tilespmem:s6+$0xFFFFFFB0];
	v3 =	vadd.f32 v12, v4;
	v8 =	vmul.bf16 v17, v8  }
0x185: {  	v12 =	vld [tilespmem:s13+$0xFFFFFFB0];
	v4 =	vunpack.i.u.bf16.f32 v6;
	v6 =	vunpack.i.l.bf16.f32 v6;
	v0 =	vadd.f32 v0, v5  }
0x186: {  	v15 =	vld [tilespmem:s13+$0xFFFFFFF0];
	v5 =	vadd.f32 v6, v4;
	v6 =	vunpack.i.u.bf16.f32 v8;
	v8 =	vunpack.i.l.bf16.f32 v8  }
0x187: {  	v9 =	vmul.bf16 v16, v9;
	v16 =	vld [tilespmem:s6+$0xFFFFFFF0];
	v4 =	vadd.f32 v3, v10;
	v3 =	vadd.f32 v8, v6  }
0x188: {  	v6 =	vld [tilespmem:s13+$0x30];
	v13 =	vmul.bf16 v13, v7;
	v5 =	vadd.f32 v5, v62  }
0x189: {  	v8 =	vld [tilespmem:s6+$0x30];
	v10 =	vunpack.i.u.bf16.f32 v9;
	v9 =	vunpack.i.l.bf16.f32 v9;
	v3 =	vadd.f32 v3, v11  }
0x18a: {  	v7 =	vld [tilespmem:s13+$0x70];
	v11 =	vmul.bf16 v14, v12;
	v12 =	vunpack.i.u.bf16.f32 v13;
	v13 =	vunpack.i.l.bf16.f32 v13  }
0x18b: {  	v14 =	vadd.f32 v9, v10;
	v10 =	vld [tilespmem:s6+$0x70];
	v12 =	vadd.f32 v13, v12  }
0x18c: {  	s30 =	smov.u32 s26;
	v17, _, _ =	vpop (xrf2);
	v9 =	vld [tilespmem:s13+$0xB0];
	v13 =	vunpack.i.u.bf16.f32 v11;
	v11 =	vunpack.i.l.bf16.f32 v11;
	v15 =	vmul.bf16 v16, v15  }
0x18d: {  	s11 =	simm.s32 $0x0;
	s9 =	smov.u32 s26;
	[tilespmem:s26+$0x0] =	vst.msk vm0, v17;
	s13 =	simm.s32 $0x7200;
	v14 =	vadd.f32 v14, v63;
	v13 =	vadd.f32 v11, v13;
	v11 =	vld [tilespmem:s6+$0xB0]  }
.LBB2_9:
0x18e: {  	v16 =	vld [tilespmem:s13+$0xE0];
	v17 =	vunpack.i.u.bf16.f32 v15;
	v15 =	vunpack.i.l.bf16.f32 v15;
	v6 =	vmul.bf16 v8, v6  }
0x18f: {  	v1 =	vadd.f32 v12, v1;
	s6 =	sadd.s32 $0x200, s6;
	v8 =	vld [tilespmem:s13+$0xC0];
	v12 =	vadd.f32 v15, v17;
	(xrf2) =	vadd.scan.msk.f32 $0xffff, v14  }
0x190: {  	v14 =	vld [tilespmem:s6+$0xC0];
	v15 =	vunpack.i.u.bf16.f32 v6;
	v6 =	vunpack.i.l.bf16.f32 v6;
	v7 =	vmul.bf16 v10, v7  }
0x191: {  	v2 =	vadd.f32 v13, v2;
	v10 =	vld [tilespmem:s13+$0xD0];
	v6 =	vadd.f32 v6, v15  }
0x192: {  	s11 =	sadd.s32 $0x8, s11;
	v13 =	vld [tilespmem:s6+$0xD0];
	v15 =	vunpack.i.u.bf16.f32 v7;
	v7 =	vunpack.i.l.bf16.f32 v7;
	v9 =	vmul.bf16 v11, v9;
	(xrf2) =	vadd.scan.msk.f32 $0xffff, v1  }
0x193: {  	p2 =	slt.u32 s11, $0x78;
	v11 =	vadd.f32 v12, v0;
	v1 =	vld [tilespmem:s6+$0xE0];
	v7 =	vadd.f32 v7, v15  }
0x194: {  	v4 =	vadd.f32 v6, v4;
	v0 =	vld [tilespmem:s6+$0xFFFFFF00];
	v6 =	vunpack.i.u.bf16.f32 v9;
	v9 =	vunpack.i.l.bf16.f32 v9  }
0x195: {  	v12 =	vld [tilespmem:s13+$0xF0];
	v5 =	vadd.f32 v7, v5;
	v6 =	vadd.f32 v9, v6;
	(xrf2) =	vadd.scan.msk.f32 $0xffff, v2  }
0x196: {  	v2 =	vmul.bf16 v14, v8;
	v7 =	vld [tilespmem:s6+$0xF0]  }
0x197: {  	v8 =	vld [tilespmem:s13+$0xFFFFFF10];
	v9 =	vmul.bf16 v13, v10;
	v3 =	vadd.f32 v6, v3  }
0x198: {  	v10 =	vunpack.i.u.bf16.f32 v2;
	v6 =	vld [tilespmem:s6+$0xFFFFFF10];
	v1 =	vmul.bf16 v1, v16;
	(xrf2) =	vadd.scan.msk.f32 $0xffff, v11  }
0x199: {  	v2 =	vunpack.i.l.bf16.f32 v2;
	v11 =	vld [tilespmem:s13+$0xFFFFFF40];
	v13 =	vunpack.i.u.bf16.f32 v9;
	v9 =	vunpack.i.l.bf16.f32 v9;
	v14, _, _ =	vpop (xrf2)  }
0x19a: {  	v2 =	vadd.f32 v2, v10;
	v15 =	vld [tilespmem:s6+$0xFFFFFF40];
	v16 =	vadd.f32 v9, v13;
	[tilespmem:s9+$0xFFFFFFF9] =	vst.msk vm0, v14  }
0x19b: {  	v13 =	vunpack.i.u.bf16.f32 v1;
	v1 =	vunpack.i.l.bf16.f32 v1;
	v10 =	vld [tilespmem:s13+$0xFFFFFF50];
	v7 =	vmul.bf16 v7, v12;
	(xrf2) =	vadd.scan.msk.f32 $0xffff, v4  }
0x19c: {  	v1 =	vadd.f32 v1, v13;
	v4 =	vld [tilespmem:s6+$0xFFFFFF50];
	v2 =	vadd.f32 v16, v2;
	v9, _, _ =	vpop (xrf2)  }
0x19d: {  	v6 =	vmul.bf16 v6, v8;
	v8 =	vld [tilespmem:s13+$0xFFFFFF80];
	v13 =	vunpack.i.u.bf16.f32 v7;
	v7 =	vunpack.i.l.bf16.f32 v7;
	[tilespmem:s9+$0xFFFFFFFA] =	vst.msk vm0, v9  }
0x19e: {  	v9 =	vld [tilespmem:s6+$0xFFFFFF80];
	v2 =	vadd.f32 v1, v2;
	v7 =	vadd.f32 v7, v13;
	(xrf2) =	vadd.scan.msk.f32 $0xffff, v5  }
0x19f: {  	v1 =	vunpack.i.u.bf16.f32 v6;
	v5 =	vunpack.i.l.bf16.f32 v6;
	v6 =	vmul.bf16 v15, v11;
	v11 =	vld [tilespmem:s13+$0xFFFFFF90];
	v12, _, _ =	vpop (xrf2)  }
0x1a0: {  	v1 =	vadd.f32 v5, v1;
	v5 =	vld [tilespmem:s6+$0xFFFFFF90];
	v13 =	vadd.f32 v7, v2;
	[tilespmem:s9+$0xFFFFFFFB] =	vst.msk vm0, v12  }
0x1a1: {  	v7 =	vunpack.i.u.bf16.f32 v6;
	v6 =	vunpack.i.l.bf16.f32 v6;
	v4 =	vmul.bf16 v4, v10;
	v10 =	vld [tilespmem:s13+$0xFFFFFFC0]  }
0x1a2: {  	v6 =	vadd.f32 v6, v7;
	v7 =	vld [tilespmem:s6+$0xFFFFFFC0];
	(xrf2) =	vadd.scan.msk.f32 $0xffff, v13;
	v2, _, _ =	vpop (xrf2)  }
0x1a3: {  	v12 =	vunpack.i.u.bf16.f32 v4;
	v4 =	vunpack.i.l.bf16.f32 v4;
	v8 =	vmul.bf16 v9, v8;
	v9 =	vld [tilespmem:s13+$0xFFFFFFD0];
	[tilespmem:s9+$0xFFFFFFFC] =	vst.msk vm0, v2  }
0x1a4: {  	v2 =	vadd.f32 v4, v12;
	v4 =	vld [tilespmem:s6+$0xFFFFFFD0]  }
0x1a5: {  	v12 =	vunpack.i.u.bf16.f32 v8;
	v8 =	vunpack.i.l.bf16.f32 v8;
	v5 =	vmul.bf16 v5, v11;
	v11 =	vld [tilespmem:s13+$0x0];
	v13, _, _ =	vpop (xrf2);
	(xrf2) =	vadd.scan.msk.f32 $0xffff, v3  }
0x1a6: {  	v2 =	vadd.f32 v2, v6;
	v3 =	vadd.f32 v8, v12;
	v6 =	vld [tilespmem:s6+$0x0];
	[tilespmem:s9+$0xFFFFFFFD] =	vst.msk vm0, v13  }
0x1a7: {  	v8 =	vunpack.i.u.bf16.f32 v5;
	v5 =	vunpack.i.l.bf16.f32 v5;
	v7 =	vmul.bf16 v7, v10;
	v10 =	vld [tilespmem:s13+$0x10]  }
0x1a8: {  	v5 =	vadd.f32 v5, v8;
	v8 =	vld [tilespmem:s6+$0x10];
	v12, _, _ =	vpop (xrf2)  }
0x1a9: {  	v13 =	vunpack.i.u.bf16.f32 v7;
	v7 =	vunpack.i.l.bf16.f32 v7;
	v4 =	vmul.bf16 v4, v9;
	v9 =	vld [tilespmem:s13+$0x40];
	[tilespmem:s9+$0xFFFFFFFE] =	vst.msk vm0, v12  }
0x1aa: {  	v3 =	vadd.f32 v5, v3;
	v5 =	vadd.f32 v7, v13;
	v7 =	vld [tilespmem:s6+$0x40]  }
0x1ab: {  	v12 =	vunpack.i.u.bf16.f32 v4;
	v4 =	vunpack.i.l.bf16.f32 v4;
	v6 =	vmul.bf16 v6, v11;
	v11 =	vld [tilespmem:s13+$0x50]  }
0x1ac: {  	s9 =	sadd.s32 $0x8, s9;
	v4 =	vadd.f32 v4, v12;
	v12 =	vld [tilespmem:s6+$0x50];
	v13, _, _ =	vpop (xrf2)  }
0x1ad: {  	v15 =	vunpack.i.u.bf16.f32 v6;
	v6 =	vunpack.i.l.bf16.f32 v6;
	v8 =	vmul.bf16 v8, v10;
	v10 =	vld [tilespmem:s13+$0x80];
	[tilespmem:s9+$0x0] =	vst.msk vm0, v13  }
0x1ae: {  	v4 =	vadd.f32 v4, v5;
	v5 =	vadd.f32 v6, v15;
	v6 =	vld [tilespmem:s6+$0x80]  }
0x1af: {  	v13 =	vunpack.i.u.bf16.f32 v8;
	v8 =	vunpack.i.l.bf16.f32 v8;
	v7 =	vmul.bf16 v7, v9;
	v9 =	vld [tilespmem:s13+$0x90];
	v14, _, _ =	vpop (xrf2)  }
0x1b0: {  	v8 =	vadd.f32 v8, v13;
	v13 =	vld [tilespmem:s6+$0x90];
	[tilespmem:s30+$0xFFFFFFFF] =	vst.msk vm0, v14;
	s30 =	smov.u32 s9  }
0x1b1: {  	v14 =	vld [tilespmem:s13+$0xFFFFFF00];
	v15 =	vunpack.i.u.bf16.f32 v7;
	v7 =	vunpack.i.l.bf16.f32 v7;
	v11 =	vmul.bf16 v12, v11  }
0x1b2: {  	v12 =	vld [tilespmem:s13+$0xFFFFFF20];
	v5 =	vadd.f32 v8, v5;
	v7 =	vadd.f32 v7, v15  }
0x1b3: {  	v8 =	vld [tilespmem:s6+$0xFFFFFF20];
	v15 =	vunpack.i.u.bf16.f32 v11;
	v11 =	vunpack.i.l.bf16.f32 v11;
	v6 =	vmul.bf16 v6, v10  }
0x1b4: {  	v10 =	vld [tilespmem:s13+$0xFFFFFF60];
	v11 =	vadd.f32 v11, v15  }
0x1b5: {  	v15 =	vld [tilespmem:s6+$0xFFFFFF60];
	v16 =	vunpack.i.u.bf16.f32 v6;
	v6 =	vunpack.i.l.bf16.f32 v6;
	v9 =	vmul.bf16 v13, v9  }
0x1b6: {  	v0 =	vmul.bf16 v0, v14;
	v13 =	vld [tilespmem:s13+$0xFFFFFFA0];
	v7 =	vadd.f32 v11, v7;
	v6 =	vadd.f32 v6, v16  }
0x1b7: {  	v11 =	vld [tilespmem:s6+$0xFFFFFFA0];
	v14 =	vunpack.i.u.bf16.f32 v9;
	v9 =	vunpack.i.l.bf16.f32 v9  }
0x1b8: {  	v16 =	vunpack.i.u.bf16.f32 v0;
	v0 =	vunpack.i.l.bf16.f32 v0;
	v8 =	vmul.bf16 v8, v12;
	v12 =	vld [tilespmem:s13+$0xFFFFFFE0]  }
0x1b9: {  	v9 =	vadd.f32 v9, v14;
	v0 =	vadd.f32 v0, v16;
	v16 =	vld [tilespmem:s6+$0xFFFFFFE0]  }
0x1ba: {  	v14 =	vunpack.i.u.bf16.f32 v8;
	v8 =	vunpack.i.l.bf16.f32 v8;
	v10 =	vmul.bf16 v15, v10;
	v15 =	vld [tilespmem:s13+$0x20]  }
0x1bb: {  	v9 =	vadd.f32 v9, v6;
	v0 =	vadd.f32 v1, v0;
	v1 =	vld [tilespmem:s6+$0x20]  }
0x1bc: {  	v6 =	vunpack.i.u.bf16.f32 v10;
	v10 =	vunpack.i.l.bf16.f32 v10;
	v11 =	vmul.bf16 v11, v13;
	v13 =	vld [tilespmem:s13+$0x60]  }
0x1bd: {  	v8 =	vadd.f32 v8, v14;
	v6 =	vadd.f32 v10, v6;
	v10 =	vld [tilespmem:s6+$0x60]  }
0x1be: {  	v14 =	vunpack.i.u.bf16.f32 v11;
	v11 =	vunpack.i.l.bf16.f32 v11;
	v12 =	vmul.bf16 v16, v12;
	v16 =	vld [tilespmem:s13+$0xA0]  }
0x1bf: {  	v17 =	vadd.f32 v8, v0;
	v0 =	vadd.f32 v11, v14;
	v8 =	vld [tilespmem:s6+$0xA0]  }
0x1c0: {  	v11 =	vld [tilespmem:s13+$0xFFFFFF30];
	v14 =	vunpack.i.u.bf16.f32 v12;
	v12 =	vunpack.i.l.bf16.f32 v12;
	v15 =	vmul.bf16 v1, v15  }
0x1c1: {  	v1 =	vadd.f32 v6, v2;
	v18 =	vld [tilespmem:s6+$0xFFFFFF30];
	v6 =	vadd.f32 v12, v14  }
0x1c2: {  	v12 =	vld [tilespmem:s13+$0xFFFFFF70];
	v14 =	vunpack.i.u.bf16.f32 v15;
	v15 =	vunpack.i.l.bf16.f32 v15;
	v10 =	vmul.bf16 v10, v13  }
0x1c3: {  	v2 =	vadd.f32 v0, v3;
	v13 =	vld [tilespmem:s6+$0xFFFFFF70];
	v3 =	vadd.f32 v15, v14  }
0x1c4: {  	v14 =	vld [tilespmem:s13+$0xFFFFFFB0];
	v15 =	vunpack.i.u.bf16.f32 v10;
	v10 =	vunpack.i.l.bf16.f32 v10;
	v8 =	vmul.bf16 v8, v16  }
0x1c5: {  	v0 =	vadd.f32 v6, v4;
	v16 =	vld [tilespmem:s6+$0xFFFFFFB0];
	v10 =	vadd.f32 v10, v15  }
0x1c6: {  	v6 =	vmul.bf16 v18, v11;
	v11 =	vld [tilespmem:s13+$0xFFFFFFF0];
	v15 =	vunpack.i.u.bf16.f32 v8;
	v8 =	vunpack.i.l.bf16.f32 v8  }
0x1c7: {  	v4 =	vadd.f32 v3, v5;
	v18 =	vld [tilespmem:s6+$0xFFFFFFF0];
	v3 =	vadd.f32 v8, v15  }
0x1c8: {  	v15 =	vunpack.i.u.bf16.f32 v6;
	v19 =	vunpack.i.l.bf16.f32 v6;
	v12 =	vmul.bf16 v13, v12;
	v6 =	vld [tilespmem:s13+$0x30]  }
.Ltmp7:
0x1c9: {  	v5 =	vadd.f32 v10, v7;
	v8 =	vld [tilespmem:s6+$0x30];
	v3 =	vadd.f32 v3, v9;
	(pc) =	sbr.rel @p2 .LBB2_9-.Ltmp7, $4  }
0x1ca: {  	v9 =	vunpack.i.u.bf16.f32 v12;
	v10 =	vunpack.i.l.bf16.f32 v12;
	v13 =	vmul.bf16 v16, v14;
	v7 =	vld [tilespmem:s13+$0x70]  }
0x1cb: {  	v14 =	vadd.f32 v19, v15;
	v12 =	vadd.f32 v10, v9;
	v10 =	vld [tilespmem:s6+$0x70]  }
0x1cc: {  	v16 =	vunpack.i.u.bf16.f32 v13;
	v13 =	vunpack.i.l.bf16.f32 v13;
	v15 =	vmul.bf16 v18, v11;
	v9 =	vld [tilespmem:s13+$0xB0]  }
0x1cd: {  	v14 =	vadd.f32 v14, v17;
	s13 =	sadd.s32 $0x200, s13;
	v13 =	vadd.f32 v13, v16;
	v11 =	vld [tilespmem:s6+$0xB0]  }
0x1ce: {  	_ = 	snop  }
0x1cf: {  	v16 =	vunpack.i.u.bf16.f32 v15;
	v49 =	vunpack.i.l.bf16.f32 v15;
	v6 =	vmul.bf16 v8, v6  }
0x1d0: {  	v1 =	vadd.f32 v12, v1;
	v50 =	vadd.f32 v49, v16  }
0x1d1: {  	v51 =	vunpack.i.u.bf16.f32 v6;
	v6 =	vunpack.i.l.bf16.f32 v6;
	v7 =	vmul.bf16 v10, v7  }
0x1d2: {  	v2 =	vadd.f32 v13, v2;
	v6 =	vadd.f32 v6, v51;
	v9 =	vmul.bf16 v11, v9  }
0x1d3: {  	(xrf2) =	vadd.scan.msk.f32 $0xffff, v14;
	v0 =	vadd.f32 v50, v0;
	v10 =	vunpack.i.u.bf16.f32 v7;
	v7 =	vunpack.i.l.bf16.f32 v7  }
0x1d4: {  	(xrf2) =	vadd.scan.msk.f32 $0xffff, v1;
	v52 =	vadd.f32 v7, v10;
	v53 =	vunpack.i.u.bf16.f32 v9;
	v54 =	vunpack.i.l.bf16.f32 v9  }
0x1d5: {  	(xrf2) =	vadd.scan.msk.f32 $0xffff, v2;
	v4 =	vadd.f32 v6, v4;
	v55 =	vadd.f32 v54, v53  }
0x1d6: {  	(xrf2) =	vadd.scan.msk.f32 $0xffff, v0;
	v1 =	vadd.f32 v52, v5  }
0x1d7: {  	(xrf2) =	vadd.scan.msk.f32 $0xffff, v4;
	v56 =	vadd.f32 v55, v3  }
0x1d8: {  	(xrf2) =	vadd.scan.msk.f32 $0xffff, v1  }
0x1d9: {  	(xrf2) =	vadd.scan.msk.f32 $0xffff, v56;
	_ =	sdelay $0x3  }
0x1da: {  	v57, _, _ =	vpop (xrf2)  }
0x1db: {  	v58, _, _ =	vpop (xrf2);
	[tilespmem:s9+$0xFFFFFFF9] =	vst.msk vm0, v57  }
0x1dc: {  	v59, _, _ =	vpop (xrf2);
	[tilespmem:s9+$0xFFFFFFFA] =	vst.msk vm0, v58  }
0x1dd: {  	[tilespmem:s9+$0xFFFFFFFB] =	vst.msk vm0, v59;
	v60, _, _ =	vpop (xrf2)  }
0x1de: {  	[tilespmem:s9+$0xFFFFFFFC] =	vst.msk vm0, v60;
	v61, _, _ =	vpop (xrf2)  }
0x1df: {  	s6 =	sadd.s32 $0x5, s5;
	[tilespmem:s9+$0xFFFFFFFD] =	vst.msk vm0, v61;
	v62, _, _ =	vpop (xrf2)  }
0x1e0: {  	p2 =	sge.u32 s6, s4;
	[tilespmem:s9+$0xFFFFFFFE] =	vst.msk vm0, v62;
	v63, _, _ =	vpop (xrf2)  }
0x1e1: {  	s6 =	sshll.u32 @!p2 s6, $0x7;
	s11 =	simm.s32 @!p2 $0x6F00;
	s9 =	simm.s32 @!p2 $0x80;
	[tilespmem:s30+$0xFFFFFFFF] =	vst.msk vm0, v63  }
0x1e2: {  	[tilespmem:s11], [sflag:$0x2] =	stream.indirect.gather @!p2 [hbm4b:s8+s9], $0x40, s6, s9, $0xb8;
	[tilespmem:$0x1D450] =	vst v63  }
0x1e3: {  	s13 =	simm.s32 @!p2 $0xEF00;
	s30 =	sor.u32 $0x2, s5;
	s6 =	sadd.s32 @!p2 $0x2780, s6  }
0x1e4: {  	[tilespmem:s13], [sflag:$0x6] =	stream.indirect.gather @!p2 [hbm4b:s8+s9], $0x40, s6, s9, $0xb8;
	[tilespmem:$0x1D450] =	vst v63  }
0x1e5: {  	p2 =	sge.u32 s30, s4  }
.Ltmp8:
0x1e6: {  	_ = 	snop;
	(pc) =	sbr.rel @p2 .LBB2_14-.Ltmp8, $1  }
0x1e7: {  	_ =	sdelay $0x3  }
0x1e8: {  	_ =	swait.ge [sflag:s22], $0x2000  }
0x1e9: {  	[sflag:s22] =	ssyncset.done $0x0  }
0x1ea: {  	[sflag:s22] =	ssyncadd.s32 $0xFFFFE000  }
0x1eb: {  	_ =	swait.ge [sflag:s23], $0x2000  }
0x1ec: {  	[sflag:s23] =	ssyncset.done $0x0  }
0x1ed: {  	s9 =	simm.s32 $0x9000;
	[sflag:s23] =	ssyncadd.s32 $0xFFFFE000  }
0x1ee: {  	v0 =	vld [tilespmem:s9+$0xE0]  }
0x1ef: {  	s6 =	simm.s32 $0x11000;
	v1 =	vld [tilespmem:s9+$0xC0]  }
0x1f0: {  	v2 =	vld [tilespmem:s6+$0xC0]  }
0x1f1: {  	v3 =	vld [tilespmem:s9+$0xD0]  }
0x1f2: {  	v4 =	vld [tilespmem:s6+$0xD0]  }
0x1f3: {  	v5 =	vld [tilespmem:s6+$0xE0]  }
0x1f4: {  	v6 =	vld [tilespmem:s6+$0xFFFFFF00]  }
0x1f5: {  	v7 =	vld [tilespmem:s9+$0xF0]  }
0x1f6: {  	v8 =	vld [tilespmem:s6+$0xF0]  }
0x1f7: {  	v9 =	vld [tilespmem:s9+$0xFFFFFF10]  }
0x1f8: {  	v10 =	vld [tilespmem:s6+$0xFFFFFF10]  }
0x1f9: {  	v11 =	vld [tilespmem:s9+$0xFFFFFF40]  }
0x1fa: {  	v12 =	vld [tilespmem:s6+$0xFFFFFF40]  }
0x1fb: {  	v13 =	vld [tilespmem:s9+$0xFFFFFF50]  }
0x1fc: {  	v14 =	vld [tilespmem:s6+$0xFFFFFF50]  }
0x1fd: {  	v15 =	vld [tilespmem:s9+$0xFFFFFF80]  }
0x1fe: {  	v18 =	vld [tilespmem:s9+$0xFFFFFFC0];
	v1 =	vmul.bf16 v2, v1  }
0x1ff: {  	v20 =	vld [tilespmem:s6+$0x10];
	v3 =	vmul.bf16 v4, v3  }
0x200: {  	v59 =	vld [tilespmem:s9+$0xFFFFFF00];
	v0 =	vmul.bf16 v5, v0;
	v16 =	vunpack.i.u.bf16.f32 v1  }
0x201: {  	v2 =	vld [tilespmem:s6+$0xFFFFFF80];
	v1 =	vunpack.i.l.bf16.f32 v1;
	v17 =	vunpack.i.u.bf16.f32 v3;
	v3 =	vunpack.i.l.bf16.f32 v3  }
0x202: {  	v57 =	vld [tilespmem:s9+$0x90];
	v1 =	vadd.f32 v1, v16;
	v3 =	vadd.f32 v3, v17  }
0x203: {  	v4 =	vld [tilespmem:s9+$0xFFFFFF90];
	v7 =	vmul.bf16 v8, v7;
	v17 =	vunpack.i.u.bf16.f32 v0;
	v0 =	vunpack.i.l.bf16.f32 v0  }
0x204: {  	v11 =	vmul.bf16 v12, v11;
	v16 =	vld [tilespmem:s6+$0xFFFFFFC0];
	v0 =	vadd.f32 v0, v17;
	v1 =	vadd.f32 v3, v1  }
0x205: {  	v5 =	vld [tilespmem:s6+$0xFFFFFF90];
	v6 =	vmul.bf16 v6, v59;
	v3 =	vmul.bf16 v10, v9;
	v10 =	vunpack.i.u.bf16.f32 v7  }
0x206: {  	v8 =	vld [tilespmem:s9+$0xFFFFFFD0];
	v7 =	vunpack.i.l.bf16.f32 v7;
	v2 =	vmul.bf16 v2, v15;
	v0 =	vadd.f32 v0, v1  }
0x207: {  	v17 =	vld [tilespmem:s9+$0x10];
	v1 =	vadd.f32 v7, v10;
	v7 =	vmul.bf16 v14, v13;
	v13 =	vunpack.i.u.bf16.f32 v3  }
0x208: {  	v9 =	vld [tilespmem:s6+$0xFFFFFFD0];
	v3 =	vunpack.i.l.bf16.f32 v3;
	v14 =	vunpack.i.u.bf16.f32 v11;
	v11 =	vunpack.i.l.bf16.f32 v11  }
0x209: {  	v12 =	vld [tilespmem:s9+$0x0];
	v11 =	vadd.f32 v11, v14;
	v3 =	vadd.f32 v3, v13;
	v15 =	vmul.bf16 v16, v18  }
0x20a: {  	v10 =	vld [tilespmem:s6+$0x0];
	v19 =	vunpack.i.u.bf16.f32 v7;
	v7 =	vunpack.i.l.bf16.f32 v7;
	v0 =	vadd.f32 v1, v0  }
0x20b: {  	v14 =	vld [tilespmem:s9+$0x40];
	v1 =	vmul.bf16 v5, v4;
	v5 =	vunpack.i.u.bf16.f32 v2;
	v2 =	vunpack.i.l.bf16.f32 v2  }
0x20c: {  	v16 =	vld [tilespmem:s6+$0x50];
	v17 =	vmul.bf16 v20, v17;
	v7 =	vadd.f32 v7, v19;
	v2 =	vadd.f32 v2, v5  }
0x20d: {  	v4 =	vld [tilespmem:s6+$0x40];
	v5 =	vmul.bf16 v9, v8;
	v9 =	vunpack.i.u.bf16.f32 v15;
	v13 =	vunpack.i.u.bf16.f32 v1  }
0x20e: {  	v8 =	vld [tilespmem:s9+$0x80];
	v1 =	vunpack.i.l.bf16.f32 v1;
	v58 =	vunpack.i.u.bf16.f32 v17;
	v7 =	vadd.f32 v7, v11  }
0x20f: {  	v11 =	vld [tilespmem:s9+$0x50];
	v1 =	vadd.f32 v1, v13;
	v13 =	vunpack.i.l.bf16.f32 v15;
	v10 =	vmul.bf16 v10, v12  }
0x210: {  	v12 =	vld [tilespmem:s6+$0x80];
	v15 =	vunpack.i.u.bf16.f32 v5;
	v5 =	vunpack.i.l.bf16.f32 v5;
	v9 =	vadd.f32 v13, v9  }
0x211: {  	v5 =	vadd.f32 v5, v15;
	v15 =	vld [tilespmem:s6+$0x90];
	v13 =	vunpack.i.u.bf16.f32 v10;
	v10 =	vunpack.i.l.bf16.f32 v10  }
0x212: {  	v17 =	vunpack.i.l.bf16.f32 v17;
	v4 =	vmul.bf16 v4, v14;
	v14 =	vld [tilespmem:s9+$0xFFFFFF20];
	v10 =	vadd.f32 v10, v13  }
0x213: {  	v61 =	vunpack.i.u.bf16.f32 v6;
	v13 =	vadd.f32 v17, v58;
	v5 =	vadd.f32 v5, v9;
	v9 =	vld [tilespmem:s6+$0xFFFFFF20]  }
0x214: {  	v6 =	vunpack.i.l.bf16.f32 v6;
	v2 =	vadd.f32 v1, v2;
	v17 =	vld [tilespmem:s6+$0xFFFFFFA0];
	v1 =	vmul.bf16 v16, v11  }
0x215: {  	v11 =	vunpack.i.u.bf16.f32 v4;
	v4 =	vunpack.i.l.bf16.f32 v4;
	v10 =	vadd.f32 v13, v10;
	v13 =	vld [tilespmem:s9+$0xFFFFFF60]  }
0x216: {  	v6 =	vadd.f32 v6, v61;
	v8 =	vmul.bf16 v12, v8;
	v12 =	vld [tilespmem:s6+$0xFFFFFF60];
	v4 =	vadd.f32 v4, v11  }
0x217: {  	v11 =	vmul.bf16 v15, v57;
	v15 =	vld [tilespmem:s9+$0xFFFFFFA0];
	v16 =	vunpack.i.u.bf16.f32 v1;
	v1 =	vunpack.i.l.bf16.f32 v1  }
0x218: {  	v60 =	vld [tilespmem:s9+$0xFFFFFFE0];
	v3 =	vadd.f32 v3, v6;
	v1 =	vadd.f32 v1, v16  }
0x219: {  	v6 =	vld [tilespmem:s9+$0x60];
	v16 =	vunpack.i.u.bf16.f32 v8;
	v8 =	vunpack.i.l.bf16.f32 v8;
	v9 =	vmul.bf16 v9, v14  }
0x21a: {  	v14 =	vld [tilespmem:s6+$0xFFFFFFE0];
	v8 =	vadd.f32 v8, v16;
	v16 =	vunpack.i.u.bf16.f32 v11;
	v11 =	vunpack.i.l.bf16.f32 v11  }
0x21b: {  	v11 =	vadd.f32 v11, v16;
	v16 =	vld [tilespmem:s9+$0x20];
	v62 =	vadd.f32 v1, v4;
	v4 =	vmul.bf16 v12, v13  }
0x21c: {  	v1 =	vunpack.i.u.bf16.f32 v9;
	v12 =	vld [tilespmem:s6+$0x20];
	v9 =	vunpack.i.l.bf16.f32 v9;
	v13 =	vmul.bf16 v17, v15  }
0x21d: {  	v15 =	vld [tilespmem:s6+$0x60];
	v11 =	vadd.f32 v11, v8;
	v8 =	vunpack.i.u.bf16.f32 v4;
	v4 =	vunpack.i.l.bf16.f32 v4  }
0x21e: {  	v1 =	vadd.f32 v9, v1;
	v17 =	vld [tilespmem:s6+$0xA0];
	v4 =	vadd.f32 v4, v8  }
0x21f: {  	v8 =	vld [tilespmem:s9+$0xA0];
	v9 =	vunpack.i.u.bf16.f32 v13;
	v13 =	vunpack.i.l.bf16.f32 v13;
	v14 =	vmul.bf16 v14, v60  }
0x220: {  	v63 =	vadd.f32 v1, v3;
	v3 =	vadd.f32 v13, v9;
	v9 =	vld [tilespmem:s9+$0xFFFFFF30]  }
0x221: {  	v13 =	vunpack.i.u.bf16.f32 v14;
	v14 =	vunpack.i.l.bf16.f32 v14;
	v12 =	vmul.bf16 v12, v16;
	v16 =	vld [tilespmem:s6+$0xFFFFFF30]  }
0x222: {  	(xrf2) =	vadd.scan.msk.f32 $0xffff, v0;
	v1 =	vadd.f32 v4, v7;
	v7 =	vld [tilespmem:s9+$0xFFFFFF70];
	v0 =	vadd.f32 v14, v13  }
0x223: {  	v6 =	vmul.bf16 v15, v6;
	v13 =	vld [tilespmem:s6+$0xFFFFFF70];
	v4 =	vunpack.i.u.bf16.f32 v12;
	v12 =	vunpack.i.l.bf16.f32 v12  }
0x224: {  	v2 =	vadd.f32 v3, v2;
	v14 =	vld [tilespmem:s6+$0xFFFFFFB0];
	v3 =	vadd.f32 v12, v4;
	v8 =	vmul.bf16 v17, v8  }
0x225: {  	v12 =	vld [tilespmem:s9+$0xFFFFFFB0];
	v4 =	vunpack.i.u.bf16.f32 v6;
	v6 =	vunpack.i.l.bf16.f32 v6;
	v0 =	vadd.f32 v0, v5  }
0x226: {  	v15 =	vld [tilespmem:s9+$0xFFFFFFF0];
	v5 =	vadd.f32 v6, v4;
	v6 =	vunpack.i.u.bf16.f32 v8;
	v8 =	vunpack.i.l.bf16.f32 v8  }
0x227: {  	v9 =	vmul.bf16 v16, v9;
	v16 =	vld [tilespmem:s6+$0xFFFFFFF0];
	v4 =	vadd.f32 v3, v10;
	v3 =	vadd.f32 v8, v6  }
0x228: {  	v6 =	vld [tilespmem:s9+$0x30];
	v13 =	vmul.bf16 v13, v7;
	v5 =	vadd.f32 v5, v62  }
0x229: {  	v8 =	vld [tilespmem:s6+$0x30];
	v10 =	vunpack.i.u.bf16.f32 v9;
	v9 =	vunpack.i.l.bf16.f32 v9;
	v3 =	vadd.f32 v3, v11  }
0x22a: {  	v7 =	vld [tilespmem:s9+$0x70];
	v11 =	vmul.bf16 v14, v12;
	v12 =	vunpack.i.u.bf16.f32 v13;
	v13 =	vunpack.i.l.bf16.f32 v13  }
0x22b: {  	v14 =	vadd.f32 v9, v10;
	v10 =	vld [tilespmem:s6+$0x70];
	v12 =	vadd.f32 v13, v12  }
0x22c: {  	s11 =	simm.s32 $0x0;
	v17, _, _ =	vpop (xrf2);
	v9 =	vld [tilespmem:s9+$0xB0];
	v13 =	vunpack.i.u.bf16.f32 v11;
	v11 =	vunpack.i.l.bf16.f32 v11;
	v15 =	vmul.bf16 v16, v15  }
0x22d: {  	s13 =	simm.s32 $0x9200;
	s30 =	smov.u32 s12;
	[tilespmem:s12+$0x0] =	vst.msk vm0, v17;
	s9 =	smov.u32 s12;
	v14 =	vadd.f32 v14, v63;
	v13 =	vadd.f32 v11, v13;
	v11 =	vld [tilespmem:s6+$0xB0]  }
.LBB2_12:
0x22e: {  	v16 =	vld [tilespmem:s13+$0xE0];
	v17 =	vunpack.i.u.bf16.f32 v15;
	v15 =	vunpack.i.l.bf16.f32 v15;
	v6 =	vmul.bf16 v8, v6  }
0x22f: {  	v1 =	vadd.f32 v12, v1;
	s6 =	sadd.s32 $0x200, s6;
	v8 =	vld [tilespmem:s13+$0xC0];
	v12 =	vadd.f32 v15, v17;
	(xrf2) =	vadd.scan.msk.f32 $0xffff, v14  }
0x230: {  	v14 =	vld [tilespmem:s6+$0xC0];
	v15 =	vunpack.i.u.bf16.f32 v6;
	v6 =	vunpack.i.l.bf16.f32 v6;
	v7 =	vmul.bf16 v10, v7  }
0x231: {  	v2 =	vadd.f32 v13, v2;
	v10 =	vld [tilespmem:s13+$0xD0];
	v6 =	vadd.f32 v6, v15  }
0x232: {  	s11 =	sadd.s32 $0x8, s11;
	v13 =	vld [tilespmem:s6+$0xD0];
	v15 =	vunpack.i.u.bf16.f32 v7;
	v7 =	vunpack.i.l.bf16.f32 v7;
	v9 =	vmul.bf16 v11, v9;
	(xrf2) =	vadd.scan.msk.f32 $0xffff, v1  }
0x233: {  	p2 =	slt.u32 s11, $0x78;
	v11 =	vadd.f32 v12, v0;
	v1 =	vld [tilespmem:s6+$0xE0];
	v7 =	vadd.f32 v7, v15  }
0x234: {  	v4 =	vadd.f32 v6, v4;
	v0 =	vld [tilespmem:s6+$0xFFFFFF00];
	v6 =	vunpack.i.u.bf16.f32 v9;
	v9 =	vunpack.i.l.bf16.f32 v9  }
0x235: {  	v12 =	vld [tilespmem:s13+$0xF0];
	v5 =	vadd.f32 v7, v5;
	v6 =	vadd.f32 v9, v6;
	(xrf2) =	vadd.scan.msk.f32 $0xffff, v2  }
0x236: {  	v2 =	vmul.bf16 v14, v8;
	v7 =	vld [tilespmem:s6+$0xF0]  }
0x237: {  	v8 =	vld [tilespmem:s13+$0xFFFFFF10];
	v9 =	vmul.bf16 v13, v10;
	v3 =	vadd.f32 v6, v3  }
0x238: {  	v10 =	vunpack.i.u.bf16.f32 v2;
	v6 =	vld [tilespmem:s6+$0xFFFFFF10];
	v1 =	vmul.bf16 v1, v16;
	(xrf2) =	vadd.scan.msk.f32 $0xffff, v11  }
0x239: {  	v2 =	vunpack.i.l.bf16.f32 v2;
	v11 =	vld [tilespmem:s13+$0xFFFFFF40];
	v13 =	vunpack.i.u.bf16.f32 v9;
	v9 =	vunpack.i.l.bf16.f32 v9;
	v14, _, _ =	vpop (xrf2)  }
0x23a: {  	v2 =	vadd.f32 v2, v10;
	v15 =	vld [tilespmem:s6+$0xFFFFFF40];
	v16 =	vadd.f32 v9, v13;
	[tilespmem:s30+$0xFFFFFFF9] =	vst.msk vm0, v14  }
0x23b: {  	v13 =	vunpack.i.u.bf16.f32 v1;
	v1 =	vunpack.i.l.bf16.f32 v1;
	v10 =	vld [tilespmem:s13+$0xFFFFFF50];
	v7 =	vmul.bf16 v7, v12;
	(xrf2) =	vadd.scan.msk.f32 $0xffff, v4  }
0x23c: {  	v1 =	vadd.f32 v1, v13;
	v4 =	vld [tilespmem:s6+$0xFFFFFF50];
	v2 =	vadd.f32 v16, v2;
	v9, _, _ =	vpop (xrf2)  }
0x23d: {  	v6 =	vmul.bf16 v6, v8;
	v8 =	vld [tilespmem:s13+$0xFFFFFF80];
	v13 =	vunpack.i.u.bf16.f32 v7;
	v7 =	vunpack.i.l.bf16.f32 v7;
	[tilespmem:s30+$0xFFFFFFFA] =	vst.msk vm0, v9  }
0x23e: {  	v9 =	vld [tilespmem:s6+$0xFFFFFF80];
	v2 =	vadd.f32 v1, v2;
	v7 =	vadd.f32 v7, v13;
	(xrf2) =	vadd.scan.msk.f32 $0xffff, v5  }
0x23f: {  	v1 =	vunpack.i.u.bf16.f32 v6;
	v5 =	vunpack.i.l.bf16.f32 v6;
	v6 =	vmul.bf16 v15, v11;
	v11 =	vld [tilespmem:s13+$0xFFFFFF90];
	v12, _, _ =	vpop (xrf2)  }
0x240: {  	v1 =	vadd.f32 v5, v1;
	v5 =	vld [tilespmem:s6+$0xFFFFFF90];
	v13 =	vadd.f32 v7, v2;
	[tilespmem:s30+$0xFFFFFFFB] =	vst.msk vm0, v12  }
0x241: {  	v7 =	vunpack.i.u.bf16.f32 v6;
	v6 =	vunpack.i.l.bf16.f32 v6;
	v4 =	vmul.bf16 v4, v10;
	v10 =	vld [tilespmem:s13+$0xFFFFFFC0]  }
0x242: {  	v6 =	vadd.f32 v6, v7;
	v7 =	vld [tilespmem:s6+$0xFFFFFFC0];
	(xrf2) =	vadd.scan.msk.f32 $0xffff, v13;
	v2, _, _ =	vpop (xrf2)  }
0x243: {  	v12 =	vunpack.i.u.bf16.f32 v4;
	v4 =	vunpack.i.l.bf16.f32 v4;
	v8 =	vmul.bf16 v9, v8;
	v9 =	vld [tilespmem:s13+$0xFFFFFFD0];
	[tilespmem:s30+$0xFFFFFFFC] =	vst.msk vm0, v2  }
0x244: {  	v2 =	vadd.f32 v4, v12;
	v4 =	vld [tilespmem:s6+$0xFFFFFFD0]  }
0x245: {  	v12 =	vunpack.i.u.bf16.f32 v8;
	v8 =	vunpack.i.l.bf16.f32 v8;
	v5 =	vmul.bf16 v5, v11;
	v11 =	vld [tilespmem:s13+$0x0];
	v13, _, _ =	vpop (xrf2);
	(xrf2) =	vadd.scan.msk.f32 $0xffff, v3  }
0x246: {  	v2 =	vadd.f32 v2, v6;
	v3 =	vadd.f32 v8, v12;
	v6 =	vld [tilespmem:s6+$0x0];
	[tilespmem:s30+$0xFFFFFFFD] =	vst.msk vm0, v13  }
0x247: {  	v8 =	vunpack.i.u.bf16.f32 v5;
	v5 =	vunpack.i.l.bf16.f32 v5;
	v7 =	vmul.bf16 v7, v10;
	v10 =	vld [tilespmem:s13+$0x10]  }
0x248: {  	v5 =	vadd.f32 v5, v8;
	v8 =	vld [tilespmem:s6+$0x10];
	v12, _, _ =	vpop (xrf2)  }
0x249: {  	v13 =	vunpack.i.u.bf16.f32 v7;
	v7 =	vunpack.i.l.bf16.f32 v7;
	v4 =	vmul.bf16 v4, v9;
	v9 =	vld [tilespmem:s13+$0x40];
	[tilespmem:s30+$0xFFFFFFFE] =	vst.msk vm0, v12  }
0x24a: {  	v3 =	vadd.f32 v5, v3;
	v5 =	vadd.f32 v7, v13;
	v7 =	vld [tilespmem:s6+$0x40]  }
0x24b: {  	v12 =	vunpack.i.u.bf16.f32 v4;
	v4 =	vunpack.i.l.bf16.f32 v4;
	v6 =	vmul.bf16 v6, v11;
	v11 =	vld [tilespmem:s13+$0x50]  }
0x24c: {  	s30 =	sadd.s32 $0x8, s30;
	v4 =	vadd.f32 v4, v12;
	v12 =	vld [tilespmem:s6+$0x50];
	v13, _, _ =	vpop (xrf2)  }
0x24d: {  	v15 =	vunpack.i.u.bf16.f32 v6;
	v6 =	vunpack.i.l.bf16.f32 v6;
	v8 =	vmul.bf16 v8, v10;
	v10 =	vld [tilespmem:s13+$0x80];
	[tilespmem:s30+$0x0] =	vst.msk vm0, v13  }
0x24e: {  	v4 =	vadd.f32 v4, v5;
	v5 =	vadd.f32 v6, v15;
	v6 =	vld [tilespmem:s6+$0x80]  }
0x24f: {  	v13 =	vunpack.i.u.bf16.f32 v8;
	v8 =	vunpack.i.l.bf16.f32 v8;
	v7 =	vmul.bf16 v7, v9;
	v9 =	vld [tilespmem:s13+$0x90];
	v14, _, _ =	vpop (xrf2)  }
0x250: {  	v8 =	vadd.f32 v8, v13;
	v13 =	vld [tilespmem:s6+$0x90];
	[tilespmem:s9+$0xFFFFFFFF] =	vst.msk vm0, v14;
	s9 =	smov.u32 s30  }
0x251: {  	v14 =	vld [tilespmem:s13+$0xFFFFFF00];
	v15 =	vunpack.i.u.bf16.f32 v7;
	v7 =	vunpack.i.l.bf16.f32 v7;
	v11 =	vmul.bf16 v12, v11  }
0x252: {  	v12 =	vld [tilespmem:s13+$0xFFFFFF20];
	v5 =	vadd.f32 v8, v5;
	v7 =	vadd.f32 v7, v15  }
0x253: {  	v8 =	vld [tilespmem:s6+$0xFFFFFF20];
	v15 =	vunpack.i.u.bf16.f32 v11;
	v11 =	vunpack.i.l.bf16.f32 v11;
	v6 =	vmul.bf16 v6, v10  }
0x254: {  	v10 =	vld [tilespmem:s13+$0xFFFFFF60];
	v11 =	vadd.f32 v11, v15  }
0x255: {  	v15 =	vld [tilespmem:s6+$0xFFFFFF60];
	v16 =	vunpack.i.u.bf16.f32 v6;
	v6 =	vunpack.i.l.bf16.f32 v6;
	v9 =	vmul.bf16 v13, v9  }
0x256: {  	v0 =	vmul.bf16 v0, v14;
	v13 =	vld [tilespmem:s13+$0xFFFFFFA0];
	v7 =	vadd.f32 v11, v7;
	v6 =	vadd.f32 v6, v16  }
0x257: {  	v11 =	vld [tilespmem:s6+$0xFFFFFFA0];
	v14 =	vunpack.i.u.bf16.f32 v9;
	v9 =	vunpack.i.l.bf16.f32 v9  }
0x258: {  	v16 =	vunpack.i.u.bf16.f32 v0;
	v0 =	vunpack.i.l.bf16.f32 v0;
	v8 =	vmul.bf16 v8, v12;
	v12 =	vld [tilespmem:s13+$0xFFFFFFE0]  }
0x259: {  	v9 =	vadd.f32 v9, v14;
	v0 =	vadd.f32 v0, v16;
	v16 =	vld [tilespmem:s6+$0xFFFFFFE0]  }
0x25a: {  	v14 =	vunpack.i.u.bf16.f32 v8;
	v8 =	vunpack.i.l.bf16.f32 v8;
	v10 =	vmul.bf16 v15, v10;
	v15 =	vld [tilespmem:s13+$0x20]  }
0x25b: {  	v9 =	vadd.f32 v9, v6;
	v0 =	vadd.f32 v1, v0;
	v1 =	vld [tilespmem:s6+$0x20]  }
0x25c: {  	v6 =	vunpack.i.u.bf16.f32 v10;
	v10 =	vunpack.i.l.bf16.f32 v10;
	v11 =	vmul.bf16 v11, v13;
	v13 =	vld [tilespmem:s13+$0x60]  }
0x25d: {  	v8 =	vadd.f32 v8, v14;
	v6 =	vadd.f32 v10, v6;
	v10 =	vld [tilespmem:s6+$0x60]  }
0x25e: {  	v14 =	vunpack.i.u.bf16.f32 v11;
	v11 =	vunpack.i.l.bf16.f32 v11;
	v12 =	vmul.bf16 v16, v12;
	v16 =	vld [tilespmem:s13+$0xA0]  }
0x25f: {  	v17 =	vadd.f32 v8, v0;
	v0 =	vadd.f32 v11, v14;
	v8 =	vld [tilespmem:s6+$0xA0]  }
0x260: {  	v11 =	vld [tilespmem:s13+$0xFFFFFF30];
	v14 =	vunpack.i.u.bf16.f32 v12;
	v12 =	vunpack.i.l.bf16.f32 v12;
	v15 =	vmul.bf16 v1, v15  }
0x261: {  	v1 =	vadd.f32 v6, v2;
	v18 =	vld [tilespmem:s6+$0xFFFFFF30];
	v6 =	vadd.f32 v12, v14  }
0x262: {  	v12 =	vld [tilespmem:s13+$0xFFFFFF70];
	v14 =	vunpack.i.u.bf16.f32 v15;
	v15 =	vunpack.i.l.bf16.f32 v15;
	v10 =	vmul.bf16 v10, v13  }
0x263: {  	v2 =	vadd.f32 v0, v3;
	v13 =	vld [tilespmem:s6+$0xFFFFFF70];
	v3 =	vadd.f32 v15, v14  }
0x264: {  	v14 =	vld [tilespmem:s13+$0xFFFFFFB0];
	v15 =	vunpack.i.u.bf16.f32 v10;
	v10 =	vunpack.i.l.bf16.f32 v10;
	v8 =	vmul.bf16 v8, v16  }
0x265: {  	v0 =	vadd.f32 v6, v4;
	v16 =	vld [tilespmem:s6+$0xFFFFFFB0];
	v10 =	vadd.f32 v10, v15  }
0x266: {  	v6 =	vmul.bf16 v18, v11;
	v11 =	vld [tilespmem:s13+$0xFFFFFFF0];
	v15 =	vunpack.i.u.bf16.f32 v8;
	v8 =	vunpack.i.l.bf16.f32 v8  }
0x267: {  	v4 =	vadd.f32 v3, v5;
	v18 =	vld [tilespmem:s6+$0xFFFFFFF0];
	v3 =	vadd.f32 v8, v15  }
0x268: {  	v15 =	vunpack.i.u.bf16.f32 v6;
	v19 =	vunpack.i.l.bf16.f32 v6;
	v12 =	vmul.bf16 v13, v12;
	v6 =	vld [tilespmem:s13+$0x30]  }
.Ltmp9:
0x269: {  	v5 =	vadd.f32 v10, v7;
	v8 =	vld [tilespmem:s6+$0x30];
	v3 =	vadd.f32 v3, v9;
	(pc) =	sbr.rel @p2 .LBB2_12-.Ltmp9, $4  }
0x26a: {  	v9 =	vunpack.i.u.bf16.f32 v12;
	v10 =	vunpack.i.l.bf16.f32 v12;
	v13 =	vmul.bf16 v16, v14;
	v7 =	vld [tilespmem:s13+$0x70]  }
0x26b: {  	v14 =	vadd.f32 v19, v15;
	v12 =	vadd.f32 v10, v9;
	v10 =	vld [tilespmem:s6+$0x70]  }
0x26c: {  	v16 =	vunpack.i.u.bf16.f32 v13;
	v13 =	vunpack.i.l.bf16.f32 v13;
	v15 =	vmul.bf16 v18, v11;
	v9 =	vld [tilespmem:s13+$0xB0]  }
0x26d: {  	v14 =	vadd.f32 v14, v17;
	s13 =	sadd.s32 $0x200, s13;
	v13 =	vadd.f32 v13, v16;
	v11 =	vld [tilespmem:s6+$0xB0]  }
0x26e: {  	_ = 	snop  }
0x26f: {  	v16 =	vunpack.i.u.bf16.f32 v15;
	v49 =	vunpack.i.l.bf16.f32 v15;
	v6 =	vmul.bf16 v8, v6  }
0x270: {  	v1 =	vadd.f32 v12, v1;
	v50 =	vadd.f32 v49, v16  }
0x271: {  	v51 =	vunpack.i.u.bf16.f32 v6;
	v6 =	vunpack.i.l.bf16.f32 v6;
	v7 =	vmul.bf16 v10, v7  }
0x272: {  	v2 =	vadd.f32 v13, v2;
	v6 =	vadd.f32 v6, v51;
	v9 =	vmul.bf16 v11, v9  }
0x273: {  	(xrf2) =	vadd.scan.msk.f32 $0xffff, v14;
	v0 =	vadd.f32 v50, v0;
	v10 =	vunpack.i.u.bf16.f32 v7;
	v7 =	vunpack.i.l.bf16.f32 v7  }
0x274: {  	(xrf2) =	vadd.scan.msk.f32 $0xffff, v1;
	v52 =	vadd.f32 v7, v10;
	v53 =	vunpack.i.u.bf16.f32 v9;
	v54 =	vunpack.i.l.bf16.f32 v9  }
0x275: {  	(xrf2) =	vadd.scan.msk.f32 $0xffff, v2;
	v4 =	vadd.f32 v6, v4;
	v55 =	vadd.f32 v54, v53  }
0x276: {  	(xrf2) =	vadd.scan.msk.f32 $0xffff, v0;
	v1 =	vadd.f32 v52, v5  }
0x277: {  	(xrf2) =	vadd.scan.msk.f32 $0xffff, v4;
	v56 =	vadd.f32 v55, v3  }
0x278: {  	(xrf2) =	vadd.scan.msk.f32 $0xffff, v1  }
0x279: {  	(xrf2) =	vadd.scan.msk.f32 $0xffff, v56;
	_ =	sdelay $0x3  }
0x27a: {  	v57, _, _ =	vpop (xrf2)  }
0x27b: {  	v58, _, _ =	vpop (xrf2);
	[tilespmem:s30+$0xFFFFFFF9] =	vst.msk vm0, v57  }
0x27c: {  	v59, _, _ =	vpop (xrf2);
	[tilespmem:s30+$0xFFFFFFFA] =	vst.msk vm0, v58  }
0x27d: {  	[tilespmem:s30+$0xFFFFFFFB] =	vst.msk vm0, v59;
	v60, _, _ =	vpop (xrf2)  }
0x27e: {  	[tilespmem:s30+$0xFFFFFFFC] =	vst.msk vm0, v60;
	v61, _, _ =	vpop (xrf2)  }
0x27f: {  	[tilespmem:s30+$0xFFFFFFFD] =	vst.msk vm0, v61;
	v62, _, _ =	vpop (xrf2)  }
0x280: {  	[tilespmem:s30+$0xFFFFFFFE] =	vst.msk vm0, v62;
	v63, _, _ =	vpop (xrf2)  }
0x281: {  	[tilespmem:s9+$0xFFFFFFFF] =	vst.msk vm0, v63  }
.LBB2_14:
0x282: {  	s5 =	sadd.s32 $0x6, s5  }
.Ltmp10:
0x283: {  	p2 =	sge.u32 s5, s4;
	(pc) =	sbr.rel @p1 .LBB2_18-.Ltmp10, $4  }
0x284: {  	s5 =	sshll.u32 @!p2 s5, $0x7;
	s6 =	simm.s32 @!p2 $0x80;
	s9 =	simm.s32 @!p2 $0x8F00  }
0x285: {  	[tilespmem:s9], [sflag:$0x3] =	stream.indirect.gather @!p2 [hbm4b:s8+s6], $0x40, s5, s6, $0xb8;
	[tilespmem:$0x1D450] =	vst v63  }
0x286: {  	s5 =	sadd.s32 @!p2 $0x2780, s5;
	s9 =	simm.s32 @!p2 $0x10F00  }
0x287: {  	[tilespmem:s9], [sflag:$0x7] =	stream.indirect.gather @!p2 [hbm4b:s8+s6], $0x40, s5, s6, $0xb8;
	[tilespmem:$0x1D450] =	vst v63  }
0x288: {  	_ =	swait.ge [sflag:s24], $0x2000  }
0x289: {  	[sflag:s24] =	ssyncset.done $0x0  }
0x28a: {  	[sflag:s24] =	ssyncadd.s32 $0xFFFFE000  }
0x28b: {  	_ =	swait.ge [sflag:s25], $0x2000  }
0x28c: {  	[sflag:s25] =	ssyncset.done $0x0  }
0x28d: {  	s6 =	simm.s32 $0xB000;
	[sflag:s25] =	ssyncadd.s32 $0xFFFFE000  }
0x28e: {  	v0 =	vld [tilespmem:s6+$0xE0]  }
0x28f: {  	s5 =	simm.s32 $0x13000;
	v1 =	vld [tilespmem:s6+$0xC0]  }
0x290: {  	v2 =	vld [tilespmem:s5+$0xC0]  }
0x291: {  	v3 =	vld [tilespmem:s6+$0xD0]  }
0x292: {  	v4 =	vld [tilespmem:s5+$0xD0]  }
0x293: {  	v5 =	vld [tilespmem:s5+$0xE0]  }
0x294: {  	v6 =	vld [tilespmem:s5+$0xFFFFFF00]  }
0x295: {  	v7 =	vld [tilespmem:s6+$0xF0]  }
0x296: {  	v8 =	vld [tilespmem:s5+$0xF0]  }
0x297: {  	v9 =	vld [tilespmem:s6+$0xFFFFFF10]  }
0x298: {  	v10 =	vld [tilespmem:s5+$0xFFFFFF10]  }
0x299: {  	v11 =	vld [tilespmem:s6+$0xFFFFFF40]  }
0x29a: {  	v12 =	vld [tilespmem:s5+$0xFFFFFF40]  }
0x29b: {  	v13 =	vld [tilespmem:s6+$0xFFFFFF50]  }
0x29c: {  	v14 =	vld [tilespmem:s5+$0xFFFFFF50]  }
0x29d: {  	v15 =	vld [tilespmem:s6+$0xFFFFFF80]  }
0x29e: {  	v18 =	vld [tilespmem:s6+$0xFFFFFFC0];
	v1 =	vmul.bf16 v2, v1  }
0x29f: {  	v20 =	vld [tilespmem:s5+$0x10];
	v3 =	vmul.bf16 v4, v3  }
0x2a0: {  	v59 =	vld [tilespmem:s6+$0xFFFFFF00];
	v0 =	vmul.bf16 v5, v0;
	v16 =	vunpack.i.u.bf16.f32 v1  }
0x2a1: {  	v2 =	vld [tilespmem:s5+$0xFFFFFF80];
	v1 =	vunpack.i.l.bf16.f32 v1;
	v17 =	vunpack.i.u.bf16.f32 v3;
	v3 =	vunpack.i.l.bf16.f32 v3  }
0x2a2: {  	v57 =	vld [tilespmem:s6+$0x90];
	v1 =	vadd.f32 v1, v16;
	v3 =	vadd.f32 v3, v17  }
0x2a3: {  	v4 =	vld [tilespmem:s6+$0xFFFFFF90];
	v7 =	vmul.bf16 v8, v7;
	v17 =	vunpack.i.u.bf16.f32 v0;
	v0 =	vunpack.i.l.bf16.f32 v0  }
0x2a4: {  	v11 =	vmul.bf16 v12, v11;
	v16 =	vld [tilespmem:s5+$0xFFFFFFC0];
	v0 =	vadd.f32 v0, v17;
	v1 =	vadd.f32 v3, v1  }
0x2a5: {  	v5 =	vld [tilespmem:s5+$0xFFFFFF90];
	v6 =	vmul.bf16 v6, v59;
	v3 =	vmul.bf16 v10, v9;
	v10 =	vunpack.i.u.bf16.f32 v7  }
0x2a6: {  	v8 =	vld [tilespmem:s6+$0xFFFFFFD0];
	v7 =	vunpack.i.l.bf16.f32 v7;
	v2 =	vmul.bf16 v2, v15;
	v0 =	vadd.f32 v0, v1  }
0x2a7: {  	v17 =	vld [tilespmem:s6+$0x10];
	v1 =	vadd.f32 v7, v10;
	v7 =	vmul.bf16 v14, v13;
	v13 =	vunpack.i.u.bf16.f32 v3  }
0x2a8: {  	v9 =	vld [tilespmem:s5+$0xFFFFFFD0];
	v3 =	vunpack.i.l.bf16.f32 v3;
	v14 =	vunpack.i.u.bf16.f32 v11;
	v11 =	vunpack.i.l.bf16.f32 v11  }
0x2a9: {  	v12 =	vld [tilespmem:s6+$0x0];
	v11 =	vadd.f32 v11, v14;
	v3 =	vadd.f32 v3, v13;
	v15 =	vmul.bf16 v16, v18  }
0x2aa: {  	v10 =	vld [tilespmem:s5+$0x0];
	v19 =	vunpack.i.u.bf16.f32 v7;
	v7 =	vunpack.i.l.bf16.f32 v7;
	v0 =	vadd.f32 v1, v0  }
0x2ab: {  	v14 =	vld [tilespmem:s6+$0x40];
	v1 =	vmul.bf16 v5, v4;
	v5 =	vunpack.i.u.bf16.f32 v2;
	v2 =	vunpack.i.l.bf16.f32 v2  }
0x2ac: {  	v16 =	vld [tilespmem:s5+$0x50];
	v17 =	vmul.bf16 v20, v17;
	v7 =	vadd.f32 v7, v19;
	v2 =	vadd.f32 v2, v5  }
0x2ad: {  	v4 =	vld [tilespmem:s5+$0x40];
	v5 =	vmul.bf16 v9, v8;
	v9 =	vunpack.i.u.bf16.f32 v15;
	v13 =	vunpack.i.u.bf16.f32 v1  }
0x2ae: {  	v8 =	vld [tilespmem:s6+$0x80];
	v1 =	vunpack.i.l.bf16.f32 v1;
	v58 =	vunpack.i.u.bf16.f32 v17;
	v7 =	vadd.f32 v7, v11  }
0x2af: {  	v11 =	vld [tilespmem:s6+$0x50];
	v1 =	vadd.f32 v1, v13;
	v13 =	vunpack.i.l.bf16.f32 v15;
	v10 =	vmul.bf16 v10, v12  }
0x2b0: {  	v12 =	vld [tilespmem:s5+$0x80];
	v15 =	vunpack.i.u.bf16.f32 v5;
	v5 =	vunpack.i.l.bf16.f32 v5;
	v9 =	vadd.f32 v13, v9  }
0x2b1: {  	v5 =	vadd.f32 v5, v15;
	v15 =	vld [tilespmem:s5+$0x90];
	v13 =	vunpack.i.u.bf16.f32 v10;
	v10 =	vunpack.i.l.bf16.f32 v10  }
0x2b2: {  	v17 =	vunpack.i.l.bf16.f32 v17;
	v4 =	vmul.bf16 v4, v14;
	v14 =	vld [tilespmem:s6+$0xFFFFFF20];
	v10 =	vadd.f32 v10, v13  }
0x2b3: {  	v61 =	vunpack.i.u.bf16.f32 v6;
	v13 =	vadd.f32 v17, v58;
	v5 =	vadd.f32 v5, v9;
	v9 =	vld [tilespmem:s5+$0xFFFFFF20]  }
0x2b4: {  	v6 =	vunpack.i.l.bf16.f32 v6;
	v2 =	vadd.f32 v1, v2;
	v17 =	vld [tilespmem:s5+$0xFFFFFFA0];
	v1 =	vmul.bf16 v16, v11  }
0x2b5: {  	v11 =	vunpack.i.u.bf16.f32 v4;
	v4 =	vunpack.i.l.bf16.f32 v4;
	v10 =	vadd.f32 v13, v10;
	v13 =	vld [tilespmem:s6+$0xFFFFFF60]  }
0x2b6: {  	v6 =	vadd.f32 v6, v61;
	v8 =	vmul.bf16 v12, v8;
	v12 =	vld [tilespmem:s5+$0xFFFFFF60];
	v4 =	vadd.f32 v4, v11  }
0x2b7: {  	v11 =	vmul.bf16 v15, v57;
	v15 =	vld [tilespmem:s6+$0xFFFFFFA0];
	v16 =	vunpack.i.u.bf16.f32 v1;
	v1 =	vunpack.i.l.bf16.f32 v1  }
0x2b8: {  	v60 =	vld [tilespmem:s6+$0xFFFFFFE0];
	v3 =	vadd.f32 v3, v6;
	v1 =	vadd.f32 v1, v16  }
0x2b9: {  	v6 =	vld [tilespmem:s6+$0x60];
	v16 =	vunpack.i.u.bf16.f32 v8;
	v8 =	vunpack.i.l.bf16.f32 v8;
	v9 =	vmul.bf16 v9, v14  }
0x2ba: {  	v14 =	vld [tilespmem:s5+$0xFFFFFFE0];
	v8 =	vadd.f32 v8, v16;
	v16 =	vunpack.i.u.bf16.f32 v11;
	v11 =	vunpack.i.l.bf16.f32 v11  }
0x2bb: {  	v11 =	vadd.f32 v11, v16;
	v16 =	vld [tilespmem:s6+$0x20];
	v62 =	vadd.f32 v1, v4;
	v4 =	vmul.bf16 v12, v13  }
0x2bc: {  	v1 =	vunpack.i.u.bf16.f32 v9;
	v12 =	vld [tilespmem:s5+$0x20];
	v9 =	vunpack.i.l.bf16.f32 v9;
	v13 =	vmul.bf16 v17, v15  }
0x2bd: {  	v15 =	vld [tilespmem:s5+$0x60];
	v11 =	vadd.f32 v11, v8;
	v8 =	vunpack.i.u.bf16.f32 v4;
	v4 =	vunpack.i.l.bf16.f32 v4  }
0x2be: {  	v1 =	vadd.f32 v9, v1;
	v17 =	vld [tilespmem:s5+$0xA0];
	v4 =	vadd.f32 v4, v8  }
0x2bf: {  	v8 =	vld [tilespmem:s6+$0xA0];
	v9 =	vunpack.i.u.bf16.f32 v13;
	v13 =	vunpack.i.l.bf16.f32 v13;
	v14 =	vmul.bf16 v14, v60  }
0x2c0: {  	v63 =	vadd.f32 v1, v3;
	v3 =	vadd.f32 v13, v9;
	v9 =	vld [tilespmem:s6+$0xFFFFFF30]  }
0x2c1: {  	v13 =	vunpack.i.u.bf16.f32 v14;
	v14 =	vunpack.i.l.bf16.f32 v14;
	v12 =	vmul.bf16 v12, v16;
	v16 =	vld [tilespmem:s5+$0xFFFFFF30]  }
0x2c2: {  	(xrf2) =	vadd.scan.msk.f32 $0xffff, v0;
	v1 =	vadd.f32 v4, v7;
	v7 =	vld [tilespmem:s6+$0xFFFFFF70];
	v0 =	vadd.f32 v14, v13  }
0x2c3: {  	v6 =	vmul.bf16 v15, v6;
	v13 =	vld [tilespmem:s5+$0xFFFFFF70];
	v4 =	vunpack.i.u.bf16.f32 v12;
	v12 =	vunpack.i.l.bf16.f32 v12  }
0x2c4: {  	v2 =	vadd.f32 v3, v2;
	v14 =	vld [tilespmem:s5+$0xFFFFFFB0];
	v3 =	vadd.f32 v12, v4;
	v8 =	vmul.bf16 v17, v8  }
0x2c5: {  	v12 =	vld [tilespmem:s6+$0xFFFFFFB0];
	v4 =	vunpack.i.u.bf16.f32 v6;
	v6 =	vunpack.i.l.bf16.f32 v6;
	v0 =	vadd.f32 v0, v5  }
0x2c6: {  	v15 =	vld [tilespmem:s6+$0xFFFFFFF0];
	v5 =	vadd.f32 v6, v4;
	v6 =	vunpack.i.u.bf16.f32 v8;
	v8 =	vunpack.i.l.bf16.f32 v8  }
0x2c7: {  	v9 =	vmul.bf16 v16, v9;
	v16 =	vld [tilespmem:s5+$0xFFFFFFF0];
	v4 =	vadd.f32 v3, v10;
	v3 =	vadd.f32 v8, v6  }
0x2c8: {  	v6 =	vld [tilespmem:s6+$0x30];
	v13 =	vmul.bf16 v13, v7;
	v5 =	vadd.f32 v5, v62  }
0x2c9: {  	v8 =	vld [tilespmem:s5+$0x30];
	v10 =	vunpack.i.u.bf16.f32 v9;
	v9 =	vunpack.i.l.bf16.f32 v9;
	v3 =	vadd.f32 v3, v11  }
0x2ca: {  	v7 =	vld [tilespmem:s6+$0x70];
	v11 =	vmul.bf16 v14, v12;
	v12 =	vunpack.i.u.bf16.f32 v13;
	v13 =	vunpack.i.l.bf16.f32 v13  }
0x2cb: {  	v14 =	vadd.f32 v9, v10;
	v10 =	vld [tilespmem:s5+$0x70];
	v12 =	vadd.f32 v13, v12  }
0x2cc: {  	s11 =	simm.s32 $0x0;
	v17, _, _ =	vpop (xrf2);
	v9 =	vld [tilespmem:s6+$0xB0];
	v13 =	vunpack.i.u.bf16.f32 v11;
	v11 =	vunpack.i.l.bf16.f32 v11;
	v15 =	vmul.bf16 v16, v15  }
0x2cd: {  	s13 =	simm.s32 $0xB200;
	s9 =	smov.u32 s14;
	[tilespmem:s14+$0x0] =	vst.msk vm0, v17;
	s6 =	smov.u32 s14;
	v14 =	vadd.f32 v14, v63;
	v13 =	vadd.f32 v11, v13;
	v11 =	vld [tilespmem:s5+$0xB0]  }
.LBB2_16:
0x2ce: {  	v16 =	vld [tilespmem:s13+$0xE0];
	v17 =	vunpack.i.u.bf16.f32 v15;
	v15 =	vunpack.i.l.bf16.f32 v15;
	v6 =	vmul.bf16 v8, v6  }
0x2cf: {  	v1 =	vadd.f32 v12, v1;
	s5 =	sadd.s32 $0x200, s5;
	v8 =	vld [tilespmem:s13+$0xC0];
	v12 =	vadd.f32 v15, v17;
	(xrf2) =	vadd.scan.msk.f32 $0xffff, v14  }
0x2d0: {  	v14 =	vld [tilespmem:s5+$0xC0];
	v15 =	vunpack.i.u.bf16.f32 v6;
	v6 =	vunpack.i.l.bf16.f32 v6;
	v7 =	vmul.bf16 v10, v7  }
0x2d1: {  	v2 =	vadd.f32 v13, v2;
	v10 =	vld [tilespmem:s13+$0xD0];
	v6 =	vadd.f32 v6, v15  }
0x2d2: {  	s11 =	sadd.s32 $0x8, s11;
	v13 =	vld [tilespmem:s5+$0xD0];
	v15 =	vunpack.i.u.bf16.f32 v7;
	v7 =	vunpack.i.l.bf16.f32 v7;
	v9 =	vmul.bf16 v11, v9;
	(xrf2) =	vadd.scan.msk.f32 $0xffff, v1  }
0x2d3: {  	p1 =	slt.u32 s11, $0x78;
	v11 =	vadd.f32 v12, v0;
	v1 =	vld [tilespmem:s5+$0xE0];
	v7 =	vadd.f32 v7, v15  }
0x2d4: {  	v4 =	vadd.f32 v6, v4;
	v0 =	vld [tilespmem:s5+$0xFFFFFF00];
	v6 =	vunpack.i.u.bf16.f32 v9;
	v9 =	vunpack.i.l.bf16.f32 v9  }
0x2d5: {  	v12 =	vld [tilespmem:s13+$0xF0];
	v5 =	vadd.f32 v7, v5;
	v6 =	vadd.f32 v9, v6;
	(xrf2) =	vadd.scan.msk.f32 $0xffff, v2  }
0x2d6: {  	v2 =	vmul.bf16 v14, v8;
	v7 =	vld [tilespmem:s5+$0xF0]  }
0x2d7: {  	v8 =	vld [tilespmem:s13+$0xFFFFFF10];
	v9 =	vmul.bf16 v13, v10;
	v3 =	vadd.f32 v6, v3  }
0x2d8: {  	v10 =	vunpack.i.u.bf16.f32 v2;
	v6 =	vld [tilespmem:s5+$0xFFFFFF10];
	v1 =	vmul.bf16 v1, v16;
	(xrf2) =	vadd.scan.msk.f32 $0xffff, v11  }
0x2d9: {  	v2 =	vunpack.i.l.bf16.f32 v2;
	v11 =	vld [tilespmem:s13+$0xFFFFFF40];
	v13 =	vunpack.i.u.bf16.f32 v9;
	v9 =	vunpack.i.l.bf16.f32 v9;
	v14, _, _ =	vpop (xrf2)  }
0x2da: {  	v2 =	vadd.f32 v2, v10;
	v15 =	vld [tilespmem:s5+$0xFFFFFF40];
	v16 =	vadd.f32 v9, v13;
	[tilespmem:s9+$0xFFFFFFF9] =	vst.msk vm0, v14  }
0x2db: {  	v13 =	vunpack.i.u.bf16.f32 v1;
	v1 =	vunpack.i.l.bf16.f32 v1;
	v10 =	vld [tilespmem:s13+$0xFFFFFF50];
	v7 =	vmul.bf16 v7, v12;
	(xrf2) =	vadd.scan.msk.f32 $0xffff, v4  }
0x2dc: {  	v1 =	vadd.f32 v1, v13;
	v4 =	vld [tilespmem:s5+$0xFFFFFF50];
	v2 =	vadd.f32 v16, v2;
	v9, _, _ =	vpop (xrf2)  }
0x2dd: {  	v6 =	vmul.bf16 v6, v8;
	v8 =	vld [tilespmem:s13+$0xFFFFFF80];
	v13 =	vunpack.i.u.bf16.f32 v7;
	v7 =	vunpack.i.l.bf16.f32 v7;
	[tilespmem:s9+$0xFFFFFFFA] =	vst.msk vm0, v9  }
0x2de: {  	v9 =	vld [tilespmem:s5+$0xFFFFFF80];
	v2 =	vadd.f32 v1, v2;
	v7 =	vadd.f32 v7, v13;
	(xrf2) =	vadd.scan.msk.f32 $0xffff, v5  }
0x2df: {  	v1 =	vunpack.i.u.bf16.f32 v6;
	v5 =	vunpack.i.l.bf16.f32 v6;
	v6 =	vmul.bf16 v15, v11;
	v11 =	vld [tilespmem:s13+$0xFFFFFF90];
	v12, _, _ =	vpop (xrf2)  }
0x2e0: {  	v1 =	vadd.f32 v5, v1;
	v5 =	vld [tilespmem:s5+$0xFFFFFF90];
	v13 =	vadd.f32 v7, v2;
	[tilespmem:s9+$0xFFFFFFFB] =	vst.msk vm0, v12  }
0x2e1: {  	v7 =	vunpack.i.u.bf16.f32 v6;
	v6 =	vunpack.i.l.bf16.f32 v6;
	v4 =	vmul.bf16 v4, v10;
	v10 =	vld [tilespmem:s13+$0xFFFFFFC0]  }
0x2e2: {  	v6 =	vadd.f32 v6, v7;
	v7 =	vld [tilespmem:s5+$0xFFFFFFC0];
	(xrf2) =	vadd.scan.msk.f32 $0xffff, v13;
	v2, _, _ =	vpop (xrf2)  }
0x2e3: {  	v12 =	vunpack.i.u.bf16.f32 v4;
	v4 =	vunpack.i.l.bf16.f32 v4;
	v8 =	vmul.bf16 v9, v8;
	v9 =	vld [tilespmem:s13+$0xFFFFFFD0];
	[tilespmem:s9+$0xFFFFFFFC] =	vst.msk vm0, v2  }
0x2e4: {  	v2 =	vadd.f32 v4, v12;
	v4 =	vld [tilespmem:s5+$0xFFFFFFD0]  }
0x2e5: {  	v12 =	vunpack.i.u.bf16.f32 v8;
	v8 =	vunpack.i.l.bf16.f32 v8;
	v5 =	vmul.bf16 v5, v11;
	v11 =	vld [tilespmem:s13+$0x0];
	v13, _, _ =	vpop (xrf2);
	(xrf2) =	vadd.scan.msk.f32 $0xffff, v3  }
0x2e6: {  	v2 =	vadd.f32 v2, v6;
	v3 =	vadd.f32 v8, v12;
	v6 =	vld [tilespmem:s5+$0x0];
	[tilespmem:s9+$0xFFFFFFFD] =	vst.msk vm0, v13  }
0x2e7: {  	v8 =	vunpack.i.u.bf16.f32 v5;
	v5 =	vunpack.i.l.bf16.f32 v5;
	v7 =	vmul.bf16 v7, v10;
	v10 =	vld [tilespmem:s13+$0x10]  }
0x2e8: {  	v5 =	vadd.f32 v5, v8;
	v8 =	vld [tilespmem:s5+$0x10];
	v12, _, _ =	vpop (xrf2)  }
0x2e9: {  	v13 =	vunpack.i.u.bf16.f32 v7;
	v7 =	vunpack.i.l.bf16.f32 v7;
	v4 =	vmul.bf16 v4, v9;
	v9 =	vld [tilespmem:s13+$0x40];
	[tilespmem:s9+$0xFFFFFFFE] =	vst.msk vm0, v12  }
0x2ea: {  	v3 =	vadd.f32 v5, v3;
	v5 =	vadd.f32 v7, v13;
	v7 =	vld [tilespmem:s5+$0x40]  }
0x2eb: {  	v12 =	vunpack.i.u.bf16.f32 v4;
	v4 =	vunpack.i.l.bf16.f32 v4;
	v6 =	vmul.bf16 v6, v11;
	v11 =	vld [tilespmem:s13+$0x50]  }
0x2ec: {  	s9 =	sadd.s32 $0x8, s9;
	v4 =	vadd.f32 v4, v12;
	v12 =	vld [tilespmem:s5+$0x50];
	v13, _, _ =	vpop (xrf2)  }
0x2ed: {  	v15 =	vunpack.i.u.bf16.f32 v6;
	v6 =	vunpack.i.l.bf16.f32 v6;
	v8 =	vmul.bf16 v8, v10;
	v10 =	vld [tilespmem:s13+$0x80];
	[tilespmem:s9+$0x0] =	vst.msk vm0, v13  }
0x2ee: {  	v4 =	vadd.f32 v4, v5;
	v5 =	vadd.f32 v6, v15;
	v6 =	vld [tilespmem:s5+$0x80]  }
0x2ef: {  	v13 =	vunpack.i.u.bf16.f32 v8;
	v8 =	vunpack.i.l.bf16.f32 v8;
	v7 =	vmul.bf16 v7, v9;
	v9 =	vld [tilespmem:s13+$0x90];
	v14, _, _ =	vpop (xrf2)  }
0x2f0: {  	v8 =	vadd.f32 v8, v13;
	v13 =	vld [tilespmem:s5+$0x90];
	[tilespmem:s6+$0xFFFFFFFF] =	vst.msk vm0, v14;
	s6 =	smov.u32 s9  }
0x2f1: {  	v14 =	vld [tilespmem:s13+$0xFFFFFF00];
	v15 =	vunpack.i.u.bf16.f32 v7;
	v7 =	vunpack.i.l.bf16.f32 v7;
	v11 =	vmul.bf16 v12, v11  }
0x2f2: {  	v12 =	vld [tilespmem:s13+$0xFFFFFF20];
	v5 =	vadd.f32 v8, v5;
	v7 =	vadd.f32 v7, v15  }
0x2f3: {  	v8 =	vld [tilespmem:s5+$0xFFFFFF20];
	v15 =	vunpack.i.u.bf16.f32 v11;
	v11 =	vunpack.i.l.bf16.f32 v11;
	v6 =	vmul.bf16 v6, v10  }
0x2f4: {  	v10 =	vld [tilespmem:s13+$0xFFFFFF60];
	v11 =	vadd.f32 v11, v15  }
0x2f5: {  	v15 =	vld [tilespmem:s5+$0xFFFFFF60];
	v16 =	vunpack.i.u.bf16.f32 v6;
	v6 =	vunpack.i.l.bf16.f32 v6;
	v9 =	vmul.bf16 v13, v9  }
0x2f6: {  	v0 =	vmul.bf16 v0, v14;
	v13 =	vld [tilespmem:s13+$0xFFFFFFA0];
	v7 =	vadd.f32 v11, v7;
	v6 =	vadd.f32 v6, v16  }
0x2f7: {  	v11 =	vld [tilespmem:s5+$0xFFFFFFA0];
	v14 =	vunpack.i.u.bf16.f32 v9;
	v9 =	vunpack.i.l.bf16.f32 v9  }
0x2f8: {  	v16 =	vunpack.i.u.bf16.f32 v0;
	v0 =	vunpack.i.l.bf16.f32 v0;
	v8 =	vmul.bf16 v8, v12;
	v12 =	vld [tilespmem:s13+$0xFFFFFFE0]  }
0x2f9: {  	v9 =	vadd.f32 v9, v14;
	v0 =	vadd.f32 v0, v16;
	v16 =	vld [tilespmem:s5+$0xFFFFFFE0]  }
0x2fa: {  	v14 =	vunpack.i.u.bf16.f32 v8;
	v8 =	vunpack.i.l.bf16.f32 v8;
	v10 =	vmul.bf16 v15, v10;
	v15 =	vld [tilespmem:s13+$0x20]  }
0x2fb: {  	v9 =	vadd.f32 v9, v6;
	v0 =	vadd.f32 v1, v0;
	v1 =	vld [tilespmem:s5+$0x20]  }
0x2fc: {  	v6 =	vunpack.i.u.bf16.f32 v10;
	v10 =	vunpack.i.l.bf16.f32 v10;
	v11 =	vmul.bf16 v11, v13;
	v13 =	vld [tilespmem:s13+$0x60]  }
0x2fd: {  	v8 =	vadd.f32 v8, v14;
	v6 =	vadd.f32 v10, v6;
	v10 =	vld [tilespmem:s5+$0x60]  }
0x2fe: {  	v14 =	vunpack.i.u.bf16.f32 v11;
	v11 =	vunpack.i.l.bf16.f32 v11;
	v12 =	vmul.bf16 v16, v12;
	v16 =	vld [tilespmem:s13+$0xA0]  }
0x2ff: {  	v17 =	vadd.f32 v8, v0;
	v0 =	vadd.f32 v11, v14;
	v8 =	vld [tilespmem:s5+$0xA0]  }
0x300: {  	v11 =	vld [tilespmem:s13+$0xFFFFFF30];
	v14 =	vunpack.i.u.bf16.f32 v12;
	v12 =	vunpack.i.l.bf16.f32 v12;
	v15 =	vmul.bf16 v1, v15  }
0x301: {  	v1 =	vadd.f32 v6, v2;
	v18 =	vld [tilespmem:s5+$0xFFFFFF30];
	v6 =	vadd.f32 v12, v14  }
0x302: {  	v12 =	vld [tilespmem:s13+$0xFFFFFF70];
	v14 =	vunpack.i.u.bf16.f32 v15;
	v15 =	vunpack.i.l.bf16.f32 v15;
	v10 =	vmul.bf16 v10, v13  }
0x303: {  	v2 =	vadd.f32 v0, v3;
	v13 =	vld [tilespmem:s5+$0xFFFFFF70];
	v3 =	vadd.f32 v15, v14  }
0x304: {  	v14 =	vld [tilespmem:s13+$0xFFFFFFB0];
	v15 =	vunpack.i.u.bf16.f32 v10;
	v10 =	vunpack.i.l.bf16.f32 v10;
	v8 =	vmul.bf16 v8, v16  }
0x305: {  	v0 =	vadd.f32 v6, v4;
	v16 =	vld [tilespmem:s5+$0xFFFFFFB0];
	v10 =	vadd.f32 v10, v15  }
0x306: {  	v6 =	vmul.bf16 v18, v11;
	v11 =	vld [tilespmem:s13+$0xFFFFFFF0];
	v15 =	vunpack.i.u.bf16.f32 v8;
	v8 =	vunpack.i.l.bf16.f32 v8  }
0x307: {  	v4 =	vadd.f32 v3, v5;
	v18 =	vld [tilespmem:s5+$0xFFFFFFF0];
	v3 =	vadd.f32 v8, v15  }
0x308: {  	v15 =	vunpack.i.u.bf16.f32 v6;
	v19 =	vunpack.i.l.bf16.f32 v6;
	v12 =	vmul.bf16 v13, v12;
	v6 =	vld [tilespmem:s13+$0x30]  }
.Ltmp11:
0x309: {  	v5 =	vadd.f32 v10, v7;
	v8 =	vld [tilespmem:s5+$0x30];
	v3 =	vadd.f32 v3, v9;
	(pc) =	sbr.rel @p1 .LBB2_16-.Ltmp11, $4  }
0x30a: {  	v9 =	vunpack.i.u.bf16.f32 v12;
	v10 =	vunpack.i.l.bf16.f32 v12;
	v13 =	vmul.bf16 v16, v14;
	v7 =	vld [tilespmem:s13+$0x70]  }
0x30b: {  	v14 =	vadd.f32 v19, v15;
	v12 =	vadd.f32 v10, v9;
	v10 =	vld [tilespmem:s5+$0x70]  }
0x30c: {  	v16 =	vunpack.i.u.bf16.f32 v13;
	v13 =	vunpack.i.l.bf16.f32 v13;
	v15 =	vmul.bf16 v18, v11;
	v9 =	vld [tilespmem:s13+$0xB0]  }
0x30d: {  	v14 =	vadd.f32 v14, v17;
	s13 =	sadd.s32 $0x200, s13;
	v13 =	vadd.f32 v13, v16;
	v11 =	vld [tilespmem:s5+$0xB0]  }
0x30e: {  	_ = 	snop  }
0x30f: {  	v16 =	vunpack.i.u.bf16.f32 v15;
	v49 =	vunpack.i.l.bf16.f32 v15;
	v6 =	vmul.bf16 v8, v6  }
0x310: {  	v1 =	vadd.f32 v12, v1;
	v50 =	vadd.f32 v49, v16  }
0x311: {  	v51 =	vunpack.i.u.bf16.f32 v6;
	v6 =	vunpack.i.l.bf16.f32 v6;
	v7 =	vmul.bf16 v10, v7  }
0x312: {  	v2 =	vadd.f32 v13, v2;
	v6 =	vadd.f32 v6, v51;
	v9 =	vmul.bf16 v11, v9  }
0x313: {  	(xrf2) =	vadd.scan.msk.f32 $0xffff, v14;
	v0 =	vadd.f32 v50, v0;
	v10 =	vunpack.i.u.bf16.f32 v7;
	v7 =	vunpack.i.l.bf16.f32 v7  }
0x314: {  	(xrf2) =	vadd.scan.msk.f32 $0xffff, v1;
	v52 =	vadd.f32 v7, v10;
	v53 =	vunpack.i.u.bf16.f32 v9;
	v54 =	vunpack.i.l.bf16.f32 v9  }
0x315: {  	(xrf2) =	vadd.scan.msk.f32 $0xffff, v2;
	v4 =	vadd.f32 v6, v4;
	v55 =	vadd.f32 v54, v53  }
0x316: {  	(xrf2) =	vadd.scan.msk.f32 $0xffff, v0;
	v1 =	vadd.f32 v52, v5  }
0x317: {  	(xrf2) =	vadd.scan.msk.f32 $0xffff, v4;
	v56 =	vadd.f32 v55, v3  }
0x318: {  	(xrf2) =	vadd.scan.msk.f32 $0xffff, v1  }
0x319: {  	(xrf2) =	vadd.scan.msk.f32 $0xffff, v56;
	_ =	sdelay $0x3  }
0x31a: {  	v57, _, _ =	vpop (xrf2)  }
0x31b: {  	v58, _, _ =	vpop (xrf2);
	[tilespmem:s9+$0xFFFFFFF9] =	vst.msk vm0, v57  }
0x31c: {  	v59, _, _ =	vpop (xrf2);
	[tilespmem:s9+$0xFFFFFFFA] =	vst.msk vm0, v58  }
.Ltmp12:
0x31d: {  	[tilespmem:s9+$0xFFFFFFFB] =	vst.msk vm0, v59;
	v60, _, _ =	vpop (xrf2);
	(pc) =	sbr.rel .LBB2_18-.Ltmp12, $4  }
0x31e: {  	[tilespmem:s9+$0xFFFFFFFC] =	vst.msk vm0, v60;
	v61, _, _ =	vpop (xrf2)  }
0x31f: {  	[tilespmem:s9+$0xFFFFFFFD] =	vst.msk vm0, v61;
	v62, _, _ =	vpop (xrf2)  }
0x320: {  	[tilespmem:s9+$0xFFFFFFFE] =	vst.msk vm0, v62;
	v63, _, _ =	vpop (xrf2)  }
0x321: {  	[tilespmem:s6+$0xFFFFFFFF] =	vst.msk vm0, v63  }
.LBB2_19:
0x322: {  	s6 =	simm.s32 $0x14F40  }
0x323: {  	v0 =	vld [tilespmem:s6+$0xFFFFFFC0]  }
0x324: {  	v1 =	vld [tilespmem:s6+$0xFFFFFFE0];
	_ =	sdelay $0x2  }
0x325: {  	v2 =	vld [tilespmem:s6+$0x20]  }
0x326: {  	v3 =	vld [tilespmem:s6+$0x30];
	v0 =	vsub.f32 $0.0e+00, v0  }
0x327: {  	v5 =	vld [tilespmem:s6+$0xFFFFFFF0];
	v1 =	vsub.f32 $0.0e+00, v1  }
0x328: {  	v4 =	vld [tilespmem:s6+$0x10];
	v0 =	vmul.f32 $1.442695020e+00, v0  }
0x329: {  	v1 =	vmul.f32 $1.442695020e+00, v1  }
0x32a: {  	s5 =	simm.s32 $0x14FC0;
	v6 =	vld [tilespmem:s6+$0xFFFFFFD0];
	(erf) = vpow2.f32 v0;
	v0 =	vsub.f32 $0.0e+00, v2  }
0x32b: {  	v7 =	vld [tilespmem:s5+$0x30];
	v2 =	vsub.f32 $0.0e+00, v3;
	(erf) = vpow2.f32 v1  }
0x32c: {  	v5 =	vsub.f32 $0.0e+00, v5;
	v1 =	vld [tilespmem:s6+$0x0];
	v0 =	vmul.f32 $1.442695020e+00, v0  }
0x32d: {  	v3 =	vsub.f32 $0.0e+00, v4;
	v4 =	vld [tilespmem:s5+$0xFFFFFFC0];
	v2 =	vmul.f32 $1.442695020e+00, v2  }
0x32e: {  	v5 =	vmul.f32 $1.442695020e+00, v5;
	(erf) = vpow2.f32 v0;
	v0 =	vld [tilespmem:s5+$0xFFFFFFE0]  }
0x32f: {  	v6 =	vsub.f32 $0.0e+00, v6;
	v3 =	vmul.f32 $1.442695020e+00, v3;
	(erf) = vpow2.f32 v2;
	v2 =	vld [tilespmem:s5+$0x20];
	_ =	sdelay $0x1  }
0x330: {  	v6 =	vmul.f32 $1.442695020e+00, v6;
	v1 =	vsub.f32 $0.0e+00, v1;
	(erf) = vpow2.f32 v3  }
0x331: {  	v3 =	vsub.f32 $0.0e+00, v4;
	(erf) = vpow2.f32 v5  }
0x332: {  	v4 =	vld [tilespmem:s5+$0x10];
	v1 =	vmul.f32 $1.442695020e+00, v1;
	(erf) = vpow2.f32 v6;
	v5 =	vpop (erf);
	v0 =	vsub.f32 $0.0e+00, v0  }
0x333: {  	v9 =	vld [tilespmem:s5+$0x0];
	v7 =	vsub.f32 $0.0e+00, v7;
	v3 =	vmul.f32 $1.442695020e+00, v3;
	v8 =	vpop (erf);
	v2 =	vsub.f32 $0.0e+00, v2  }
0x334: {  	v6 =	vld [tilespmem:s5+$0xFFFFFFF0];
	(erf) = vpow2.f32 v1;
	v8 =	vadd.f32 $1.000000000e+00, v8;
	v0 =	vmul.f32 $1.442695020e+00, v0  }
0x335: {  	v7 =	vmul.f32 $1.442695020e+00, v7;
	(erf) = vpow2.f32 v3  }
0x336: {  	s9 =	simm.s32 $0x15040;
	v2 =	vmul.f32 $1.442695020e+00, v2;
	(erf) = vrcp.f32 v8  }
0x337: {  	v10 =	vld [tilespmem:s9+$0xFFFFFFC0];
	v4 =	vsub.f32 $0.0e+00, v4;
	v3 =	vpop (erf);
	(erf) = vpow2.f32 v0  }
0x338: {  	v3 =	vadd.f32 $1.000000000e+00, v3;
	v0 =	vpop (erf);
	(erf) = vpow2.f32 v2;
	v2 =	vsub.f32 $0.0e+00, v9;
	v9 =	vld [tilespmem:s9+$0xFFFFFFE0]  }
0x339: {  	v1 =	vld [tilespmem:s5+$0xFFFFFFD0];
	v6 =	vsub.f32 $0.0e+00, v6;
	v4 =	vmul.f32 $1.442695020e+00, v4;
	v8 =	vpop (erf);
	(erf) = vpow2.f32 v7  }
0x33a: {  	v11 =	vld [tilespmem:s9+$0x30];
	v5 =	vadd.f32 $1.000000000e+00, v5;
	v7 =	vpop (erf);
	(erf) = vrcp.f32 v3  }
0x33b: {  	v15 =	vld [tilespmem:s9+$0xFFFFFFD0];
	v3 =	vmul.f32 $1.442695020e+00, v6;
	v6 =	vadd.f32 $1.000000000e+00, v8;
	v8 =	vpop (erf);
	(erf) = vpow2.f32 v4  }
0x33c: {  	v10 =	vsub.f32 $0.0e+00, v10;
	v4 =	vadd.f32 $1.000000000e+00, v8;
	(erf) = vrcp.f32 v5  }
0x33d: {  	v8 =	vld [tilespmem:s9+$0x20];
	(erf) = vpow2.f32 v3;
	v3 =	vmul.f32 $1.442695020e+00, v2;
	v2 =	vsub.f32 $0.0e+00, v9  }
0x33e: {  	v1 =	vsub.f32 $0.0e+00, v1;
	v5 =	vadd.f32 $1.000000000e+00, v7;
	v7 =	vpop (erf);
	v9 =	vld [tilespmem:s9+$0xFFFFFFF0]  }
0x33f: {  	v12 =	vld [tilespmem:s9+$0x10];
	v13 =	vpop (erf);
	(erf) = vrcp.f32 v4;
	v16 =	vmul.f32 $1.442695020e+00, v2;
	v2 =	vsub.f32 $0.0e+00, v11  }
0x340: {  	v62 =	vsub.f32 $0.0e+00, v15;
	v1 =	vmul.f32 $1.442695020e+00, v1;
	(erf) = vrcp.f32 v6;
	v4 =	vpop (erf)  }
0x341: {  	v0 =	vadd.f32 $1.000000000e+00, v0;
	(erf) = vrcp.f32 v5;
	v5 =	vmul.f32 $1.442695020e+00, v10;
	v11 =	vpop (erf)  }
0x342: {  	v14 =	vld [tilespmem:s9+$0x0];
	v8 =	vsub.f32 $0.0e+00, v8;
	(erf) = vpow2.f32 v1;
	v6 =	vmul.f32 $1.442695020e+00, v2;
	v10 =	vpop (erf)  }
0x343: {  	v1 =	vadd.f32 $1.000000000e+00, v11;
	(erf) = vrcp.f32 v0;
	v9 =	vsub.f32 $0.0e+00, v9;
	v2 =	vpop (erf)  }
0x344: {  	v17 =	vmul.f32 $1.442695020e+00, v8;
	(erf) = vpow2.f32 v3;
	v8 =	vsub.f32 $0.0e+00, v12;
	v11 =	vpop (erf)  }
0x345: {  	v7 =	vadd.f32 $1.000000000e+00, v7;
	(erf) = vpow2.f32 v5;
	v5 =	vmul.f32 $1.442695020e+00, v9;
	v61 =	vpop (erf)  }
0x346: {  	(erf) = vrcp.f32 v1;
	v8 =	vmul.f32 $1.442695020e+00, v8;
	v3 =	vpop (erf)  }
0x347: {  	[tilespmem:s6+$0xFFFFFFE0] =	vst v4;
	v0 =	vsub.f32 $0.0e+00, v14;
	v1 =	vmul.f32 $1.442695020e+00, v62;
	(erf) = vrcp.f32 v7;
	v9 =	vpop (erf)  }
0x348: {  	[tilespmem:s6+$0x20] =	vst v11;
	v11 =	vadd.f32 $1.000000000e+00, v10;
	v10 =	vadd.f32 $1.000000000e+00, v13;
	(erf) = vpow2.f32 v16;
	v63 =	vpop (erf)  }
0x349: {  	s10 =	simm.s32 $0x10;
	s11 =	simm.s32 $0x150C0;
	v4 =	vadd.f32 $1.000000000e+00, v61;
	(erf) = vpow2.f32 v17;
	v7 =	vadd.f32 $1.000000000e+00, v9;
	[tilespmem:s6+$0xFFFFFFD0] =	vst v63;
	v9 =	vpop (erf)  }
.LBB2_20:
0x34a: {  	v12 =	vld [tilespmem:s11+$0xFFFFFFE0];
	s10 =	sadd.s32 $0x8, s10;
	(erf) = vpow2.f32 v6;
	v13 =	vadd.f32 $1.000000000e+00, v2;
	[tilespmem:s6+$0x10] =	vst v9;
	v2 =	vpop (erf)  }
0x34b: {  	v6 =	vld [tilespmem:s11+$0xFFFFFFC0];
	p1 =	slt.u32 s10, $0x268;
	v9 =	vpop (erf);
	(erf) = vrcp.f32 v11  }
0x34c: {  	v11 =	vld [tilespmem:s11+$0x30];
	(erf) = vpow2.f32 v8;
	v15 =	vadd.f32 $1.000000000e+00, v9;
	[tilespmem:s6+$0xFFFFFFC0] =	vst v3;
	v3 =	vpop (erf)  }
0x34d: {  	v9 =	vld [tilespmem:s11+$0x20];
	(erf) = vrcp.f32 v10;
	v10 =	vpop (erf);
	[tilespmem:s6+$0x30] =	vst v3  }
0x34e: {  	v0 =	vmul.f32 $1.442695020e+00, v0;
	v3 =	vld [tilespmem:s11+$0x10];
	v14 =	vpop (erf);
	(erf) = vpow2.f32 v5;
	v10 =	vadd.f32 $1.000000000e+00, v10  }
0x34f: {  	v5 =	vsub.f32 $0.0e+00, v12;
	v12 =	vld [tilespmem:s11+$0xFFFFFFF0];
	(erf) = vrcp.f32 v15;
	v8 =	vpop (erf)  }
0x350: {  	v6 =	vsub.f32 $0.0e+00, v6;
	v15 =	vld [tilespmem:s11+$0x0];
	(erf) = vrcp.f32 v4;
	[tilespmem:s6+$0xFFFFFFF0] =	vst v2;
	v2 =	vpop (erf)  }
0x351: {  	v4 =	vld [tilespmem:s11+$0xFFFFFFD0];
	v16 =	vmul.f32 $1.442695020e+00, v5;
	v5 =	vsub.f32 $0.0e+00, v11;
	v11 =	vpop (erf);
	(erf) = vrcp.f32 v7;
	[tilespmem:s6+$0x0] =	vst v2;
	s6 =	smov.u32 s5;
	s5 =	smov.u32 s9;
	s9 =	smov.u32 s11  }
0x352: {  	v18 =	vmul.f32 $1.442695020e+00, v6;
	v9 =	vsub.f32 $0.0e+00, v9;
	(erf) = vpow2.f32 v1;
	v17 =	vpop (erf);
	[tilespmem:s6+$0xFFFFFFE0] =	vst v8  }
0x353: {  	v1 =	vadd.f32 $1.000000000e+00, v11;
	v6 =	vmul.f32 $1.442695020e+00, v5;
	v2 =	vpop (erf);
	(erf) = vrcp.f32 v13  }
0x354: {  	v5 =	vsub.f32 $0.0e+00, v12;
	v9 =	vmul.f32 $1.442695020e+00, v9;
	(erf) = vpow2.f32 v0;
	v8 =	vpop (erf)  }
.Ltmp13:
0x355: {  	v11 =	vsub.f32 $0.0e+00, v3;
	v0 =	vsub.f32 $0.0e+00, v15;
	(erf) = vpow2.f32 v18;
	v7 =	vpop (erf);
	[tilespmem:s6+$0x20] =	vst v8;
	(pc) =	sbr.rel @p1 .LBB2_20-.Ltmp13, $4  }
0x356: {  	v13 =	vsub.f32 $0.0e+00, v4;
	v5 =	vmul.f32 $1.442695020e+00, v5;
	(erf) = vrcp.f32 v1;
	v3 =	vpop (erf)  }
0x357: {  	v8 =	vmul.f32 $1.442695020e+00, v11;
	v4 =	vadd.f32 $1.000000000e+00, v7;
	v7 =	vpop (erf);
	(erf) = vrcp.f32 v10  }
0x358: {  	v11 =	vadd.f32 $1.000000000e+00, v17;
	v1 =	vmul.f32 $1.442695020e+00, v13;
	(erf) = vpow2.f32 v16;
	v12 =	vpop (erf)  }
0x359: {  	s11 =	sadd.s32 $0x80, s11;
	v10 =	vadd.f32 $1.000000000e+00, v14;
	v7 =	vadd.f32 $1.000000000e+00, v7;
	(erf) = vpow2.f32 v9;
	[tilespmem:s6+$0xFFFFFFD0] =	vst v12;
	v9 =	vpop (erf)  }
0x35a: {  	(erf) = vpow2.f32 v6;
	v32 =	vpop (erf)  }
0x35b: {  	v12 =	vpop (erf);
	(erf) = vrcp.f32 v11  }
0x35c: {  	(erf) = vpow2.f32 v8;
	v33 =	vpop (erf)  }
0x35d: {  	v34 =	vadd.f32 $1.000000000e+00, v12;
	(erf) = vrcp.f32 v10;
	v35 =	vpop (erf)  }
0x35e: {  	v36 =	vpop (erf);
	(erf) = vpow2.f32 v5  }
0x35f: {  	(erf) = vrcp.f32 v34;
	v37 =	vpop (erf)  }
0x360: {  	(erf) = vrcp.f32 v4;
	v38 =	vpop (erf)  }
0x361: {  	v39 =	vpop (erf);
	(erf) = vrcp.f32 v7  }
0x362: {  	(erf) = vpow2.f32 v1;
	v40 =	vpop (erf)  }
0x363: {  	v2 =	vadd.f32 $1.000000000e+00, v2;
	v41 =	vpop (erf)  }
0x364: {  	v0 =	vmul.f32 $1.442695020e+00, v0;
	v13 =	vpop (erf)  }
0x365: {  	(erf) = vrcp.f32 v2;
	v14 =	vpop (erf)  }
0x366: {  	(erf) = vpow2.f32 v0;
	v42 =	vpop (erf)  }
0x367: {  	v11 =	vadd.f32 $1.000000000e+00, v39;
	v43 =	vpop (erf)  }
0x368: {  	[tilespmem:s6+$0x10] =	vst v9;
	v15 =	vpop (erf)  }
0x369: {  	[tilespmem:s6+$0xFFFFFFC0] =	vst v3;
	v44 =	vadd.f32 $1.000000000e+00, v35;
	(erf) = vrcp.f32 v11;
	v45 =	vpop (erf)  }
0x36a: {  	[tilespmem:s6+$0xFFFFFFF0] =	vst v32;
	v1 =	vadd.f32 $1.000000000e+00, v40;
	v46 =	vpop (erf)  }
0x36b: {  	[tilespmem:s6+$0x30] =	vst v33;
	v47 =	vadd.f32 $1.000000000e+00, v36;
	(erf) = vrcp.f32 v44;
	v48 =	vpop (erf)  }
0x36c: {  	[tilespmem:s5+$0xFFFFFFE0] =	vst v37;
	(erf) = vrcp.f32 v1;
	v49 =	vadd.f32 $1.000000000e+00, v48  }
0x36d: {  	[tilespmem:s6+$0x0] =	vst v38;
	v50 =	vadd.f32 $1.000000000e+00, v14;
	(erf) = vrcp.f32 v47  }
0x36e: {  	[tilespmem:s5+$0x20] =	vst v13;
	v0 =	vadd.f32 $1.000000000e+00, v43;
	v52 =	vpop (erf);
	(erf) = vrcp.f32 v49  }
0x36f: {  	v51 =	vadd.f32 $1.000000000e+00, v41;
	[tilespmem:s5+$0xFFFFFFC0] =	vst v42;
	v53 =	vpop (erf);
	(erf) = vrcp.f32 v50  }
0x370: {  	[tilespmem:s5+$0xFFFFFFD0] =	vst v15;
	v54 =	vadd.f32 $1.000000000e+00, v53;
	(erf) = vrcp.f32 v0  }
0x371: {  	[tilespmem:s5+$0x10] =	vst v45;
	(erf) = vrcp.f32 v51  }
0x372: {  	[tilespmem:s5+$0xFFFFFFF0] =	vst v46;
	v55 =	vpop (erf);
	(erf) = vrcp.f32 v54  }
0x373: {  	[tilespmem:s5+$0x30] =	vst v52  }
0x374: {  	v56 =	vpop (erf);
	[tilespmem:s9+$0xFFFFFFE0] =	vst v55  }
0x375: {  	[tilespmem:s5+$0x0] =	vst v56;
	v57 =	vpop (erf)  }
0x376: {  	v58 =	vpop (erf);
	[tilespmem:s9+$0x20] =	vst v57  }
0x377: {  	[tilespmem:s9+$0xFFFFFFC0] =	vst v58;
	v59 =	vpop (erf)  }
.Ltmp14:
0x378: {  	[tilespmem:s9+$0xFFFFFFD0] =	vst v59;
	v60 =	vpop (erf);
	(pc) =	sbr.rel @p0 .LBB2_23-.Ltmp14, $4  }
0x379: {  	[tilespmem:s9+$0x10] =	vst v60;
	v61 =	vpop (erf)  }
0x37a: {  	v62 =	vpop (erf);
	[tilespmem:s9+$0xFFFFFFF0] =	vst v61  }
0x37b: {  	[tilespmem:s9+$0x30] =	vst v62;
	v63 =	vpop (erf)  }
0x37c: {  	s14 =	simm.s32 $0x2780;
	[tilespmem:s9+$0x0] =	vst v63  }
0x37d: {  	v0 =	vld [tilespmem:$0x17600];
	_ =	sdelay $0x4  }
0x37e: {  	v0 =	vsub.f32 $0.0e+00, v0;
	_ =	sdelay $0x1  }
0x37f: {  	v0 =	vmul.f32 $1.442695020e+00, v0;
	_ =	sdelay $0x1  }
0x380: {  	(erf) = vpow2.f32 v0;
	_ =	sdelay $0x3  }
0x381: {  	v54 =	vld [tilespmem:$0x17610];
	_ =	sdelay $0x4  }
0x382: {  	v0 =	vsub.f32 $0.0e+00, v54;
	v1 =	vpop (erf)  }
0x383: {  	v1 =	vadd.f32 $1.000000000e+00, v1  }
0x384: {  	v0 =	vmul.f32 $1.442695020e+00, v0  }
0x385: {  	(erf) = vrcp.f32 v1  }
0x386: {  	(erf) = vpow2.f32 v0;
	_ =	sdelay $0x3  }
0x387: {  	v55 =	vld [tilespmem:$0x17620];
	_ =	sdelay $0x3  }
0x388: {  	v1 =	vpop (erf)  }
0x389: {  	v0 =	vsub.f32 $0.0e+00, v55;
	v2 =	vpop (erf)  }
0x38a: {  	v2 =	vadd.f32 $1.000000000e+00, v2  }
0x38b: {  	v0 =	vmul.f32 $1.442695020e+00, v0  }
0x38c: {  	(erf) = vrcp.f32 v2  }
0x38d: {  	(erf) = vpow2.f32 v0;
	_ =	sdelay $0x3  }
0x38e: {  	v56 =	vld [tilespmem:$0x17630];
	_ =	sdelay $0x3  }
0x38f: {  	v2 =	vpop (erf)  }
0x390: {  	v0 =	vsub.f32 $0.0e+00, v56;
	v3 =	vpop (erf)  }
0x391: {  	v3 =	vadd.f32 $1.000000000e+00, v3  }
0x392: {  	v0 =	vmul.f32 $1.442695020e+00, v0  }
0x393: {  	(erf) = vrcp.f32 v3  }
0x394: {  	(erf) = vpow2.f32 v0;
	_ =	sdelay $0x3  }
0x395: {  	v57 =	vld [tilespmem:$0x17640];
	_ =	sdelay $0x3  }
0x396: {  	v3 =	vpop (erf)  }
0x397: {  	v0 =	vsub.f32 $0.0e+00, v57;
	v4 =	vpop (erf)  }
0x398: {  	v4 =	vadd.f32 $1.000000000e+00, v4  }
0x399: {  	v0 =	vmul.f32 $1.442695020e+00, v0  }
0x39a: {  	(erf) = vrcp.f32 v4  }
0x39b: {  	(erf) = vpow2.f32 v0;
	_ =	sdelay $0x3  }
0x39c: {  	v58 =	vld [tilespmem:$0x17650];
	_ =	sdelay $0x3  }
0x39d: {  	v4 =	vpop (erf)  }
0x39e: {  	v0 =	vsub.f32 $0.0e+00, v58;
	v5 =	vpop (erf)  }
0x39f: {  	v5 =	vadd.f32 $1.000000000e+00, v5  }
0x3a0: {  	v0 =	vmul.f32 $1.442695020e+00, v0  }
0x3a1: {  	(erf) = vrcp.f32 v5  }
0x3a2: {  	(erf) = vpow2.f32 v0;
	_ =	sdelay $0x3  }
0x3a3: {  	v59 =	vld [tilespmem:$0x17660];
	_ =	sdelay $0x3  }
0x3a4: {  	v5 =	vpop (erf)  }
0x3a5: {  	v0 =	vsub.f32 $0.0e+00, v59;
	v6 =	vpop (erf)  }
0x3a6: {  	v6 =	vadd.f32 $1.000000000e+00, v6  }
0x3a7: {  	v0 =	vmul.f32 $1.442695020e+00, v0  }
0x3a8: {  	(erf) = vrcp.f32 v6  }
0x3a9: {  	(erf) = vpow2.f32 v0;
	_ =	sdelay $0x3  }
0x3aa: {  	v60 =	vld [tilespmem:$0x17670];
	_ =	sdelay $0x3  }
0x3ab: {  	v6 =	vpop (erf)  }
0x3ac: {  	v0 =	vsub.f32 $0.0e+00, v60;
	v7 =	vpop (erf)  }
0x3ad: {  	v7 =	vadd.f32 $1.000000000e+00, v7  }
0x3ae: {  	v0 =	vmul.f32 $1.442695020e+00, v0  }
0x3af: {  	(erf) = vrcp.f32 v7  }
0x3b0: {  	(erf) = vpow2.f32 v0;
	_ =	sdelay $0x7  }
0x3b1: {  	v61 =	vpop (erf)  }
0x3b2: {  	v62 =	vpop (erf)  }
0x3b3: {  	v7 =	vadd.f32 $1.000000000e+00, v62;
	_ =	sdelay $0x1  }
0x3b4: {  	(erf) = vrcp.f32 v7;
	_ =	sdelay $0x2  }
0x3b5: {  	[tilespmem:$0x17600] =	vst v1  }
0x3b6: {  	[tilespmem:$0x17610] =	vst v2  }
0x3b7: {  	[tilespmem:$0x17620] =	vst v3  }
0x3b8: {  	[tilespmem:$0x17630] =	vst v4  }
0x3b9: {  	[tilespmem:$0x17640] =	vst v5  }
0x3ba: {  	[tilespmem:$0x17650] =	vst v6  }
0x3bb: {  	[tilespmem:$0x17660] =	vst v61;
	v63 =	vpop (erf)  }
0x3bc: {  	s5 =	rddreg [dreg:$0x8];
	s6 =	simm.s32 $0x14F00;
	[tilespmem:$0x17670] =	vst v63  }
0x3bd: {  	[hbm4b:s5+s3] =	stream.linear.scatter [tilespmem:s6], [sflag:$0xB], $0x2700, $0x38;
	[tilespmem:$0x1D450] =	vst v63  }
0x3be: {  	_ =	swait.ge [sflag:s16], $0x2700  }
0x3bf: {  	s30 =	simm.s32 $0x17600;
	[sflag:s16] =	ssyncset.done $0x0  }
.Ltmp15:
0x3c0: {  	s29 =	rddreg [dreg:$0x9];
	[sflag:s16] =	ssyncadd.s32 $0xFFFFD900;
	(pc) =	sbr.rel .LBB2_24-.Ltmp15, $4  }
0x3c1: {  	[hbm4b:s29+s3] =	stream.linear.scatter [tilespmem:s30], [sflag:$0xB], $0x80, $0x38;
	[tilespmem:$0x1D450] =	vst v63  }
0x3c2: {  	_ =	swait.ge [sflag:s16], $0x80  }
0x3c3: {  	[sflag:s16] =	ssyncset.done $0x0  }
0x3c4: {  	[sflag:s16] =	ssyncadd.s32 $0xFFFFFF80  }
.LBB2_25:
0x3c5: {  	_ =	sfence.sel $0x180000  }
0x3c6: {  	[bflag:$0x0] =	sbarrier.arrive $0xFFFF  }
0x3c7: {  	_ =	strace $0x90000047  }
0x3c8: {  	s0 =	stileid.u32;
	[bflag:$0x2] =	sbarrier.arrive $0xFFFF  }
0x3c9: {  	p0 =	sne.s32 s0, $0x0;
	s0 =	rddreg [dreg:$0x3]  }
0x3ca: {  	s0 =	sadd.s32 @!p0 $0x100000, s0  }
0x3cb: {  	[sflag:s0] =	ssyncadd.tile.s32 @!p0 $0x1;
	_ =	shalt  }
.Lfunc_end2:
_tile_overlayer_lowered:
.L_overlay_start_2:
0x3cc: {  	(tag) =	ssettag $0x2  }
0x3cd: {  	s0 =	rddreg [dreg:$0x0];
	s2 =	stileid.u32  }
0x3ce: {  	s1 =	rddreg [dreg:$0x1];
	p0 =	sne.s32 s2, $0x0  }
0x3cf: {  	s3 =	rddreg [dreg:$0x2];
	[bflag:$0x3] =	sbarrier.arrive $0xFFFF;
	s2 =	simm.s32 @!p0 $0x1C0B  }
0x3d0: {  	[timem:s3], [sflag:s2] =	dma.local @!p0 [hbm:s0], s1  }
0x3d1: {  	s0 =	simm.s32 @!p0 $0xB  }
0x3d2: {  	_ =	swait.ge @!p0 [sflag:s0], s1  }
0x3d3: {  	s1 =	ssub.s32 @!p0 $0x0, s1;
	[sflag:s0] =	ssyncset.done @!p0 $0x0  }
0x3d4: {  	[sflag:s0] =	ssyncadd.s32 @!p0 s1  }
0x3d5: {  	[bflag:$0x3] =	sbarrier.arrive $0xFFFF  }
0x3d6: {  	_ =	shalt  }

</sc_bundles>
